<compile_context>
chip_gen: v7x
topology: tpu7x:2x2x1
jax: 0.10.2.dev20260603
libtpu: 0.0.44.dev20260713+nightly
codegen_flags: <defaults>
</compile_context>

<pallas_src>
import functools

import jax
import jax.numpy as jnp
from jax import lax
from jax.experimental import pallas as pl
from jax.experimental.pallas import tpu as pltpu
from jax.experimental.pallas import tpu_sc as plsc

NC, NS = 2, 16
NT = NC * NS
K = 128


def _sc_mesh():
    return plsc.VectorSubcoreMesh(core_axis_name="c", subcore_axis_name="s")


def _make_deg(NP, E, N):
    RPT = NP // NS
    EPT = E // NT
    C = -(-EPT // K)
    EP = C * K

    @functools.partial(
        pl.kernel,
        out_type=jax.ShapeDtypeStruct((NC * NP,), jnp.float32),
        mesh=_sc_mesh(),
        compiler_params=pltpu.CompilerParams(use_tc_tiling_on_sc=False),
        scratch_types=[
            pltpu.VMEM((EP,), jnp.int32),
            pltpu.VMEM((K,), jnp.float32),
            pltpu.VMEM((RPT,), jnp.float32),
            pltpu.VMEM_SHARED((NP,), jnp.float32),
            pltpu.SemaphoreType.DMA,
        ],
    )
    def deg_kernel(ei_hbm, deg_hbm, dst_v, ones_v, zeros_v, deg_sh, sem):
        c = lax.axis_index("c")
        s = lax.axis_index("s")
        tid = s * NC + c
        for i in range(K // 16):
            ones_v[pl.ds(i * 16, 16)] = jnp.ones((16,), jnp.float32)

        def zfill(i, carry):
            zeros_v[pl.ds(i * 16, 16)] = jnp.zeros((16,), jnp.float32)
            return carry

        lax.fori_loop(0, RPT // 16, zfill, 0)
        pltpu.sync_copy(zeros_v, deg_sh.at[pl.ds(s * RPT, RPT)])
        pltpu.sync_copy(ei_hbm.at[1, pl.ds(tid * EPT, EPT)],
                        dst_v.at[pl.ds(0, EPT)])
        for i in range((EP - EPT) // 16):
            dst_v[pl.ds(EPT + i * 16, 16)] = jnp.full((16,), N, jnp.int32)
        plsc.subcore_barrier()

        def fire(j, carry):
            pltpu.async_copy(ones_v, deg_sh.at[dst_v.at[pl.ds(j * K, K)]],
                             sem, add=True)
            return carry

        lax.fori_loop(0, C, fire, 0)

        pltpu.make_async_copy(deg_hbm.at[pl.ds(0, EP)], dst_v, sem).wait()
        plsc.subcore_barrier()
        pltpu.sync_copy(deg_sh.at[pl.ds(s * RPT, RPT)],
                        deg_hbm.at[pl.ds(c * NP + s * RPT, RPT)])

    return deg_kernel


def _make_agg(NP, E, N, HH):
    RPT = NP // NS
    NZ = RPT // K
    NB = 12
    LA = 6
    EPT = E // NS
    C2 = -(-EPT // K)
    EP = C2 * K

    @functools.partial(
        pl.kernel,
        out_type=jax.ShapeDtypeStruct((NP, 2 * HH), jnp.bfloat16),
        mesh=_sc_mesh(),
        compiler_params=pltpu.CompilerParams(use_tc_tiling_on_sc=False),
        scratch_types=[
            pltpu.VMEM((EP,), jnp.int32),
            pltpu.VMEM((EP,), jnp.int32),
            pltpu.VMEM((NB, K, HH), jnp.bfloat16),
            pltpu.VMEM_SHARED((NP, HH), jnp.bfloat16),
            pltpu.SemaphoreType.DMA((NB,)),
            pltpu.SemaphoreType.DMA((NB,)),
        ],
    )
    def agg_kernel(hs_hbm, ei_hbm, out_hbm,
                   src_v, dst_v, rows_v, agg_sh, gsem, ssem):
        c = lax.axis_index("c")
        s = lax.axis_index("s")
        def zrow(i, carry):
            rows_v[0, i, pl.ds(0, 32)] = jnp.zeros((32,), jnp.bfloat16)
            rows_v[0, i, pl.ds(32, 32)] = jnp.zeros((32,), jnp.bfloat16)
            return carry

        lax.fori_loop(0, K, zrow, 0)
        for q in range(NZ):
            pltpu.async_copy(rows_v.at[0],
                             agg_sh.at[pl.ds(s * RPT + q * K, K)],
                             ssem.at[0], add=False)
        pltpu.sync_copy(ei_hbm.at[0, pl.ds(s * EPT, EPT)],
                        src_v.at[pl.ds(0, EPT)])
        pltpu.sync_copy(ei_hbm.at[1, pl.ds(s * EPT, EPT)],
                        dst_v.at[pl.ds(0, EPT)])
        for i in range((EP - EPT) // 16):
            src_v[pl.ds(EPT + i * 16, 16)] = jnp.zeros((16,), jnp.int32)
            dst_v[pl.ds(EPT + i * 16, 16)] = jnp.full((16,), N, jnp.int32)

        for q in range(NZ):
            pltpu.make_async_copy(
                hs_hbm.at[0].at[pl.ds(0, K)], rows_v.at[0], ssem.at[0]).wait()
        plsc.subcore_barrier()
        half = hs_hbm.at[c]

        def gfire(j, b):
            pltpu.async_copy(half.at[src_v.at[pl.ds(j * K, K)]],
                             rows_v.at[b], gsem.at[b])

        def gwait(b):
            pltpu.make_async_copy(
                half.at[pl.ds(0, K)], rows_v.at[b], gsem.at[b]).wait()

        def sfire(j, b):
            pltpu.async_copy(rows_v.at[b], agg_sh.at[dst_v.at[pl.ds(j * K, K)]],
                             ssem.at[b], add=True)

        def swait(b):
            pltpu.make_async_copy(
                half.at[pl.ds(0, K)], rows_v.at[b], ssem.at[b]).wait()

        for j in range(LA):
            gfire(j, j % NB)

        def body(j, carry):
            b = lax.rem(j, NB)
            bf = lax.rem(j + LA, NB)

            @pl.when(j + LA < C2)
            def _fire():
                @pl.when(j + LA >= NB)
                def _drain():
                    swait(bf)
                gfire(j + LA, bf)

            gwait(b)
            sfire(j, b)
            return carry

        lax.fori_loop(0, C2, body, 0)
        for b in range(NB):
            swait(b)
        plsc.subcore_barrier()
        for q in range(NZ):
            pltpu.sync_copy(agg_sh.at[pl.ds(s * RPT + q * K, K)],
                            out_hbm.at[pl.ds(s * RPT + q * K, K),
                                       pl.ds(c * HH, HH)])

    return agg_kernel


def _dinv_rows(deg0, deg1):
    degsum = (deg0[...] + deg1[...] + 1.0).reshape(-1, 128)
    dinv = lax.rsqrt(degsum)
    r = lax.broadcasted_iota(jnp.int32, (128, 128), 0)
    f = lax.broadcasted_iota(jnp.int32, (128, 128), 1)
    eye = jnp.where(r == f, 1.0, 0.0).astype(jnp.float32)
    ones = jnp.ones((128, 128), jnp.float32)
    parts = []
    for q in range(dinv.shape[0]):
        diag = eye * dinv[q][None, :]
        parts.append(jnp.dot(diag, ones, preferred_element_type=jnp.float32))
    return jnp.concatenate(parts, axis=0)


def _mm_body(x_ref, w_ref, deg0_ref, deg1_ref, hs_ref):
    h = jnp.dot(x_ref[...], w_ref[...], preferred_element_type=jnp.float32)
    hs = (h * _dinv_rows(deg0_ref, deg1_ref)).astype(jnp.bfloat16)
    HH = hs.shape[1] // 2
    hs_ref[0] = hs[:, :HH]
    hs_ref[1] = hs[:, HH:]


def _make_mm(N, NP, D, H, BM):
    QB = BM // 128
    return pl.pallas_call(
        _mm_body,
        grid=(NP // BM,),
        in_specs=[
            pl.BlockSpec((BM, D), lambda i: (i, 0)),
            pl.BlockSpec((D, H), lambda i: (0, 0)),
            pl.BlockSpec((BM,), lambda i: (i,)),
            pl.BlockSpec((BM,), lambda i, _o=NP // BM: (i + _o,)),
        ],
        out_specs=pl.BlockSpec((NC, BM, H // 2), lambda i: (0, i, 0)),
        out_shape=jax.ShapeDtypeStruct((NC, NP, H // 2), jnp.bfloat16),
    )


def _ep_body(agg_ref, hs_ref, deg0_ref, deg1_ref, b_ref, a_ref, out_ref):
    hs = jnp.concatenate([hs_ref[0], hs_ref[1]], axis=1).astype(jnp.float32)
    z = (_dinv_rows(deg0_ref, deg1_ref)
         * (agg_ref[...].astype(jnp.float32) + hs) + b_ref[...])
    out_ref[...] = jnp.where(z >= 0, z, a_ref[...] * z)


def _make_ep(N, NP, H, BM):
    QB = BM // 128
    return pl.pallas_call(
        _ep_body,
        grid=(NP // BM,),
        in_specs=[
            pl.BlockSpec((BM, H), lambda i: (i, 0)),
            pl.BlockSpec((NC, BM, H // 2), lambda i: (0, i, 0)),
            pl.BlockSpec((BM,), lambda i: (i,)),
            pl.BlockSpec((BM,), lambda i, _o=NP // BM: (i + _o,)),
            pl.BlockSpec((1, H), lambda i: (0, 0)),
            pl.BlockSpec((1, H), lambda i: (0, 0)),
        ],
        out_specs=pl.BlockSpec((BM, H), lambda i: (i, 0)),
        out_shape=jax.ShapeDtypeStruct((N, H), jnp.float32),
    )


def kernel(x, edge_index, W, b, prelu_a):
    N, D = x.shape
    H = W.shape[1]
    E = edge_index.shape[1]

    NP = (N // 2048 + 1) * 2048

    deg_p = _make_deg(NP, E, N)(edge_index)
    hs = _make_mm(N, NP, D, H, 1024)(x, W, deg_p, deg_p)
    agg = _make_agg(NP, E, N, H // 2)(hs, edge_index)
    return _make_ep(N, NP, H, 1024)(
        agg, hs, deg_p, deg_p, b.reshape(1, H),
        jnp.broadcast_to(prelu_a.reshape(1, 1), (1, H)))

# --- scband reference (transcript-rebuilt; emitter-appended) ---
"""Pipeline reference for scband-afgrlencoder-old-2662879724174 (READ-ONLY COPY).

The authoritative reference and input builder live on the scoring server;
editing this copy changes nothing except your own understanding.
"""

import jax, jax.numpy as jnp
import numpy as np


def setup_inputs(seed: int = 0) -> dict:
    key = jax.random.key(seed)
    k1, k2, k3, k4 = jax.random.split(key, 4)
    N, E, D, H = 10000, 320000, 128, 128
    x = jax.random.normal(k1, (N, D), dtype=jnp.float32)
    edge_index = jax.random.randint(k2, (2, E), 0, N, dtype=jnp.int32)
    # Xavier-uniform init for the GCN linear weight (as in _weights_init)
    limit = float(np.sqrt(6.0 / (D + H)))
    W = jax.random.uniform(k3, (D, H), minval=-limit, maxval=limit, dtype=jnp.float32)
    b = jnp.zeros((H,), dtype=jnp.float32)
    # PReLU single learnable parameter, torch default init 0.25
    prelu_a = jnp.full((1,), 0.25, dtype=jnp.float32)
    return {"x": x, "edge_index": edge_index, "W": W, "b": b, "prelu_a": prelu_a}


def reference(x, edge_index, W, b, prelu_a):
    # GCNConv (PyG semantics): x @ W, symmetric normalization with added
    # self-loops (edge_weight=None -> all ones), scatter-add aggregation,
    # then bias; finally PReLU activation (AFGRLEncoder_old.act).
    N = x.shape[0]
    loop = jnp.arange(N, dtype=edge_index.dtype)
    src = jnp.concatenate([edge_index[0], loop])
    dst = jnp.concatenate([edge_index[1], loop])
    h = x @ W
    ones = jnp.ones(src.shape[0], dtype=x.dtype)
    deg = jnp.zeros((N,), dtype=x.dtype).at[dst].add(ones)
    dinv = jnp.where(deg > 0, jax.lax.rsqrt(deg), jnp.zeros_like(deg))
    norm = dinv[src] * dinv[dst]
    msg = h[src] * norm[:, None]
    agg = jnp.zeros_like(h).at[dst].add(msg)
    out = agg + b
    # PReLU with a single shared parameter
    return jnp.where(out >= 0, out, prelu_a[0] * out)

if __name__ == "__main__":
    import jax
    _d = setup_inputs()
    print(jax.jit(kernel)(*tuple(_d.values())))

</pallas_src>

<mosaic_0001>
#map = affine_map<(d0, d1) -> (0, 0)>
#map1 = affine_map<(d0, d1) -> (0)>
module attributes {stable_mosaic.version = 14 : i64} {
  func.func @deg_kernel(%arg0: i32, %arg1: i32, %arg2: memref<2x320000xi32, #tpu.memory_space<hbm>>, %arg3: memref<20480xf32, #tpu.memory_space<hbm>>, %arg4: memref<10112xi32, #tpu.memory_space<vmem>>, %arg5: memref<128xf32, #tpu.memory_space<vmem>>, %arg6: memref<640xf32, #tpu.memory_space<vmem>>, %arg7: memref<10240xf32, #tpu.memory_space<vmem_shared>>, %arg8: memref<!tpu.dma_semaphore, #tpu.memory_space<semaphore_mem>>) attributes {dimension_semantics = [#tpu.dimension_semantics<core_parallel>, #tpu.dimension_semantics<subcore_parallel>], iteration_bounds = array<i64: 2, 16>, scalar_prefetch = 0 : i64, scratch_operands = 5 : i64, tpu.core_type = #tpu.core_type<sc_vector_subcore>, window_params = [{transform_indices = #map}, {transform_indices = #map1}]} {
    %mul3A = arith.constant 2 : i32
    %mul3A_0 = arith.muli %arg1, %mul3A : i32
    %add3A = arith.addi %mul3A_0, %arg0 : i32
    %broadcast_in_dim3A = arith.constant 1.000000e+00 : f32
    %broadcast_in_dim3A_1 = vector.broadcast %broadcast_in_dim3A : f32 to vector<16xf32>
    %swap3A = arith.constant 0 : index
    %swap3A_2 = tpu.vector_load %arg5[%swap3A] {strides = array<i32>} : memref<128xf32, #tpu.memory_space<vmem>>, vector<16xf32>,
    %swap3A_3 = vector.shape_cast %swap3A_2 : vector<16xf32> to vector<16xf32>
    %swap3A_4 = vector.shape_cast %broadcast_in_dim3A_1 : vector<16xf32> to vector<16xf32>
    tpu.vector_store %arg5[%swap3A], %swap3A_4 {strides = array<i32>} : memref<128xf32, #tpu.memory_space<vmem>>, vector<16xf32>,
    %broadcast_in_dim3A_5 = arith.constant 1.000000e+00 : f32
    %broadcast_in_dim3A_6 = vector.broadcast %broadcast_in_dim3A_5 : f32 to vector<16xf32>
    %swap3A_7 = arith.constant 16 : index
    %swap3A_8 = tpu.vector_load %arg5[%swap3A_7] {strides = array<i32>} : memref<128xf32, #tpu.memory_space<vmem>>, vector<16xf32>,
    %swap3A_9 = vector.shape_cast %swap3A_8 : vector<16xf32> to vector<16xf32>
    %swap3A_10 = vector.shape_cast %broadcast_in_dim3A_6 : vector<16xf32> to vector<16xf32>
    tpu.vector_store %arg5[%swap3A_7], %swap3A_10 {strides = array<i32>} : memref<128xf32, #tpu.memory_space<vmem>>, vector<16xf32>,
    %broadcast_in_dim3A_11 = arith.constant 1.000000e+00 : f32
    %broadcast_in_dim3A_12 = vector.broadcast %broadcast_in_dim3A_11 : f32 to vector<16xf32>
    %swap3A_13 = arith.constant 32 : index
    %swap3A_14 = tpu.vector_load %arg5[%swap3A_13] {strides = array<i32>} : memref<128xf32, #tpu.memory_space<vmem>>, vector<16xf32>,
    %swap3A_15 = vector.shape_cast %swap3A_14 : vector<16xf32> to vector<16xf32>
    %swap3A_16 = vector.shape_cast %broadcast_in_dim3A_12 : vector<16xf32> to vector<16xf32>
    tpu.vector_store %arg5[%swap3A_13], %swap3A_16 {strides = array<i32>} : memref<128xf32, #tpu.memory_space<vmem>>, vector<16xf32>,
    %broadcast_in_dim3A_17 = arith.constant 1.000000e+00 : f32
    %broadcast_in_dim3A_18 = vector.broadcast %broadcast_in_dim3A_17 : f32 to vector<16xf32>
    %swap3A_19 = arith.constant 48 : index
    %swap3A_20 = tpu.vector_load %arg5[%swap3A_19] {strides = array<i32>} : memref<128xf32, #tpu.memory_space<vmem>>, vector<16xf32>,
    %swap3A_21 = vector.shape_cast %swap3A_20 : vector<16xf32> to vector<16xf32>
    %swap3A_22 = vector.shape_cast %broadcast_in_dim3A_18 : vector<16xf32> to vector<16xf32>
    tpu.vector_store %arg5[%swap3A_19], %swap3A_22 {strides = array<i32>} : memref<128xf32, #tpu.memory_space<vmem>>, vector<16xf32>,
    %broadcast_in_dim3A_23 = arith.constant 1.000000e+00 : f32
    %broadcast_in_dim3A_24 = vector.broadcast %broadcast_in_dim3A_23 : f32 to vector<16xf32>
    %swap3A_25 = arith.constant 64 : index
    %swap3A_26 = tpu.vector_load %arg5[%swap3A_25] {strides = array<i32>} : memref<128xf32, #tpu.memory_space<vmem>>, vector<16xf32>,
    %swap3A_27 = vector.shape_cast %swap3A_26 : vector<16xf32> to vector<16xf32>
    %swap3A_28 = vector.shape_cast %broadcast_in_dim3A_24 : vector<16xf32> to vector<16xf32>
    tpu.vector_store %arg5[%swap3A_25], %swap3A_28 {strides = array<i32>} : memref<128xf32, #tpu.memory_space<vmem>>, vector<16xf32>,
    %broadcast_in_dim3A_29 = arith.constant 1.000000e+00 : f32
    %broadcast_in_dim3A_30 = vector.broadcast %broadcast_in_dim3A_29 : f32 to vector<16xf32>
    %swap3A_31 = arith.constant 80 : index
    %swap3A_32 = tpu.vector_load %arg5[%swap3A_31] {strides = array<i32>} : memref<128xf32, #tpu.memory_space<vmem>>, vector<16xf32>,
    %swap3A_33 = vector.shape_cast %swap3A_32 : vector<16xf32> to vector<16xf32>
    %swap3A_34 = vector.shape_cast %broadcast_in_dim3A_30 : vector<16xf32> to vector<16xf32>
    tpu.vector_store %arg5[%swap3A_31], %swap3A_34 {strides = array<i32>} : memref<128xf32, #tpu.memory_space<vmem>>, vector<16xf32>,
    %broadcast_in_dim3A_35 = arith.constant 1.000000e+00 : f32
    %broadcast_in_dim3A_36 = vector.broadcast %broadcast_in_dim3A_35 : f32 to vector<16xf32>
    %swap3A_37 = arith.constant 96 : index
    %swap3A_38 = tpu.vector_load %arg5[%swap3A_37] {strides = array<i32>} : memref<128xf32, #tpu.memory_space<vmem>>, vector<16xf32>,
    %swap3A_39 = vector.shape_cast %swap3A_38 : vector<16xf32> to vector<16xf32>
    %swap3A_40 = vector.shape_cast %broadcast_in_dim3A_36 : vector<16xf32> to vector<16xf32>
    tpu.vector_store %arg5[%swap3A_37], %swap3A_40 {strides = array<i32>} : memref<128xf32, #tpu.memory_space<vmem>>, vector<16xf32>,
    %broadcast_in_dim3A_41 = arith.constant 1.000000e+00 : f32
    %broadcast_in_dim3A_42 = vector.broadcast %broadcast_in_dim3A_41 : f32 to vector<16xf32>
    %swap3A_43 = arith.constant 112 : index
    %swap3A_44 = tpu.vector_load %arg5[%swap3A_43] {strides = array<i32>} : memref<128xf32, #tpu.memory_space<vmem>>, vector<16xf32>,
    %swap3A_45 = vector.shape_cast %swap3A_44 : vector<16xf32> to vector<16xf32>
    %swap3A_46 = vector.shape_cast %broadcast_in_dim3A_42 : vector<16xf32> to vector<16xf32>
    tpu.vector_store %arg5[%swap3A_43], %swap3A_46 {strides = array<i32>} : memref<128xf32, #tpu.memory_space<vmem>>, vector<16xf32>,
    %scan3A = arith.constant 0 : i32
    %scan3A_47 = arith.constant 0 : i32
    %scan3A_48 = arith.constant 40 : i32
    %scan3A_49 = arith.addi %scan3A_47, %scan3A_48 : i32
    %scan3A_50 = arith.constant 1 : i32
    scf.for %scan3A_115 = %scan3A_47 to %scan3A_49 step %scan3A_50  : i32 {
      %broadcast_in_dim3A_116 = arith.constant 0.000000e+00 : f32
      %broadcast_in_dim3A_117 = vector.broadcast %broadcast_in_dim3A_116 : f32 to vector<16xf32>
      %mul3A_118 = arith.constant 16 : i32
      %mul3A_119 = arith.muli %scan3A_115, %mul3A_118 : i32
      %swap3A_120 = arith.index_cast %mul3A_119 : i32 to index
      %swap3A_121 = tpu.vector_load %arg6[%swap3A_120] {strides = array<i32>} : memref<640xf32, #tpu.memory_space<vmem>>, vector<16xf32>,
      %swap3A_122 = vector.shape_cast %swap3A_121 : vector<16xf32> to vector<16xf32>
      %swap3A_123 = vector.shape_cast %broadcast_in_dim3A_117 : vector<16xf32> to vector<16xf32>
      tpu.vector_store %arg6[%swap3A_120], %swap3A_123 {strides = array<i32>} : memref<640xf32, #tpu.memory_space<vmem>>, vector<16xf32>,
    }
    %scan3A_51 = arith.constant 40 : i32
    %mul3A_52 = arith.constant 640 : i32
    %mul3A_53 = arith.muli %arg1, %mul3A_52 : i32
    "tpu.region"() ({
      %run_scoped3A_115 = tpu.sem_alloc : memref<!tpu.dma_semaphore, #tpu.memory_space<semaphore_mem>>
      %dma_start3A = tpu.memref_slice %arg7[%mul3A_53] : memref<10240xf32, #tpu.memory_space<vmem_shared>> -> memref<640xf32, #tpu.memory_space<vmem_shared>>
      %dma_start3A_116 = tpu.memref_slice %arg7[%mul3A_53] : memref<10240xf32, #tpu.memory_space<vmem_shared>> -> memref<640xf32, #tpu.memory_space<vmem_shared>>
      tpu.enqueue_dma source(%arg6 : memref<640xf32, #tpu.memory_space<vmem>>) target(%dma_start3A_116 : memref<640xf32, #tpu.memory_space<vmem_shared>>) target_semaphore(%run_scoped3A_115 : memref<!tpu.dma_semaphore, #tpu.memory_space<semaphore_mem>>)
      %dma_wait3A_117 = tpu.memref_slice %arg7[%mul3A_53] : memref<10240xf32, #tpu.memory_space<vmem_shared>> -> memref<640xf32, #tpu.memory_space<vmem_shared>>
      %dma_wait3A_118 = tpu.memref_slice %arg7[%mul3A_53] : memref<10240xf32, #tpu.memory_space<vmem_shared>> -> memref<640xf32, #tpu.memory_space<vmem_shared>>
      tpu.wait_dma2 semaphore(%run_scoped3A_115 : memref<!tpu.dma_semaphore, #tpu.memory_space<semaphore_mem>>) src(%arg6 : memref<640xf32, #tpu.memory_space<vmem>>) dst(%dma_wait3A_118 : memref<640xf32, #tpu.memory_space<vmem_shared>>)
      tpu.yield
    }) : () -> ()
    %mul3A_54 = arith.constant 10000 : i32
    %mul3A_55 = arith.muli %add3A, %mul3A_54 : i32
    %run_scoped3A = arith.constant 1 : i32
    "tpu.region"() ({
      %run_scoped3A_115 = tpu.sem_alloc : memref<!tpu.dma_semaphore, #tpu.memory_space<semaphore_mem>>
      %dma_start3A = arith.constant 0 : i32
      %dma_start3A_116 = tpu.memref_slice %arg4[%dma_start3A] : memref<10112xi32, #tpu.memory_space<vmem>> -> memref<10000xi32, #tpu.memory_space<vmem>>
      %dma_start3A_117 = tpu.memref_slice %arg2[%run_scoped3A, %mul3A_55] : memref<2x320000xi32, #tpu.memory_space<hbm>> -> memref<1x10000xi32, #tpu.memory_space<hbm>>
      %dma_start3A_118 = tpu.memref_squeeze %dma_start3A_117 : memref<1x10000xi32, #tpu.memory_space<hbm>> -> memref<10000xi32, #tpu.memory_space<hbm>>
      %dma_start3A_119 = arith.constant 0 : i32
      %dma_start3A_120 = tpu.memref_slice %arg4[%dma_start3A_119] : memref<10112xi32, #tpu.memory_space<vmem>> -> memref<10000xi32, #tpu.memory_space<vmem>>
      %dma_start3A_121 = tpu.memref_slice %arg2[%run_scoped3A, %mul3A_55] : memref<2x320000xi32, #tpu.memory_space<hbm>> -> memref<1x10000xi32, #tpu.memory_space<hbm>>
      %dma_start3A_122 = tpu.memref_squeeze %dma_start3A_121 : memref<1x10000xi32, #tpu.memory_space<hbm>> -> memref<10000xi32, #tpu.memory_space<hbm>>
      tpu.enqueue_dma source(%dma_start3A_122 : memref<10000xi32, #tpu.memory_space<hbm>>) target(%dma_start3A_120 : memref<10000xi32, #tpu.memory_space<vmem>>) target_semaphore(%run_scoped3A_115 : memref<!tpu.dma_semaphore, #tpu.memory_space<semaphore_mem>>)
      %dma_wait3A_123 = arith.constant 0 : i32
      %dma_wait3A_124 = tpu.memref_slice %arg4[%dma_wait3A_123] : memref<10112xi32, #tpu.memory_space<vmem>> -> memref<10000xi32, #tpu.memory_space<vmem>>
      %dma_wait3A_125 = tpu.memref_slice %arg2[%run_scoped3A, %mul3A_55] : memref<2x320000xi32, #tpu.memory_space<hbm>> -> memref<1x10000xi32, #tpu.memory_space<hbm>>
      %dma_wait3A_126 = tpu.memref_squeeze %dma_wait3A_125 : memref<1x10000xi32, #tpu.memory_space<hbm>> -> memref<10000xi32, #tpu.memory_space<hbm>>
      %dma_wait3A_127 = arith.constant 0 : i32
      %dma_wait3A_128 = tpu.memref_slice %arg4[%dma_wait3A_127] : memref<10112xi32, #tpu.memory_space<vmem>> -> memref<10000xi32, #tpu.memory_space<vmem>>
      %dma_wait3A_129 = tpu.memref_slice %arg2[%run_scoped3A, %mul3A_55] : memref<2x320000xi32, #tpu.memory_space<hbm>> -> memref<1x10000xi32, #tpu.memory_space<hbm>>
      %dma_wait3A_130 = tpu.memref_squeeze %dma_wait3A_129 : memref<1x10000xi32, #tpu.memory_space<hbm>> -> memref<10000xi32, #tpu.memory_space<hbm>>
      tpu.wait_dma2 semaphore(%run_scoped3A_115 : memref<!tpu.dma_semaphore, #tpu.memory_space<semaphore_mem>>) src(%dma_wait3A_130 : memref<10000xi32, #tpu.memory_space<hbm>>) dst(%dma_wait3A_128 : memref<10000xi32, #tpu.memory_space<vmem>>)
      tpu.yield
    }) : () -> ()
    %broadcast_in_dim3A_56 = arith.constant 10000 : i32
    %broadcast_in_dim3A_57 = vector.broadcast %broadcast_in_dim3A_56 : i32 to vector<16xi32>
    %swap3A_58 = arith.constant 10000 : index
    %swap3A_59 = tpu.vector_load %arg4[%swap3A_58] {strides = array<i32>} : memref<10112xi32, #tpu.memory_space<vmem>>, vector<16xi32>,
    %swap3A_60 = vector.shape_cast %swap3A_59 : vector<16xi32> to vector<16xi32>
    %swap3A_61 = vector.shape_cast %broadcast_in_dim3A_57 : vector<16xi32> to vector<16xi32>
    tpu.vector_store %arg4[%swap3A_58], %swap3A_61 {strides = array<i32>} : memref<10112xi32, #tpu.memory_space<vmem>>, vector<16xi32>,
    %broadcast_in_dim3A_62 = arith.constant 10000 : i32
    %broadcast_in_dim3A_63 = vector.broadcast %broadcast_in_dim3A_62 : i32 to vector<16xi32>
    %swap3A_64 = arith.constant 10016 : index
    %swap3A_65 = tpu.vector_load %arg4[%swap3A_64] {strides = array<i32>} : memref<10112xi32, #tpu.memory_space<vmem>>, vector<16xi32>,
    %swap3A_66 = vector.shape_cast %swap3A_65 : vector<16xi32> to vector<16xi32>
    %swap3A_67 = vector.shape_cast %broadcast_in_dim3A_63 : vector<16xi32> to vector<16xi32>
    tpu.vector_store %arg4[%swap3A_64], %swap3A_67 {strides = array<i32>} : memref<10112xi32, #tpu.memory_space<vmem>>, vector<16xi32>,
    %broadcast_in_dim3A_68 = arith.constant 10000 : i32
    %broadcast_in_dim3A_69 = vector.broadcast %broadcast_in_dim3A_68 : i32 to vector<16xi32>
    %swap3A_70 = arith.constant 10032 : index
    %swap3A_71 = tpu.vector_load %arg4[%swap3A_70] {strides = array<i32>} : memref<10112xi32, #tpu.memory_space<vmem>>, vector<16xi32>,
    %swap3A_72 = vector.shape_cast %swap3A_71 : vector<16xi32> to vector<16xi32>
    %swap3A_73 = vector.shape_cast %broadcast_in_dim3A_69 : vector<16xi32> to vector<16xi32>
    tpu.vector_store %arg4[%swap3A_70], %swap3A_73 {strides = array<i32>} : memref<10112xi32, #tpu.memory_space<vmem>>, vector<16xi32>,
    %broadcast_in_dim3A_74 = arith.constant 10000 : i32
    %broadcast_in_dim3A_75 = vector.broadcast %broadcast_in_dim3A_74 : i32 to vector<16xi32>
    %swap3A_76 = arith.constant 10048 : index
    %swap3A_77 = tpu.vector_load %arg4[%swap3A_76] {strides = array<i32>} : memref<10112xi32, #tpu.memory_space<vmem>>, vector<16xi32>,
    %swap3A_78 = vector.shape_cast %swap3A_77 : vector<16xi32> to vector<16xi32>
    %swap3A_79 = vector.shape_cast %broadcast_in_dim3A_75 : vector<16xi32> to vector<16xi32>
    tpu.vector_store %arg4[%swap3A_76], %swap3A_79 {strides = array<i32>} : memref<10112xi32, #tpu.memory_space<vmem>>, vector<16xi32>,
    %broadcast_in_dim3A_80 = arith.constant 10000 : i32
    %broadcast_in_dim3A_81 = vector.broadcast %broadcast_in_dim3A_80 : i32 to vector<16xi32>
    %swap3A_82 = arith.constant 10064 : index
    %swap3A_83 = tpu.vector_load %arg4[%swap3A_82] {strides = array<i32>} : memref<10112xi32, #tpu.memory_space<vmem>>, vector<16xi32>,
    %swap3A_84 = vector.shape_cast %swap3A_83 : vector<16xi32> to vector<16xi32>
    %swap3A_85 = vector.shape_cast %broadcast_in_dim3A_81 : vector<16xi32> to vector<16xi32>
    tpu.vector_store %arg4[%swap3A_82], %swap3A_85 {strides = array<i32>} : memref<10112xi32, #tpu.memory_space<vmem>>, vector<16xi32>,
    %broadcast_in_dim3A_86 = arith.constant 10000 : i32
    %broadcast_in_dim3A_87 = vector.broadcast %broadcast_in_dim3A_86 : i32 to vector<16xi32>
    %swap3A_88 = arith.constant 10080 : index
    %swap3A_89 = tpu.vector_load %arg4[%swap3A_88] {strides = array<i32>} : memref<10112xi32, #tpu.memory_space<vmem>>, vector<16xi32>,
    %swap3A_90 = vector.shape_cast %swap3A_89 : vector<16xi32> to vector<16xi32>
    %swap3A_91 = vector.shape_cast %broadcast_in_dim3A_87 : vector<16xi32> to vector<16xi32>
    tpu.vector_store %arg4[%swap3A_88], %swap3A_91 {strides = array<i32>} : memref<10112xi32, #tpu.memory_space<vmem>>, vector<16xi32>,
    %broadcast_in_dim3A_92 = arith.constant 10000 : i32
    %broadcast_in_dim3A_93 = vector.broadcast %broadcast_in_dim3A_92 : i32 to vector<16xi32>
    %swap3A_94 = arith.constant 10096 : index
    %swap3A_95 = tpu.vector_load %arg4[%swap3A_94] {strides = array<i32>} : memref<10112xi32, #tpu.memory_space<vmem>>, vector<16xi32>,
    %swap3A_96 = vector.shape_cast %swap3A_95 : vector<16xi32> to vector<16xi32>
    %swap3A_97 = vector.shape_cast %broadcast_in_dim3A_93 : vector<16xi32> to vector<16xi32>
    tpu.vector_store %arg4[%swap3A_94], %swap3A_97 {strides = array<i32>} : memref<10112xi32, #tpu.memory_space<vmem>>, vector<16xi32>,
    %barrier3A = arith.constant 0 : index
    tpu.barrier barrier_id(%barrier3A)
    %scan3A_98 = arith.constant 0 : i32
    %scan3A_99 = arith.constant 0 : i32
    %scan3A_100 = arith.constant 79 : i32
    %scan3A_101 = arith.addi %scan3A_99, %scan3A_100 : i32
    %scan3A_102 = arith.constant 1 : i32
    scf.for %scan3A_115 = %scan3A_99 to %scan3A_101 step %scan3A_102  : i32 {
      %mul3A_116 = arith.constant 128 : i32
      %mul3A_117 = arith.muli %scan3A_115, %mul3A_116 : i32
      %dma_start3A = tpu.memref_slice %arg4[%mul3A_117] : memref<10112xi32, #tpu.memory_space<vmem>> -> memref<128xi32, #tpu.memory_space<vmem>>
      %dma_start3A_118 = arith.constant 0 : i32
      %dma_start3A_119 = tpu.memref_slice %arg7[%dma_start3A_118] : memref<10240xf32, #tpu.memory_space<vmem_shared>> -> memref<10240xf32, #tpu.memory_space<vmem_shared>>
      tpu.enqueue_indirect_dma source(%arg5 : memref<128xf32, #tpu.memory_space<vmem>>) target(%dma_start3A_119 : memref<10240xf32, #tpu.memory_space<vmem_shared>>) offsets(%dma_start3A : memref<128xi32, #tpu.memory_space<vmem>>) semaphore(%arg8 : memref<!tpu.dma_semaphore, #tpu.memory_space<semaphore_mem>>) {add = true}
    }
    %scan3A_103 = arith.constant 79 : i32
    %dma_wait3A = arith.constant 0 : i32
    %dma_wait3A_104 = tpu.memref_slice %arg3[%dma_wait3A] : memref<20480xf32, #tpu.memory_space<hbm>> -> memref<10112xf32, #tpu.memory_space<hbm>>
    %dma_wait3A_105 = arith.constant 0 : i32
    %dma_wait3A_106 = tpu.memref_slice %arg3[%dma_wait3A_105] : memref<20480xf32, #tpu.memory_space<hbm>> -> memref<10112xf32, #tpu.memory_space<hbm>>
    tpu.wait_dma2 semaphore(%arg8 : memref<!tpu.dma_semaphore, #tpu.memory_space<semaphore_mem>>) src(%dma_wait3A_106 : memref<10112xf32, #tpu.memory_space<hbm>>) dst(%arg4 : memref<10112xi32, #tpu.memory_space<vmem>>)
    %barrier3A_107 = arith.constant 0 : index
    tpu.barrier barrier_id(%barrier3A_107)
    %mul3A_108 = arith.constant 640 : i32
    %mul3A_109 = arith.muli %arg1, %mul3A_108 : i32
    %mul3A_110 = arith.constant 10240 : i32
    %mul3A_111 = arith.muli %arg0, %mul3A_110 : i32
    %mul3A_112 = arith.constant 640 : i32
    %mul3A_113 = arith.muli %arg1, %mul3A_112 : i32
    %add3A_114 = arith.addi %mul3A_111, %mul3A_113 : i32
    "tpu.region"() ({
      %run_scoped3A_115 = tpu.sem_alloc : memref<!tpu.dma_semaphore, #tpu.memory_space<semaphore_mem>>
      %dma_start3A = tpu.memref_slice %arg3[%add3A_114] : memref<20480xf32, #tpu.memory_space<hbm>> -> memref<640xf32, #tpu.memory_space<hbm>>
      %dma_start3A_116 = tpu.memref_slice %arg7[%mul3A_109] : memref<10240xf32, #tpu.memory_space<vmem_shared>> -> memref<640xf32, #tpu.memory_space<vmem_shared>>
      tpu.enqueue_dma source(%dma_start3A_116 : memref<640xf32, #tpu.memory_space<vmem_shared>>) target(%dma_start3A : memref<640xf32, #tpu.memory_space<hbm>>) target_semaphore(%run_scoped3A_115 : memref<!tpu.dma_semaphore, #tpu.memory_space<semaphore_mem>>)
      %dma_wait3A_117 = tpu.memref_slice %arg3[%add3A_114] : memref<20480xf32, #tpu.memory_space<hbm>> -> memref<640xf32, #tpu.memory_space<hbm>>
      %dma_wait3A_118 = tpu.memref_slice %arg7[%mul3A_109] : memref<10240xf32, #tpu.memory_space<vmem_shared>> -> memref<640xf32, #tpu.memory_space<vmem_shared>>
      tpu.wait_dma2 semaphore(%run_scoped3A_115 : memref<!tpu.dma_semaphore, #tpu.memory_space<semaphore_mem>>) src(%dma_wait3A_118 : memref<640xf32, #tpu.memory_space<vmem_shared>>) dst(%dma_wait3A_117 : memref<640xf32, #tpu.memory_space<hbm>>)
      tpu.yield
    }) : () -> ()
    return
  }
}

#map = affine_map<(d0, d1) -> (0, 0, 0)>
#map1 = affine_map<(d0, d1) -> (0, 0)>
module attributes {stable_mosaic.version = 14 : i64} {
  func.func @agg_kernel(%arg0: i32, %arg1: i32, %arg2: memref<2x10240x64xbf16, #tpu.memory_space<hbm>>, %arg3: memref<2x320000xi32, #tpu.memory_space<hbm>>, %arg4: memref<10240x128xbf16, #tpu.memory_space<hbm>>, %arg5: memref<20096xi32, #tpu.memory_space<vmem>>, %arg6: memref<20096xi32, #tpu.memory_space<vmem>>, %arg7: memref<12x128x64xbf16, #tpu.memory_space<vmem>>, %arg8: memref<10240x64xbf16, #tpu.memory_space<vmem_shared>>, %arg9: memref<12x!tpu.dma_semaphore, #tpu.memory_space<semaphore_mem>>, %arg10: memref<12x!tpu.dma_semaphore, #tpu.memory_space<semaphore_mem>>) attributes {dimension_semantics = [#tpu.dimension_semantics<core_parallel>, #tpu.dimension_semantics<subcore_parallel>], iteration_bounds = array<i64: 2, 16>, scalar_prefetch = 0 : i64, scratch_operands = 6 : i64, tpu.core_type = #tpu.core_type<sc_vector_subcore>, window_params = [{transform_indices = #map}, {transform_indices = #map1}, {transform_indices = #map1}]} {
    %scan3A = arith.constant 0 : i32
    %scan3A_0 = arith.constant 0 : i32
    %scan3A_1 = arith.constant 128 : i32
    %scan3A_2 = arith.addi %scan3A_0, %scan3A_1 : i32
    %scan3A_3 = arith.constant 1 : i32
    scf.for %scan3A_782 = %scan3A_0 to %scan3A_2 step %scan3A_3  : i32 {
      %broadcast_in_dim3A_783 = arith.constant 0.000000e+00 : bf16
      %broadcast_in_dim3A_784 = vector.broadcast %broadcast_in_dim3A_783 : bf16 to vector<32xbf16>
      %swap3A_785 = arith.constant 0 : i32
      %swap3A_786 = arith.index_cast %swap3A_785 : i32 to index
      %swap3A_787 = arith.index_cast %scan3A_782 : i32 to index
      %swap3A_788 = arith.constant 0 : index
      %swap3A_789 = tpu.vector_load %arg7[%swap3A_786, %swap3A_787, %swap3A_788] {strides = array<i32>} : memref<12x128x64xbf16, #tpu.memory_space<vmem>>, vector<1x1x32xbf16>,
      %swap3A_790 = vector.shape_cast %swap3A_789 : vector<1x1x32xbf16> to vector<32xbf16>
      %swap3A_791 = vector.shape_cast %broadcast_in_dim3A_784 : vector<32xbf16> to vector<1x1x32xbf16>
      tpu.vector_store %arg7[%swap3A_786, %swap3A_787, %swap3A_788], %swap3A_791 {strides = array<i32>} : memref<12x128x64xbf16, #tpu.memory_space<vmem>>, vector<1x1x32xbf16>,
      %broadcast_in_dim3A_792 = arith.constant 0.000000e+00 : bf16
      %broadcast_in_dim3A_793 = vector.broadcast %broadcast_in_dim3A_792 : bf16 to vector<32xbf16>
      %swap3A_794 = arith.constant 0 : i32
      %swap3A_795 = arith.index_cast %swap3A_794 : i32 to index
      %swap3A_796 = arith.index_cast %scan3A_782 : i32 to index
      %swap3A_797 = arith.constant 32 : index
      %swap3A_798 = tpu.vector_load %arg7[%swap3A_795, %swap3A_796, %swap3A_797] {strides = array<i32>} : memref<12x128x64xbf16, #tpu.memory_space<vmem>>, vector<1x1x32xbf16>,
      %swap3A_799 = vector.shape_cast %swap3A_798 : vector<1x1x32xbf16> to vector<32xbf16>
      %swap3A_800 = vector.shape_cast %broadcast_in_dim3A_793 : vector<32xbf16> to vector<1x1x32xbf16>
      tpu.vector_store %arg7[%swap3A_795, %swap3A_796, %swap3A_797], %swap3A_800 {strides = array<i32>} : memref<12x128x64xbf16, #tpu.memory_space<vmem>>, vector<1x1x32xbf16>,
    }
    %scan3A_4 = arith.constant 128 : i32
    %mul3A = arith.constant 640 : i32
    %mul3A_5 = arith.muli %arg1, %mul3A : i32
    %add3A = arith.constant 0 : i32
    %add3A_6 = arith.addi %mul3A_5, %add3A : i32
    %dma_start3A = arith.constant 0 : i32
    %dma_start3A_7 = arith.constant 0 : i32
    %dma_start3A_8 = arith.constant 0 : i32
    %dma_start3A_9 = arith.constant 0 : i32
    %dma_start3A_10 = tpu.memref_slice %arg7[%dma_start3A, %dma_start3A_8, %dma_start3A_9] : memref<12x128x64xbf16, #tpu.memory_space<vmem>> -> memref<1x128x64xbf16, #tpu.memory_space<vmem>>
    %dma_start3A_11 = tpu.memref_squeeze %dma_start3A_10 : memref<1x128x64xbf16, #tpu.memory_space<vmem>> -> memref<128x64xbf16, #tpu.memory_space<vmem>>
    %dma_start3A_12 = arith.constant 0 : i32
    %dma_start3A_13 = tpu.memref_slice %arg8[%add3A_6, %dma_start3A_12] : memref<10240x64xbf16, #tpu.memory_space<vmem_shared>> -> memref<128x64xbf16, #tpu.memory_space<vmem_shared>>
    %dma_start3A_14 = tpu.memref_slice %arg10[%dma_start3A_7] : memref<12x!tpu.dma_semaphore, #tpu.memory_space<semaphore_mem>> -> memref<1x!tpu.dma_semaphore, #tpu.memory_space<semaphore_mem>>
    %dma_start3A_15 = tpu.memref_squeeze %dma_start3A_14 : memref<1x!tpu.dma_semaphore, #tpu.memory_space<semaphore_mem>> -> memref<!tpu.dma_semaphore, #tpu.memory_space<semaphore_mem>>
    %dma_start3A_16 = arith.constant 0 : i32
    %dma_start3A_17 = tpu.memref_slice %arg8[%add3A_6, %dma_start3A_16] : memref<10240x64xbf16, #tpu.memory_space<vmem_shared>> -> memref<128x64xbf16, #tpu.memory_space<vmem_shared>>
    %dma_start3A_18 = arith.constant 0 : i32
    %dma_start3A_19 = arith.constant 0 : i32
    %dma_start3A_20 = tpu.memref_slice %arg7[%dma_start3A, %dma_start3A_18, %dma_start3A_19] : memref<12x128x64xbf16, #tpu.memory_space<vmem>> -> memref<1x128x64xbf16, #tpu.memory_space<vmem>>
    %dma_start3A_21 = tpu.memref_squeeze %dma_start3A_20 : memref<1x128x64xbf16, #tpu.memory_space<vmem>> -> memref<128x64xbf16, #tpu.memory_space<vmem>>
    tpu.enqueue_dma source(%dma_start3A_21 : memref<128x64xbf16, #tpu.memory_space<vmem>>) target(%dma_start3A_17 : memref<128x64xbf16, #tpu.memory_space<vmem_shared>>) target_semaphore(%dma_start3A_15 : memref<!tpu.dma_semaphore, #tpu.memory_space<semaphore_mem>>)
    %mul3A_22 = arith.constant 640 : i32
    %mul3A_23 = arith.muli %arg1, %mul3A_22 : i32
    %add3A_24 = arith.constant 128 : i32
    %add3A_25 = arith.addi %mul3A_23, %add3A_24 : i32
    %dma_start3A_26 = arith.constant 0 : i32
    %dma_start3A_27 = arith.constant 0 : i32
    %dma_start3A_28 = arith.constant 0 : i32
    %dma_start3A_29 = arith.constant 0 : i32
    %dma_start3A_30 = tpu.memref_slice %arg7[%dma_start3A_26, %dma_start3A_28, %dma_start3A_29] : memref<12x128x64xbf16, #tpu.memory_space<vmem>> -> memref<1x128x64xbf16, #tpu.memory_space<vmem>>
    %dma_start3A_31 = tpu.memref_squeeze %dma_start3A_30 : memref<1x128x64xbf16, #tpu.memory_space<vmem>> -> memref<128x64xbf16, #tpu.memory_space<vmem>>
    %dma_start3A_32 = arith.constant 0 : i32
    %dma_start3A_33 = tpu.memref_slice %arg8[%add3A_25, %dma_start3A_32] : memref<10240x64xbf16, #tpu.memory_space<vmem_shared>> -> memref<128x64xbf16, #tpu.memory_space<vmem_shared>>
    %dma_start3A_34 = tpu.memref_slice %arg10[%dma_start3A_27] : memref<12x!tpu.dma_semaphore, #tpu.memory_space<semaphore_mem>> -> memref<1x!tpu.dma_semaphore, #tpu.memory_space<semaphore_mem>>
    %dma_start3A_35 = tpu.memref_squeeze %dma_start3A_34 : memref<1x!tpu.dma_semaphore, #tpu.memory_space<semaphore_mem>> -> memref<!tpu.dma_semaphore, #tpu.memory_space<semaphore_mem>>
    %dma_start3A_36 = arith.constant 0 : i32
    %dma_start3A_37 = tpu.memref_slice %arg8[%add3A_25, %dma_start3A_36] : memref<10240x64xbf16, #tpu.memory_space<vmem_shared>> -> memref<128x64xbf16, #tpu.memory_space<vmem_shared>>
    %dma_start3A_38 = arith.constant 0 : i32
    %dma_start3A_39 = arith.constant 0 : i32
    %dma_start3A_40 = tpu.memref_slice %arg7[%dma_start3A_26, %dma_start3A_38, %dma_start3A_39] : memref<12x128x64xbf16, #tpu.memory_space<vmem>> -> memref<1x128x64xbf16, #tpu.memory_space<vmem>>
    %dma_start3A_41 = tpu.memref_squeeze %dma_start3A_40 : memref<1x128x64xbf16, #tpu.memory_space<vmem>> -> memref<128x64xbf16, #tpu.memory_space<vmem>>
    tpu.enqueue_dma source(%dma_start3A_41 : memref<128x64xbf16, #tpu.memory_space<vmem>>) target(%dma_start3A_37 : memref<128x64xbf16, #tpu.memory_space<vmem_shared>>) target_semaphore(%dma_start3A_35 : memref<!tpu.dma_semaphore, #tpu.memory_space<semaphore_mem>>)
    %mul3A_42 = arith.constant 640 : i32
    %mul3A_43 = arith.muli %arg1, %mul3A_42 : i32
    %add3A_44 = arith.constant 256 : i32
    %add3A_45 = arith.addi %mul3A_43, %add3A_44 : i32
    %dma_start3A_46 = arith.constant 0 : i32
    %dma_start3A_47 = arith.constant 0 : i32
    %dma_start3A_48 = arith.constant 0 : i32
    %dma_start3A_49 = arith.constant 0 : i32
    %dma_start3A_50 = tpu.memref_slice %arg7[%dma_start3A_46, %dma_start3A_48, %dma_start3A_49] : memref<12x128x64xbf16, #tpu.memory_space<vmem>> -> memref<1x128x64xbf16, #tpu.memory_space<vmem>>
    %dma_start3A_51 = tpu.memref_squeeze %dma_start3A_50 : memref<1x128x64xbf16, #tpu.memory_space<vmem>> -> memref<128x64xbf16, #tpu.memory_space<vmem>>
    %dma_start3A_52 = arith.constant 0 : i32
    %dma_start3A_53 = tpu.memref_slice %arg8[%add3A_45, %dma_start3A_52] : memref<10240x64xbf16, #tpu.memory_space<vmem_shared>> -> memref<128x64xbf16, #tpu.memory_space<vmem_shared>>
    %dma_start3A_54 = tpu.memref_slice %arg10[%dma_start3A_47] : memref<12x!tpu.dma_semaphore, #tpu.memory_space<semaphore_mem>> -> memref<1x!tpu.dma_semaphore, #tpu.memory_space<semaphore_mem>>
    %dma_start3A_55 = tpu.memref_squeeze %dma_start3A_54 : memref<1x!tpu.dma_semaphore, #tpu.memory_space<semaphore_mem>> -> memref<!tpu.dma_semaphore, #tpu.memory_space<semaphore_mem>>
    %dma_start3A_56 = arith.constant 0 : i32
    %dma_start3A_57 = tpu.memref_slice %arg8[%add3A_45, %dma_start3A_56] : memref<10240x64xbf16, #tpu.memory_space<vmem_shared>> -> memref<128x64xbf16, #tpu.memory_space<vmem_shared>>
    %dma_start3A_58 = arith.constant 0 : i32
    %dma_start3A_59 = arith.constant 0 : i32
    %dma_start3A_60 = tpu.memref_slice %arg7[%dma_start3A_46, %dma_start3A_58, %dma_start3A_59] : memref<12x128x64xbf16, #tpu.memory_space<vmem>> -> memref<1x128x64xbf16, #tpu.memory_space<vmem>>
    %dma_start3A_61 = tpu.memref_squeeze %dma_start3A_60 : memref<1x128x64xbf16, #tpu.memory_space<vmem>> -> memref<128x64xbf16, #tpu.memory_space<vmem>>
    tpu.enqueue_dma source(%dma_start3A_61 : memref<128x64xbf16, #tpu.memory_space<vmem>>) target(%dma_start3A_57 : memref<128x64xbf16, #tpu.memory_space<vmem_shared>>) target_semaphore(%dma_start3A_55 : memref<!tpu.dma_semaphore, #tpu.memory_space<semaphore_mem>>)
    %mul3A_62 = arith.constant 640 : i32
    %mul3A_63 = arith.muli %arg1, %mul3A_62 : i32
    %add3A_64 = arith.constant 384 : i32
    %add3A_65 = arith.addi %mul3A_63, %add3A_64 : i32
    %dma_start3A_66 = arith.constant 0 : i32
    %dma_start3A_67 = arith.constant 0 : i32
    %dma_start3A_68 = arith.constant 0 : i32
    %dma_start3A_69 = arith.constant 0 : i32
    %dma_start3A_70 = tpu.memref_slice %arg7[%dma_start3A_66, %dma_start3A_68, %dma_start3A_69] : memref<12x128x64xbf16, #tpu.memory_space<vmem>> -> memref<1x128x64xbf16, #tpu.memory_space<vmem>>
    %dma_start3A_71 = tpu.memref_squeeze %dma_start3A_70 : memref<1x128x64xbf16, #tpu.memory_space<vmem>> -> memref<128x64xbf16, #tpu.memory_space<vmem>>
    %dma_start3A_72 = arith.constant 0 : i32
    %dma_start3A_73 = tpu.memref_slice %arg8[%add3A_65, %dma_start3A_72] : memref<10240x64xbf16, #tpu.memory_space<vmem_shared>> -> memref<128x64xbf16, #tpu.memory_space<vmem_shared>>
    %dma_start3A_74 = tpu.memref_slice %arg10[%dma_start3A_67] : memref<12x!tpu.dma_semaphore, #tpu.memory_space<semaphore_mem>> -> memref<1x!tpu.dma_semaphore, #tpu.memory_space<semaphore_mem>>
    %dma_start3A_75 = tpu.memref_squeeze %dma_start3A_74 : memref<1x!tpu.dma_semaphore, #tpu.memory_space<semaphore_mem>> -> memref<!tpu.dma_semaphore, #tpu.memory_space<semaphore_mem>>
    %dma_start3A_76 = arith.constant 0 : i32
    %dma_start3A_77 = tpu.memref_slice %arg8[%add3A_65, %dma_start3A_76] : memref<10240x64xbf16, #tpu.memory_space<vmem_shared>> -> memref<128x64xbf16, #tpu.memory_space<vmem_shared>>
    %dma_start3A_78 = arith.constant 0 : i32
    %dma_start3A_79 = arith.constant 0 : i32
    %dma_start3A_80 = tpu.memref_slice %arg7[%dma_start3A_66, %dma_start3A_78, %dma_start3A_79] : memref<12x128x64xbf16, #tpu.memory_space<vmem>> -> memref<1x128x64xbf16, #tpu.memory_space<vmem>>
    %dma_start3A_81 = tpu.memref_squeeze %dma_start3A_80 : memref<1x128x64xbf16, #tpu.memory_space<vmem>> -> memref<128x64xbf16, #tpu.memory_space<vmem>>
    tpu.enqueue_dma source(%dma_start3A_81 : memref<128x64xbf16, #tpu.memory_space<vmem>>) target(%dma_start3A_77 : memref<128x64xbf16, #tpu.memory_space<vmem_shared>>) target_semaphore(%dma_start3A_75 : memref<!tpu.dma_semaphore, #tpu.memory_space<semaphore_mem>>)
    %mul3A_82 = arith.constant 640 : i32
    %mul3A_83 = arith.muli %arg1, %mul3A_82 : i32
    %add3A_84 = arith.constant 512 : i32
    %add3A_85 = arith.addi %mul3A_83, %add3A_84 : i32
    %dma_start3A_86 = arith.constant 0 : i32
    %dma_start3A_87 = arith.constant 0 : i32
    %dma_start3A_88 = arith.constant 0 : i32
    %dma_start3A_89 = arith.constant 0 : i32
    %dma_start3A_90 = tpu.memref_slice %arg7[%dma_start3A_86, %dma_start3A_88, %dma_start3A_89] : memref<12x128x64xbf16, #tpu.memory_space<vmem>> -> memref<1x128x64xbf16, #tpu.memory_space<vmem>>
    %dma_start3A_91 = tpu.memref_squeeze %dma_start3A_90 : memref<1x128x64xbf16, #tpu.memory_space<vmem>> -> memref<128x64xbf16, #tpu.memory_space<vmem>>
    %dma_start3A_92 = arith.constant 0 : i32
    %dma_start3A_93 = tpu.memref_slice %arg8[%add3A_85, %dma_start3A_92] : memref<10240x64xbf16, #tpu.memory_space<vmem_shared>> -> memref<128x64xbf16, #tpu.memory_space<vmem_shared>>
    %dma_start3A_94 = tpu.memref_slice %arg10[%dma_start3A_87] : memref<12x!tpu.dma_semaphore, #tpu.memory_space<semaphore_mem>> -> memref<1x!tpu.dma_semaphore, #tpu.memory_space<semaphore_mem>>
    %dma_start3A_95 = tpu.memref_squeeze %dma_start3A_94 : memref<1x!tpu.dma_semaphore, #tpu.memory_space<semaphore_mem>> -> memref<!tpu.dma_semaphore, #tpu.memory_space<semaphore_mem>>
    %dma_start3A_96 = arith.constant 0 : i32
    %dma_start3A_97 = tpu.memref_slice %arg8[%add3A_85, %dma_start3A_96] : memref<10240x64xbf16, #tpu.memory_space<vmem_shared>> -> memref<128x64xbf16, #tpu.memory_space<vmem_shared>>
    %dma_start3A_98 = arith.constant 0 : i32
    %dma_start3A_99 = arith.constant 0 : i32
    %dma_start3A_100 = tpu.memref_slice %arg7[%dma_start3A_86, %dma_start3A_98, %dma_start3A_99] : memref<12x128x64xbf16, #tpu.memory_space<vmem>> -> memref<1x128x64xbf16, #tpu.memory_space<vmem>>
    %dma_start3A_101 = tpu.memref_squeeze %dma_start3A_100 : memref<1x128x64xbf16, #tpu.memory_space<vmem>> -> memref<128x64xbf16, #tpu.memory_space<vmem>>
    tpu.enqueue_dma source(%dma_start3A_101 : memref<128x64xbf16, #tpu.memory_space<vmem>>) target(%dma_start3A_97 : memref<128x64xbf16, #tpu.memory_space<vmem_shared>>) target_semaphore(%dma_start3A_95 : memref<!tpu.dma_semaphore, #tpu.memory_space<semaphore_mem>>)
    %mul3A_102 = arith.constant 20000 : i32
    %mul3A_103 = arith.muli %arg1, %mul3A_102 : i32
    %run_scoped3A = arith.constant 0 : i32
    "tpu.region"() ({
      %run_scoped3A_782 = tpu.sem_alloc : memref<!tpu.dma_semaphore, #tpu.memory_space<semaphore_mem>>
      %dma_start3A_783 = arith.constant 0 : i32
      %dma_start3A_784 = tpu.memref_slice %arg5[%dma_start3A_783] : memref<20096xi32, #tpu.memory_space<vmem>> -> memref<20000xi32, #tpu.memory_space<vmem>>
      %dma_start3A_785 = tpu.memref_slice %arg3[%run_scoped3A, %mul3A_103] : memref<2x320000xi32, #tpu.memory_space<hbm>> -> memref<1x20000xi32, #tpu.memory_space<hbm>>
      %dma_start3A_786 = tpu.memref_squeeze %dma_start3A_785 : memref<1x20000xi32, #tpu.memory_space<hbm>> -> memref<20000xi32, #tpu.memory_space<hbm>>
      %dma_start3A_787 = arith.constant 0 : i32
      %dma_start3A_788 = tpu.memref_slice %arg5[%dma_start3A_787] : memref<20096xi32, #tpu.memory_space<vmem>> -> memref<20000xi32, #tpu.memory_space<vmem>>
      %dma_start3A_789 = tpu.memref_slice %arg3[%run_scoped3A, %mul3A_103] : memref<2x320000xi32, #tpu.memory_space<hbm>> -> memref<1x20000xi32, #tpu.memory_space<hbm>>
      %dma_start3A_790 = tpu.memref_squeeze %dma_start3A_789 : memref<1x20000xi32, #tpu.memory_space<hbm>> -> memref<20000xi32, #tpu.memory_space<hbm>>
      tpu.enqueue_dma source(%dma_start3A_790 : memref<20000xi32, #tpu.memory_space<hbm>>) target(%dma_start3A_788 : memref<20000xi32, #tpu.memory_space<vmem>>) target_semaphore(%run_scoped3A_782 : memref<!tpu.dma_semaphore, #tpu.memory_space<semaphore_mem>>)
      %dma_wait3A_791 = arith.constant 0 : i32
      %dma_wait3A_792 = tpu.memref_slice %arg5[%dma_wait3A_791] : memref<20096xi32, #tpu.memory_space<vmem>> -> memref<20000xi32, #tpu.memory_space<vmem>>
      %dma_wait3A_793 = tpu.memref_slice %arg3[%run_scoped3A, %mul3A_103] : memref<2x320000xi32, #tpu.memory_space<hbm>> -> memref<1x20000xi32, #tpu.memory_space<hbm>>
      %dma_wait3A_794 = tpu.memref_squeeze %dma_wait3A_793 : memref<1x20000xi32, #tpu.memory_space<hbm>> -> memref<20000xi32, #tpu.memory_space<hbm>>
      %dma_wait3A_795 = arith.constant 0 : i32
      %dma_wait3A_796 = tpu.memref_slice %arg5[%dma_wait3A_795] : memref<20096xi32, #tpu.memory_space<vmem>> -> memref<20000xi32, #tpu.memory_space<vmem>>
      %dma_wait3A_797 = tpu.memref_slice %arg3[%run_scoped3A, %mul3A_103] : memref<2x320000xi32, #tpu.memory_space<hbm>> -> memref<1x20000xi32, #tpu.memory_space<hbm>>
      %dma_wait3A_798 = tpu.memref_squeeze %dma_wait3A_797 : memref<1x20000xi32, #tpu.memory_space<hbm>> -> memref<20000xi32, #tpu.memory_space<hbm>>
      tpu.wait_dma2 semaphore(%run_scoped3A_782 : memref<!tpu.dma_semaphore, #tpu.memory_space<semaphore_mem>>) src(%dma_wait3A_798 : memref<20000xi32, #tpu.memory_space<hbm>>) dst(%dma_wait3A_796 : memref<20000xi32, #tpu.memory_space<vmem>>)
      tpu.yield
    }) : () -> ()
    %mul3A_104 = arith.constant 20000 : i32
    %mul3A_105 = arith.muli %arg1, %mul3A_104 : i32
    %run_scoped3A_106 = arith.constant 1 : i32
    "tpu.region"() ({
      %run_scoped3A_782 = tpu.sem_alloc : memref<!tpu.dma_semaphore, #tpu.memory_space<semaphore_mem>>
      %dma_start3A_783 = arith.constant 0 : i32
      %dma_start3A_784 = tpu.memref_slice %arg6[%dma_start3A_783] : memref<20096xi32, #tpu.memory_space<vmem>> -> memref<20000xi32, #tpu.memory_space<vmem>>
      %dma_start3A_785 = tpu.memref_slice %arg3[%run_scoped3A_106, %mul3A_105] : memref<2x320000xi32, #tpu.memory_space<hbm>> -> memref<1x20000xi32, #tpu.memory_space<hbm>>
      %dma_start3A_786 = tpu.memref_squeeze %dma_start3A_785 : memref<1x20000xi32, #tpu.memory_space<hbm>> -> memref<20000xi32, #tpu.memory_space<hbm>>
      %dma_start3A_787 = arith.constant 0 : i32
      %dma_start3A_788 = tpu.memref_slice %arg6[%dma_start3A_787] : memref<20096xi32, #tpu.memory_space<vmem>> -> memref<20000xi32, #tpu.memory_space<vmem>>
      %dma_start3A_789 = tpu.memref_slice %arg3[%run_scoped3A_106, %mul3A_105] : memref<2x320000xi32, #tpu.memory_space<hbm>> -> memref<1x20000xi32, #tpu.memory_space<hbm>>
      %dma_start3A_790 = tpu.memref_squeeze %dma_start3A_789 : memref<1x20000xi32, #tpu.memory_space<hbm>> -> memref<20000xi32, #tpu.memory_space<hbm>>
      tpu.enqueue_dma source(%dma_start3A_790 : memref<20000xi32, #tpu.memory_space<hbm>>) target(%dma_start3A_788 : memref<20000xi32, #tpu.memory_space<vmem>>) target_semaphore(%run_scoped3A_782 : memref<!tpu.dma_semaphore, #tpu.memory_space<semaphore_mem>>)
      %dma_wait3A_791 = arith.constant 0 : i32
      %dma_wait3A_792 = tpu.memref_slice %arg6[%dma_wait3A_791] : memref<20096xi32, #tpu.memory_space<vmem>> -> memref<20000xi32, #tpu.memory_space<vmem>>
      %dma_wait3A_793 = tpu.memref_slice %arg3[%run_scoped3A_106, %mul3A_105] : memref<2x320000xi32, #tpu.memory_space<hbm>> -> memref<1x20000xi32, #tpu.memory_space<hbm>>
      %dma_wait3A_794 = tpu.memref_squeeze %dma_wait3A_793 : memref<1x20000xi32, #tpu.memory_space<hbm>> -> memref<20000xi32, #tpu.memory_space<hbm>>
      %dma_wait3A_795 = arith.constant 0 : i32
      %dma_wait3A_796 = tpu.memref_slice %arg6[%dma_wait3A_795] : memref<20096xi32, #tpu.memory_space<vmem>> -> memref<20000xi32, #tpu.memory_space<vmem>>
      %dma_wait3A_797 = tpu.memref_slice %arg3[%run_scoped3A_106, %mul3A_105] : memref<2x320000xi32, #tpu.memory_space<hbm>> -> memref<1x20000xi32, #tpu.memory_space<hbm>>
      %dma_wait3A_798 = tpu.memref_squeeze %dma_wait3A_797 : memref<1x20000xi32, #tpu.memory_space<hbm>> -> memref<20000xi32, #tpu.memory_space<hbm>>
      tpu.wait_dma2 semaphore(%run_scoped3A_782 : memref<!tpu.dma_semaphore, #tpu.memory_space<semaphore_mem>>) src(%dma_wait3A_798 : memref<20000xi32, #tpu.memory_space<hbm>>) dst(%dma_wait3A_796 : memref<20000xi32, #tpu.memory_space<vmem>>)
      tpu.yield
    }) : () -> ()
    %broadcast_in_dim3A = arith.constant 0 : i32
    %broadcast_in_dim3A_107 = vector.broadcast %broadcast_in_dim3A : i32 to vector<16xi32>
    %swap3A = arith.constant 20000 : index
    %swap3A_108 = tpu.vector_load %arg5[%swap3A] {strides = array<i32>} : memref<20096xi32, #tpu.memory_space<vmem>>, vector<16xi32>,
    %swap3A_109 = vector.shape_cast %swap3A_108 : vector<16xi32> to vector<16xi32>
    %swap3A_110 = vector.shape_cast %broadcast_in_dim3A_107 : vector<16xi32> to vector<16xi32>
    tpu.vector_store %arg5[%swap3A], %swap3A_110 {strides = array<i32>} : memref<20096xi32, #tpu.memory_space<vmem>>, vector<16xi32>,
    %broadcast_in_dim3A_111 = arith.constant 10000 : i32
    %broadcast_in_dim3A_112 = vector.broadcast %broadcast_in_dim3A_111 : i32 to vector<16xi32>
    %swap3A_113 = arith.constant 20000 : index
    %swap3A_114 = tpu.vector_load %arg6[%swap3A_113] {strides = array<i32>} : memref<20096xi32, #tpu.memory_space<vmem>>, vector<16xi32>,
    %swap3A_115 = vector.shape_cast %swap3A_114 : vector<16xi32> to vector<16xi32>
    %swap3A_116 = vector.shape_cast %broadcast_in_dim3A_112 : vector<16xi32> to vector<16xi32>
    tpu.vector_store %arg6[%swap3A_113], %swap3A_116 {strides = array<i32>} : memref<20096xi32, #tpu.memory_space<vmem>>, vector<16xi32>,
    %broadcast_in_dim3A_117 = arith.constant 0 : i32
    %broadcast_in_dim3A_118 = vector.broadcast %broadcast_in_dim3A_117 : i32 to vector<16xi32>
    %swap3A_119 = arith.constant 20016 : index
    %swap3A_120 = tpu.vector_load %arg5[%swap3A_119] {strides = array<i32>} : memref<20096xi32, #tpu.memory_space<vmem>>, vector<16xi32>,
    %swap3A_121 = vector.shape_cast %swap3A_120 : vector<16xi32> to vector<16xi32>
    %swap3A_122 = vector.shape_cast %broadcast_in_dim3A_118 : vector<16xi32> to vector<16xi32>
    tpu.vector_store %arg5[%swap3A_119], %swap3A_122 {strides = array<i32>} : memref<20096xi32, #tpu.memory_space<vmem>>, vector<16xi32>,
    %broadcast_in_dim3A_123 = arith.constant 10000 : i32
    %broadcast_in_dim3A_124 = vector.broadcast %broadcast_in_dim3A_123 : i32 to vector<16xi32>
    %swap3A_125 = arith.constant 20016 : index
    %swap3A_126 = tpu.vector_load %arg6[%swap3A_125] {strides = array<i32>} : memref<20096xi32, #tpu.memory_space<vmem>>, vector<16xi32>,
    %swap3A_127 = vector.shape_cast %swap3A_126 : vector<16xi32> to vector<16xi32>
    %swap3A_128 = vector.shape_cast %broadcast_in_dim3A_124 : vector<16xi32> to vector<16xi32>
    tpu.vector_store %arg6[%swap3A_125], %swap3A_128 {strides = array<i32>} : memref<20096xi32, #tpu.memory_space<vmem>>, vector<16xi32>,
    %broadcast_in_dim3A_129 = arith.constant 0 : i32
    %broadcast_in_dim3A_130 = vector.broadcast %broadcast_in_dim3A_129 : i32 to vector<16xi32>
    %swap3A_131 = arith.constant 20032 : index
    %swap3A_132 = tpu.vector_load %arg5[%swap3A_131] {strides = array<i32>} : memref<20096xi32, #tpu.memory_space<vmem>>, vector<16xi32>,
    %swap3A_133 = vector.shape_cast %swap3A_132 : vector<16xi32> to vector<16xi32>
    %swap3A_134 = vector.shape_cast %broadcast_in_dim3A_130 : vector<16xi32> to vector<16xi32>
    tpu.vector_store %arg5[%swap3A_131], %swap3A_134 {strides = array<i32>} : memref<20096xi32, #tpu.memory_space<vmem>>, vector<16xi32>,
    %broadcast_in_dim3A_135 = arith.constant 10000 : i32
    %broadcast_in_dim3A_136 = vector.broadcast %broadcast_in_dim3A_135 : i32 to vector<16xi32>
    %swap3A_137 = arith.constant 20032 : index
    %swap3A_138 = tpu.vector_load %arg6[%swap3A_137] {strides = array<i32>} : memref<20096xi32, #tpu.memory_space<vmem>>, vector<16xi32>,
    %swap3A_139 = vector.shape_cast %swap3A_138 : vector<16xi32> to vector<16xi32>
    %swap3A_140 = vector.shape_cast %broadcast_in_dim3A_136 : vector<16xi32> to vector<16xi32>
    tpu.vector_store %arg6[%swap3A_137], %swap3A_140 {strides = array<i32>} : memref<20096xi32, #tpu.memory_space<vmem>>, vector<16xi32>,
    %broadcast_in_dim3A_141 = arith.constant 0 : i32
    %broadcast_in_dim3A_142 = vector.broadcast %broadcast_in_dim3A_141 : i32 to vector<16xi32>
    %swap3A_143 = arith.constant 20048 : index
    %swap3A_144 = tpu.vector_load %arg5[%swap3A_143] {strides = array<i32>} : memref<20096xi32, #tpu.memory_space<vmem>>, vector<16xi32>,
    %swap3A_145 = vector.shape_cast %swap3A_144 : vector<16xi32> to vector<16xi32>
    %swap3A_146 = vector.shape_cast %broadcast_in_dim3A_142 : vector<16xi32> to vector<16xi32>
    tpu.vector_store %arg5[%swap3A_143], %swap3A_146 {strides = array<i32>} : memref<20096xi32, #tpu.memory_space<vmem>>, vector<16xi32>,
    %broadcast_in_dim3A_147 = arith.constant 10000 : i32
    %broadcast_in_dim3A_148 = vector.broadcast %broadcast_in_dim3A_147 : i32 to vector<16xi32>
    %swap3A_149 = arith.constant 20048 : index
    %swap3A_150 = tpu.vector_load %arg6[%swap3A_149] {strides = array<i32>} : memref<20096xi32, #tpu.memory_space<vmem>>, vector<16xi32>,
    %swap3A_151 = vector.shape_cast %swap3A_150 : vector<16xi32> to vector<16xi32>
    %swap3A_152 = vector.shape_cast %broadcast_in_dim3A_148 : vector<16xi32> to vector<16xi32>
    tpu.vector_store %arg6[%swap3A_149], %swap3A_152 {strides = array<i32>} : memref<20096xi32, #tpu.memory_space<vmem>>, vector<16xi32>,
    %broadcast_in_dim3A_153 = arith.constant 0 : i32
    %broadcast_in_dim3A_154 = vector.broadcast %broadcast_in_dim3A_153 : i32 to vector<16xi32>
    %swap3A_155 = arith.constant 20064 : index
    %swap3A_156 = tpu.vector_load %arg5[%swap3A_155] {strides = array<i32>} : memref<20096xi32, #tpu.memory_space<vmem>>, vector<16xi32>,
    %swap3A_157 = vector.shape_cast %swap3A_156 : vector<16xi32> to vector<16xi32>
    %swap3A_158 = vector.shape_cast %broadcast_in_dim3A_154 : vector<16xi32> to vector<16xi32>
    tpu.vector_store %arg5[%swap3A_155], %swap3A_158 {strides = array<i32>} : memref<20096xi32, #tpu.memory_space<vmem>>, vector<16xi32>,
    %broadcast_in_dim3A_159 = arith.constant 10000 : i32
    %broadcast_in_dim3A_160 = vector.broadcast %broadcast_in_dim3A_159 : i32 to vector<16xi32>
    %swap3A_161 = arith.constant 20064 : index
    %swap3A_162 = tpu.vector_load %arg6[%swap3A_161] {strides = array<i32>} : memref<20096xi32, #tpu.memory_space<vmem>>, vector<16xi32>,
    %swap3A_163 = vector.shape_cast %swap3A_162 : vector<16xi32> to vector<16xi32>
    %swap3A_164 = vector.shape_cast %broadcast_in_dim3A_160 : vector<16xi32> to vector<16xi32>
    tpu.vector_store %arg6[%swap3A_161], %swap3A_164 {strides = array<i32>} : memref<20096xi32, #tpu.memory_space<vmem>>, vector<16xi32>,
    %broadcast_in_dim3A_165 = arith.constant 0 : i32
    %broadcast_in_dim3A_166 = vector.broadcast %broadcast_in_dim3A_165 : i32 to vector<16xi32>
    %swap3A_167 = arith.constant 20080 : index
    %swap3A_168 = tpu.vector_load %arg5[%swap3A_167] {strides = array<i32>} : memref<20096xi32, #tpu.memory_space<vmem>>, vector<16xi32>,
    %swap3A_169 = vector.shape_cast %swap3A_168 : vector<16xi32> to vector<16xi32>
    %swap3A_170 = vector.shape_cast %broadcast_in_dim3A_166 : vector<16xi32> to vector<16xi32>
    tpu.vector_store %arg5[%swap3A_167], %swap3A_170 {strides = array<i32>} : memref<20096xi32, #tpu.memory_space<vmem>>, vector<16xi32>,
    %broadcast_in_dim3A_171 = arith.constant 10000 : i32
    %broadcast_in_dim3A_172 = vector.broadcast %broadcast_in_dim3A_171 : i32 to vector<16xi32>
    %swap3A_173 = arith.constant 20080 : index
    %swap3A_174 = tpu.vector_load %arg6[%swap3A_173] {strides = array<i32>} : memref<20096xi32, #tpu.memory_space<vmem>>, vector<16xi32>,
    %swap3A_175 = vector.shape_cast %swap3A_174 : vector<16xi32> to vector<16xi32>
    %swap3A_176 = vector.shape_cast %broadcast_in_dim3A_172 : vector<16xi32> to vector<16xi32>
    tpu.vector_store %arg6[%swap3A_173], %swap3A_176 {strides = array<i32>} : memref<20096xi32, #tpu.memory_space<vmem>>, vector<16xi32>,
    %dma_wait3A = arith.constant 0 : i32
    %dma_wait3A_177 = arith.constant 0 : i32
    %dma_wait3A_178 = arith.constant 0 : i32
    %dma_wait3A_179 = arith.constant 0 : i32
    %dma_wait3A_180 = arith.constant 0 : i32
    %dma_wait3A_181 = tpu.memref_slice %arg7[%dma_wait3A_177, %dma_wait3A_179, %dma_wait3A_180] : memref<12x128x64xbf16, #tpu.memory_space<vmem>> -> memref<1x128x64xbf16, #tpu.memory_space<vmem>>
    %dma_wait3A_182 = tpu.memref_squeeze %dma_wait3A_181 : memref<1x128x64xbf16, #tpu.memory_space<vmem>> -> memref<128x64xbf16, #tpu.memory_space<vmem>>
    %dma_wait3A_183 = arith.constant 0 : i32
    %dma_wait3A_184 = arith.constant 0 : i32
    %dma_wait3A_185 = tpu.memref_slice %arg2[%dma_wait3A, %dma_wait3A_183, %dma_wait3A_184] : memref<2x10240x64xbf16, #tpu.memory_space<hbm>> -> memref<1x10240x64xbf16, #tpu.memory_space<hbm>>
    %dma_wait3A_186 = tpu.memref_squeeze %dma_wait3A_185 : memref<1x10240x64xbf16, #tpu.memory_space<hbm>> -> memref<10240x64xbf16, #tpu.memory_space<hbm>>
    %dma_wait3A_187 = arith.constant 0 : i32
    %dma_wait3A_188 = arith.constant 0 : i32
    %dma_wait3A_189 = tpu.memref_slice %dma_wait3A_186[%dma_wait3A_187, %dma_wait3A_188] : memref<10240x64xbf16, #tpu.memory_space<hbm>> -> memref<128x64xbf16, #tpu.memory_space<hbm>>
    %dma_wait3A_190 = tpu.memref_slice %arg10[%dma_wait3A_178] : memref<12x!tpu.dma_semaphore, #tpu.memory_space<semaphore_mem>> -> memref<1x!tpu.dma_semaphore, #tpu.memory_space<semaphore_mem>>
    %dma_wait3A_191 = tpu.memref_squeeze %dma_wait3A_190 : memref<1x!tpu.dma_semaphore, #tpu.memory_space<semaphore_mem>> -> memref<!tpu.dma_semaphore, #tpu.memory_space<semaphore_mem>>
    %dma_wait3A_192 = arith.constant 0 : i32
    %dma_wait3A_193 = arith.constant 0 : i32
    %dma_wait3A_194 = tpu.memref_slice %arg7[%dma_wait3A_177, %dma_wait3A_192, %dma_wait3A_193] : memref<12x128x64xbf16, #tpu.memory_space<vmem>> -> memref<1x128x64xbf16, #tpu.memory_space<vmem>>
    %dma_wait3A_195 = tpu.memref_squeeze %dma_wait3A_194 : memref<1x128x64xbf16, #tpu.memory_space<vmem>> -> memref<128x64xbf16, #tpu.memory_space<vmem>>
    %dma_wait3A_196 = arith.constant 0 : i32
    %dma_wait3A_197 = arith.constant 0 : i32
    %dma_wait3A_198 = tpu.memref_slice %arg2[%dma_wait3A, %dma_wait3A_196, %dma_wait3A_197] : memref<2x10240x64xbf16, #tpu.memory_space<hbm>> -> memref<1x10240x64xbf16, #tpu.memory_space<hbm>>
    %dma_wait3A_199 = tpu.memref_squeeze %dma_wait3A_198 : memref<1x10240x64xbf16, #tpu.memory_space<hbm>> -> memref<10240x64xbf16, #tpu.memory_space<hbm>>
    %dma_wait3A_200 = arith.constant 0 : i32
    %dma_wait3A_201 = arith.constant 0 : i32
    %dma_wait3A_202 = tpu.memref_slice %dma_wait3A_199[%dma_wait3A_200, %dma_wait3A_201] : memref<10240x64xbf16, #tpu.memory_space<hbm>> -> memref<128x64xbf16, #tpu.memory_space<hbm>>
    tpu.wait_dma2 semaphore(%dma_wait3A_191 : memref<!tpu.dma_semaphore, #tpu.memory_space<semaphore_mem>>) src(%dma_wait3A_202 : memref<128x64xbf16, #tpu.memory_space<hbm>>) dst(%dma_wait3A_195 : memref<128x64xbf16, #tpu.memory_space<vmem>>)
    %dma_wait3A_203 = arith.constant 0 : i32
    %dma_wait3A_204 = arith.constant 0 : i32
    %dma_wait3A_205 = arith.constant 0 : i32
    %dma_wait3A_206 = arith.constant 0 : i32
    %dma_wait3A_207 = arith.constant 0 : i32
    %dma_wait3A_208 = tpu.memref_slice %arg7[%dma_wait3A_204, %dma_wait3A_206, %dma_wait3A_207] : memref<12x128x64xbf16, #tpu.memory_space<vmem>> -> memref<1x128x64xbf16, #tpu.memory_space<vmem>>
    %dma_wait3A_209 = tpu.memref_squeeze %dma_wait3A_208 : memref<1x128x64xbf16, #tpu.memory_space<vmem>> -> memref<128x64xbf16, #tpu.memory_space<vmem>>
    %dma_wait3A_210 = arith.constant 0 : i32
    %dma_wait3A_211 = arith.constant 0 : i32
    %dma_wait3A_212 = tpu.memref_slice %arg2[%dma_wait3A_203, %dma_wait3A_210, %dma_wait3A_211] : memref<2x10240x64xbf16, #tpu.memory_space<hbm>> -> memref<1x10240x64xbf16, #tpu.memory_space<hbm>>
    %dma_wait3A_213 = tpu.memref_squeeze %dma_wait3A_212 : memref<1x10240x64xbf16, #tpu.memory_space<hbm>> -> memref<10240x64xbf16, #tpu.memory_space<hbm>>
    %dma_wait3A_214 = arith.constant 0 : i32
    %dma_wait3A_215 = arith.constant 0 : i32
    %dma_wait3A_216 = tpu.memref_slice %dma_wait3A_213[%dma_wait3A_214, %dma_wait3A_215] : memref<10240x64xbf16, #tpu.memory_space<hbm>> -> memref<128x64xbf16, #tpu.memory_space<hbm>>
    %dma_wait3A_217 = tpu.memref_slice %arg10[%dma_wait3A_205] : memref<12x!tpu.dma_semaphore, #tpu.memory_space<semaphore_mem>> -> memref<1x!tpu.dma_semaphore, #tpu.memory_space<semaphore_mem>>
    %dma_wait3A_218 = tpu.memref_squeeze %dma_wait3A_217 : memref<1x!tpu.dma_semaphore, #tpu.memory_space<semaphore_mem>> -> memref<!tpu.dma_semaphore, #tpu.memory_space<semaphore_mem>>
    %dma_wait3A_219 = arith.constant 0 : i32
    %dma_wait3A_220 = arith.constant 0 : i32
    %dma_wait3A_221 = tpu.memref_slice %arg7[%dma_wait3A_204, %dma_wait3A_219, %dma_wait3A_220] : memref<12x128x64xbf16, #tpu.memory_space<vmem>> -> memref<1x128x64xbf16, #tpu.memory_space<vmem>>
    %dma_wait3A_222 = tpu.memref_squeeze %dma_wait3A_221 : memref<1x128x64xbf16, #tpu.memory_space<vmem>> -> memref<128x64xbf16, #tpu.memory_space<vmem>>
    %dma_wait3A_223 = arith.constant 0 : i32
    %dma_wait3A_224 = arith.constant 0 : i32
    %dma_wait3A_225 = tpu.memref_slice %arg2[%dma_wait3A_203, %dma_wait3A_223, %dma_wait3A_224] : memref<2x10240x64xbf16, #tpu.memory_space<hbm>> -> memref<1x10240x64xbf16, #tpu.memory_space<hbm>>
    %dma_wait3A_226 = tpu.memref_squeeze %dma_wait3A_225 : memref<1x10240x64xbf16, #tpu.memory_space<hbm>> -> memref<10240x64xbf16, #tpu.memory_space<hbm>>
    %dma_wait3A_227 = arith.constant 0 : i32
    %dma_wait3A_228 = arith.constant 0 : i32
    %dma_wait3A_229 = tpu.memref_slice %dma_wait3A_226[%dma_wait3A_227, %dma_wait3A_228] : memref<10240x64xbf16, #tpu.memory_space<hbm>> -> memref<128x64xbf16, #tpu.memory_space<hbm>>
    tpu.wait_dma2 semaphore(%dma_wait3A_218 : memref<!tpu.dma_semaphore, #tpu.memory_space<semaphore_mem>>) src(%dma_wait3A_229 : memref<128x64xbf16, #tpu.memory_space<hbm>>) dst(%dma_wait3A_222 : memref<128x64xbf16, #tpu.memory_space<vmem>>)
    %dma_wait3A_230 = arith.constant 0 : i32
    %dma_wait3A_231 = arith.constant 0 : i32
    %dma_wait3A_232 = arith.constant 0 : i32
    %dma_wait3A_233 = arith.constant 0 : i32
    %dma_wait3A_234 = arith.constant 0 : i32
    %dma_wait3A_235 = tpu.memref_slice %arg7[%dma_wait3A_231, %dma_wait3A_233, %dma_wait3A_234] : memref<12x128x64xbf16, #tpu.memory_space<vmem>> -> memref<1x128x64xbf16, #tpu.memory_space<vmem>>
    %dma_wait3A_236 = tpu.memref_squeeze %dma_wait3A_235 : memref<1x128x64xbf16, #tpu.memory_space<vmem>> -> memref<128x64xbf16, #tpu.memory_space<vmem>>
    %dma_wait3A_237 = arith.constant 0 : i32
    %dma_wait3A_238 = arith.constant 0 : i32
    %dma_wait3A_239 = tpu.memref_slice %arg2[%dma_wait3A_230, %dma_wait3A_237, %dma_wait3A_238] : memref<2x10240x64xbf16, #tpu.memory_space<hbm>> -> memref<1x10240x64xbf16, #tpu.memory_space<hbm>>
    %dma_wait3A_240 = tpu.memref_squeeze %dma_wait3A_239 : memref<1x10240x64xbf16, #tpu.memory_space<hbm>> -> memref<10240x64xbf16, #tpu.memory_space<hbm>>
    %dma_wait3A_241 = arith.constant 0 : i32
    %dma_wait3A_242 = arith.constant 0 : i32
    %dma_wait3A_243 = tpu.memref_slice %dma_wait3A_240[%dma_wait3A_241, %dma_wait3A_242] : memref<10240x64xbf16, #tpu.memory_space<hbm>> -> memref<128x64xbf16, #tpu.memory_space<hbm>>
    %dma_wait3A_244 = tpu.memref_slice %arg10[%dma_wait3A_232] : memref<12x!tpu.dma_semaphore, #tpu.memory_space<semaphore_mem>> -> memref<1x!tpu.dma_semaphore, #tpu.memory_space<semaphore_mem>>
    %dma_wait3A_245 = tpu.memref_squeeze %dma_wait3A_244 : memref<1x!tpu.dma_semaphore, #tpu.memory_space<semaphore_mem>> -> memref<!tpu.dma_semaphore, #tpu.memory_space<semaphore_mem>>
    %dma_wait3A_246 = arith.constant 0 : i32
    %dma_wait3A_247 = arith.constant 0 : i32
    %dma_wait3A_248 = tpu.memref_slice %arg7[%dma_wait3A_231, %dma_wait3A_246, %dma_wait3A_247] : memref<12x128x64xbf16, #tpu.memory_space<vmem>> -> memref<1x128x64xbf16, #tpu.memory_space<vmem>>
    %dma_wait3A_249 = tpu.memref_squeeze %dma_wait3A_248 : memref<1x128x64xbf16, #tpu.memory_space<vmem>> -> memref<128x64xbf16, #tpu.memory_space<vmem>>
    %dma_wait3A_250 = arith.constant 0 : i32
    %dma_wait3A_251 = arith.constant 0 : i32
    %dma_wait3A_252 = tpu.memref_slice %arg2[%dma_wait3A_230, %dma_wait3A_250, %dma_wait3A_251] : memref<2x10240x64xbf16, #tpu.memory_space<hbm>> -> memref<1x10240x64xbf16, #tpu.memory_space<hbm>>
    %dma_wait3A_253 = tpu.memref_squeeze %dma_wait3A_252 : memref<1x10240x64xbf16, #tpu.memory_space<hbm>> -> memref<10240x64xbf16, #tpu.memory_space<hbm>>
    %dma_wait3A_254 = arith.constant 0 : i32
    %dma_wait3A_255 = arith.constant 0 : i32
    %dma_wait3A_256 = tpu.memref_slice %dma_wait3A_253[%dma_wait3A_254, %dma_wait3A_255] : memref<10240x64xbf16, #tpu.memory_space<hbm>> -> memref<128x64xbf16, #tpu.memory_space<hbm>>
    tpu.wait_dma2 semaphore(%dma_wait3A_245 : memref<!tpu.dma_semaphore, #tpu.memory_space<semaphore_mem>>) src(%dma_wait3A_256 : memref<128x64xbf16, #tpu.memory_space<hbm>>) dst(%dma_wait3A_249 : memref<128x64xbf16, #tpu.memory_space<vmem>>)
    %dma_wait3A_257 = arith.constant 0 : i32
    %dma_wait3A_258 = arith.constant 0 : i32
    %dma_wait3A_259 = arith.constant 0 : i32
    %dma_wait3A_260 = arith.constant 0 : i32
    %dma_wait3A_261 = arith.constant 0 : i32
    %dma_wait3A_262 = tpu.memref_slice %arg7[%dma_wait3A_258, %dma_wait3A_260, %dma_wait3A_261] : memref<12x128x64xbf16, #tpu.memory_space<vmem>> -> memref<1x128x64xbf16, #tpu.memory_space<vmem>>
    %dma_wait3A_263 = tpu.memref_squeeze %dma_wait3A_262 : memref<1x128x64xbf16, #tpu.memory_space<vmem>> -> memref<128x64xbf16, #tpu.memory_space<vmem>>
    %dma_wait3A_264 = arith.constant 0 : i32
    %dma_wait3A_265 = arith.constant 0 : i32
    %dma_wait3A_266 = tpu.memref_slice %arg2[%dma_wait3A_257, %dma_wait3A_264, %dma_wait3A_265] : memref<2x10240x64xbf16, #tpu.memory_space<hbm>> -> memref<1x10240x64xbf16, #tpu.memory_space<hbm>>
    %dma_wait3A_267 = tpu.memref_squeeze %dma_wait3A_266 : memref<1x10240x64xbf16, #tpu.memory_space<hbm>> -> memref<10240x64xbf16, #tpu.memory_space<hbm>>
    %dma_wait3A_268 = arith.constant 0 : i32
    %dma_wait3A_269 = arith.constant 0 : i32
    %dma_wait3A_270 = tpu.memref_slice %dma_wait3A_267[%dma_wait3A_268, %dma_wait3A_269] : memref<10240x64xbf16, #tpu.memory_space<hbm>> -> memref<128x64xbf16, #tpu.memory_space<hbm>>
    %dma_wait3A_271 = tpu.memref_slice %arg10[%dma_wait3A_259] : memref<12x!tpu.dma_semaphore, #tpu.memory_space<semaphore_mem>> -> memref<1x!tpu.dma_semaphore, #tpu.memory_space<semaphore_mem>>
    %dma_wait3A_272 = tpu.memref_squeeze %dma_wait3A_271 : memref<1x!tpu.dma_semaphore, #tpu.memory_space<semaphore_mem>> -> memref<!tpu.dma_semaphore, #tpu.memory_space<semaphore_mem>>
    %dma_wait3A_273 = arith.constant 0 : i32
    %dma_wait3A_274 = arith.constant 0 : i32
    %dma_wait3A_275 = tpu.memref_slice %arg7[%dma_wait3A_258, %dma_wait3A_273, %dma_wait3A_274] : memref<12x128x64xbf16, #tpu.memory_space<vmem>> -> memref<1x128x64xbf16, #tpu.memory_space<vmem>>
    %dma_wait3A_276 = tpu.memref_squeeze %dma_wait3A_275 : memref<1x128x64xbf16, #tpu.memory_space<vmem>> -> memref<128x64xbf16, #tpu.memory_space<vmem>>
    %dma_wait3A_277 = arith.constant 0 : i32
    %dma_wait3A_278 = arith.constant 0 : i32
    %dma_wait3A_279 = tpu.memref_slice %arg2[%dma_wait3A_257, %dma_wait3A_277, %dma_wait3A_278] : memref<2x10240x64xbf16, #tpu.memory_space<hbm>> -> memref<1x10240x64xbf16, #tpu.memory_space<hbm>>
    %dma_wait3A_280 = tpu.memref_squeeze %dma_wait3A_279 : memref<1x10240x64xbf16, #tpu.memory_space<hbm>> -> memref<10240x64xbf16, #tpu.memory_space<hbm>>
    %dma_wait3A_281 = arith.constant 0 : i32
    %dma_wait3A_282 = arith.constant 0 : i32
    %dma_wait3A_283 = tpu.memref_slice %dma_wait3A_280[%dma_wait3A_281, %dma_wait3A_282] : memref<10240x64xbf16, #tpu.memory_space<hbm>> -> memref<128x64xbf16, #tpu.memory_space<hbm>>
    tpu.wait_dma2 semaphore(%dma_wait3A_272 : memref<!tpu.dma_semaphore, #tpu.memory_space<semaphore_mem>>) src(%dma_wait3A_283 : memref<128x64xbf16, #tpu.memory_space<hbm>>) dst(%dma_wait3A_276 : memref<128x64xbf16, #tpu.memory_space<vmem>>)
    %dma_wait3A_284 = arith.constant 0 : i32
    %dma_wait3A_285 = arith.constant 0 : i32
    %dma_wait3A_286 = arith.constant 0 : i32
    %dma_wait3A_287 = arith.constant 0 : i32
    %dma_wait3A_288 = arith.constant 0 : i32
    %dma_wait3A_289 = tpu.memref_slice %arg7[%dma_wait3A_285, %dma_wait3A_287, %dma_wait3A_288] : memref<12x128x64xbf16, #tpu.memory_space<vmem>> -> memref<1x128x64xbf16, #tpu.memory_space<vmem>>
    %dma_wait3A_290 = tpu.memref_squeeze %dma_wait3A_289 : memref<1x128x64xbf16, #tpu.memory_space<vmem>> -> memref<128x64xbf16, #tpu.memory_space<vmem>>
    %dma_wait3A_291 = arith.constant 0 : i32
    %dma_wait3A_292 = arith.constant 0 : i32
    %dma_wait3A_293 = tpu.memref_slice %arg2[%dma_wait3A_284, %dma_wait3A_291, %dma_wait3A_292] : memref<2x10240x64xbf16, #tpu.memory_space<hbm>> -> memref<1x10240x64xbf16, #tpu.memory_space<hbm>>
    %dma_wait3A_294 = tpu.memref_squeeze %dma_wait3A_293 : memref<1x10240x64xbf16, #tpu.memory_space<hbm>> -> memref<10240x64xbf16, #tpu.memory_space<hbm>>
    %dma_wait3A_295 = arith.constant 0 : i32
    %dma_wait3A_296 = arith.constant 0 : i32
    %dma_wait3A_297 = tpu.memref_slice %dma_wait3A_294[%dma_wait3A_295, %dma_wait3A_296] : memref<10240x64xbf16, #tpu.memory_space<hbm>> -> memref<128x64xbf16, #tpu.memory_space<hbm>>
    %dma_wait3A_298 = tpu.memref_slice %arg10[%dma_wait3A_286] : memref<12x!tpu.dma_semaphore, #tpu.memory_space<semaphore_mem>> -> memref<1x!tpu.dma_semaphore, #tpu.memory_space<semaphore_mem>>
    %dma_wait3A_299 = tpu.memref_squeeze %dma_wait3A_298 : memref<1x!tpu.dma_semaphore, #tpu.memory_space<semaphore_mem>> -> memref<!tpu.dma_semaphore, #tpu.memory_space<semaphore_mem>>
    %dma_wait3A_300 = arith.constant 0 : i32
    %dma_wait3A_301 = arith.constant 0 : i32
    %dma_wait3A_302 = tpu.memref_slice %arg7[%dma_wait3A_285, %dma_wait3A_300, %dma_wait3A_301] : memref<12x128x64xbf16, #tpu.memory_space<vmem>> -> memref<1x128x64xbf16, #tpu.memory_space<vmem>>
    %dma_wait3A_303 = tpu.memref_squeeze %dma_wait3A_302 : memref<1x128x64xbf16, #tpu.memory_space<vmem>> -> memref<128x64xbf16, #tpu.memory_space<vmem>>
    %dma_wait3A_304 = arith.constant 0 : i32
    %dma_wait3A_305 = arith.constant 0 : i32
    %dma_wait3A_306 = tpu.memref_slice %arg2[%dma_wait3A_284, %dma_wait3A_304, %dma_wait3A_305] : memref<2x10240x64xbf16, #tpu.memory_space<hbm>> -> memref<1x10240x64xbf16, #tpu.memory_space<hbm>>
    %dma_wait3A_307 = tpu.memref_squeeze %dma_wait3A_306 : memref<1x10240x64xbf16, #tpu.memory_space<hbm>> -> memref<10240x64xbf16, #tpu.memory_space<hbm>>
    %dma_wait3A_308 = arith.constant 0 : i32
    %dma_wait3A_309 = arith.constant 0 : i32
    %dma_wait3A_310 = tpu.memref_slice %dma_wait3A_307[%dma_wait3A_308, %dma_wait3A_309] : memref<10240x64xbf16, #tpu.memory_space<hbm>> -> memref<128x64xbf16, #tpu.memory_space<hbm>>
    tpu.wait_dma2 semaphore(%dma_wait3A_299 : memref<!tpu.dma_semaphore, #tpu.memory_space<semaphore_mem>>) src(%dma_wait3A_310 : memref<128x64xbf16, #tpu.memory_space<hbm>>) dst(%dma_wait3A_303 : memref<128x64xbf16, #tpu.memory_space<vmem>>)
    %barrier3A = arith.constant 0 : index
    tpu.barrier barrier_id(%barrier3A)
    %dma_start3A_311 = arith.constant 0 : i32
    %dma_start3A_312 = arith.constant 0 : i32
    %dma_start3A_313 = arith.constant 0 : i32
    %dma_start3A_314 = arith.constant 0 : i32
    %dma_start3A_315 = tpu.memref_slice %arg7[%dma_start3A_311, %dma_start3A_313, %dma_start3A_314] : memref<12x128x64xbf16, #tpu.memory_space<vmem>> -> memref<1x128x64xbf16, #tpu.memory_space<vmem>>
    %dma_start3A_316 = tpu.memref_squeeze %dma_start3A_315 : memref<1x128x64xbf16, #tpu.memory_space<vmem>> -> memref<128x64xbf16, #tpu.memory_space<vmem>>
    %dma_start3A_317 = arith.constant 0 : i32
    %dma_start3A_318 = tpu.memref_slice %arg5[%dma_start3A_317] : memref<20096xi32, #tpu.memory_space<vmem>> -> memref<128xi32, #tpu.memory_space<vmem>>
    %dma_start3A_319 = arith.constant 0 : i32
    %dma_start3A_320 = arith.constant 0 : i32
    %dma_start3A_321 = tpu.memref_slice %arg2[%arg0, %dma_start3A_319, %dma_start3A_320] : memref<2x10240x64xbf16, #tpu.memory_space<hbm>> -> memref<1x10240x64xbf16, #tpu.memory_space<hbm>>
    %dma_start3A_322 = tpu.memref_squeeze %dma_start3A_321 : memref<1x10240x64xbf16, #tpu.memory_space<hbm>> -> memref<10240x64xbf16, #tpu.memory_space<hbm>>
    %dma_start3A_323 = arith.constant 0 : i32
    %dma_start3A_324 = arith.constant 0 : i32
    %dma_start3A_325 = tpu.memref_slice %dma_start3A_322[%dma_start3A_323, %dma_start3A_324] : memref<10240x64xbf16, #tpu.memory_space<hbm>> -> memref<10240x64xbf16, #tpu.memory_space<hbm>>
    %dma_start3A_326 = tpu.memref_slice %arg9[%dma_start3A_312] : memref<12x!tpu.dma_semaphore, #tpu.memory_space<semaphore_mem>> -> memref<1x!tpu.dma_semaphore, #tpu.memory_space<semaphore_mem>>
    %dma_start3A_327 = tpu.memref_squeeze %dma_start3A_326 : memref<1x!tpu.dma_semaphore, #tpu.memory_space<semaphore_mem>> -> memref<!tpu.dma_semaphore, #tpu.memory_space<semaphore_mem>>
    tpu.enqueue_indirect_dma source(%dma_start3A_325 : memref<10240x64xbf16, #tpu.memory_space<hbm>>) target(%dma_start3A_316 : memref<128x64xbf16, #tpu.memory_space<vmem>>) offsets(%dma_start3A_318 : memref<128xi32, #tpu.memory_space<vmem>>) semaphore(%dma_start3A_327 : memref<!tpu.dma_semaphore, #tpu.memory_space<semaphore_mem>>)
    %dma_start3A_328 = arith.constant 1 : i32
    %dma_start3A_329 = arith.constant 1 : i32
    %dma_start3A_330 = arith.constant 0 : i32
    %dma_start3A_331 = arith.constant 0 : i32
    %dma_start3A_332 = tpu.memref_slice %arg7[%dma_start3A_328, %dma_start3A_330, %dma_start3A_331] : memref<12x128x64xbf16, #tpu.memory_space<vmem>> -> memref<1x128x64xbf16, #tpu.memory_space<vmem>>
    %dma_start3A_333 = tpu.memref_squeeze %dma_start3A_332 : memref<1x128x64xbf16, #tpu.memory_space<vmem>> -> memref<128x64xbf16, #tpu.memory_space<vmem>>
    %dma_start3A_334 = arith.constant 128 : i32
    %dma_start3A_335 = tpu.memref_slice %arg5[%dma_start3A_334] : memref<20096xi32, #tpu.memory_space<vmem>> -> memref<128xi32, #tpu.memory_space<vmem>>
    %dma_start3A_336 = arith.constant 0 : i32
    %dma_start3A_337 = arith.constant 0 : i32
    %dma_start3A_338 = tpu.memref_slice %arg2[%arg0, %dma_start3A_336, %dma_start3A_337] : memref<2x10240x64xbf16, #tpu.memory_space<hbm>> -> memref<1x10240x64xbf16, #tpu.memory_space<hbm>>
    %dma_start3A_339 = tpu.memref_squeeze %dma_start3A_338 : memref<1x10240x64xbf16, #tpu.memory_space<hbm>> -> memref<10240x64xbf16, #tpu.memory_space<hbm>>
    %dma_start3A_340 = arith.constant 0 : i32
    %dma_start3A_341 = arith.constant 0 : i32
    %dma_start3A_342 = tpu.memref_slice %dma_start3A_339[%dma_start3A_340, %dma_start3A_341] : memref<10240x64xbf16, #tpu.memory_space<hbm>> -> memref<10240x64xbf16, #tpu.memory_space<hbm>>
    %dma_start3A_343 = tpu.memref_slice %arg9[%dma_start3A_329] : memref<12x!tpu.dma_semaphore, #tpu.memory_space<semaphore_mem>> -> memref<1x!tpu.dma_semaphore, #tpu.memory_space<semaphore_mem>>
    %dma_start3A_344 = tpu.memref_squeeze %dma_start3A_343 : memref<1x!tpu.dma_semaphore, #tpu.memory_space<semaphore_mem>> -> memref<!tpu.dma_semaphore, #tpu.memory_space<semaphore_mem>>
    tpu.enqueue_indirect_dma source(%dma_start3A_342 : memref<10240x64xbf16, #tpu.memory_space<hbm>>) target(%dma_start3A_333 : memref<128x64xbf16, #tpu.memory_space<vmem>>) offsets(%dma_start3A_335 : memref<128xi32, #tpu.memory_space<vmem>>) semaphore(%dma_start3A_344 : memref<!tpu.dma_semaphore, #tpu.memory_space<semaphore_mem>>)
    %dma_start3A_345 = arith.constant 2 : i32
    %dma_start3A_346 = arith.constant 2 : i32
    %dma_start3A_347 = arith.constant 0 : i32
    %dma_start3A_348 = arith.constant 0 : i32
    %dma_start3A_349 = tpu.memref_slice %arg7[%dma_start3A_345, %dma_start3A_347, %dma_start3A_348] : memref<12x128x64xbf16, #tpu.memory_space<vmem>> -> memref<1x128x64xbf16, #tpu.memory_space<vmem>>
    %dma_start3A_350 = tpu.memref_squeeze %dma_start3A_349 : memref<1x128x64xbf16, #tpu.memory_space<vmem>> -> memref<128x64xbf16, #tpu.memory_space<vmem>>
    %dma_start3A_351 = arith.constant 256 : i32
    %dma_start3A_352 = tpu.memref_slice %arg5[%dma_start3A_351] : memref<20096xi32, #tpu.memory_space<vmem>> -> memref<128xi32, #tpu.memory_space<vmem>>
    %dma_start3A_353 = arith.constant 0 : i32
    %dma_start3A_354 = arith.constant 0 : i32
    %dma_start3A_355 = tpu.memref_slice %arg2[%arg0, %dma_start3A_353, %dma_start3A_354] : memref<2x10240x64xbf16, #tpu.memory_space<hbm>> -> memref<1x10240x64xbf16, #tpu.memory_space<hbm>>
    %dma_start3A_356 = tpu.memref_squeeze %dma_start3A_355 : memref<1x10240x64xbf16, #tpu.memory_space<hbm>> -> memref<10240x64xbf16, #tpu.memory_space<hbm>>
    %dma_start3A_357 = arith.constant 0 : i32
    %dma_start3A_358 = arith.constant 0 : i32
    %dma_start3A_359 = tpu.memref_slice %dma_start3A_356[%dma_start3A_357, %dma_start3A_358] : memref<10240x64xbf16, #tpu.memory_space<hbm>> -> memref<10240x64xbf16, #tpu.memory_space<hbm>>
    %dma_start3A_360 = tpu.memref_slice %arg9[%dma_start3A_346] : memref<12x!tpu.dma_semaphore, #tpu.memory_space<semaphore_mem>> -> memref<1x!tpu.dma_semaphore, #tpu.memory_space<semaphore_mem>>
    %dma_start3A_361 = tpu.memref_squeeze %dma_start3A_360 : memref<1x!tpu.dma_semaphore, #tpu.memory_space<semaphore_mem>> -> memref<!tpu.dma_semaphore, #tpu.memory_space<semaphore_mem>>
    tpu.enqueue_indirect_dma source(%dma_start3A_359 : memref<10240x64xbf16, #tpu.memory_space<hbm>>) target(%dma_start3A_350 : memref<128x64xbf16, #tpu.memory_space<vmem>>) offsets(%dma_start3A_352 : memref<128xi32, #tpu.memory_space<vmem>>) semaphore(%dma_start3A_361 : memref<!tpu.dma_semaphore, #tpu.memory_space<semaphore_mem>>)
    %dma_start3A_362 = arith.constant 3 : i32
    %dma_start3A_363 = arith.constant 3 : i32
    %dma_start3A_364 = arith.constant 0 : i32
    %dma_start3A_365 = arith.constant 0 : i32
    %dma_start3A_366 = tpu.memref_slice %arg7[%dma_start3A_362, %dma_start3A_364, %dma_start3A_365] : memref<12x128x64xbf16, #tpu.memory_space<vmem>> -> memref<1x128x64xbf16, #tpu.memory_space<vmem>>
    %dma_start3A_367 = tpu.memref_squeeze %dma_start3A_366 : memref<1x128x64xbf16, #tpu.memory_space<vmem>> -> memref<128x64xbf16, #tpu.memory_space<vmem>>
    %dma_start3A_368 = arith.constant 384 : i32
    %dma_start3A_369 = tpu.memref_slice %arg5[%dma_start3A_368] : memref<20096xi32, #tpu.memory_space<vmem>> -> memref<128xi32, #tpu.memory_space<vmem>>
    %dma_start3A_370 = arith.constant 0 : i32
    %dma_start3A_371 = arith.constant 0 : i32
    %dma_start3A_372 = tpu.memref_slice %arg2[%arg0, %dma_start3A_370, %dma_start3A_371] : memref<2x10240x64xbf16, #tpu.memory_space<hbm>> -> memref<1x10240x64xbf16, #tpu.memory_space<hbm>>
    %dma_start3A_373 = tpu.memref_squeeze %dma_start3A_372 : memref<1x10240x64xbf16, #tpu.memory_space<hbm>> -> memref<10240x64xbf16, #tpu.memory_space<hbm>>
    %dma_start3A_374 = arith.constant 0 : i32
    %dma_start3A_375 = arith.constant 0 : i32
    %dma_start3A_376 = tpu.memref_slice %dma_start3A_373[%dma_start3A_374, %dma_start3A_375] : memref<10240x64xbf16, #tpu.memory_space<hbm>> -> memref<10240x64xbf16, #tpu.memory_space<hbm>>
    %dma_start3A_377 = tpu.memref_slice %arg9[%dma_start3A_363] : memref<12x!tpu.dma_semaphore, #tpu.memory_space<semaphore_mem>> -> memref<1x!tpu.dma_semaphore, #tpu.memory_space<semaphore_mem>>
    %dma_start3A_378 = tpu.memref_squeeze %dma_start3A_377 : memref<1x!tpu.dma_semaphore, #tpu.memory_space<semaphore_mem>> -> memref<!tpu.dma_semaphore, #tpu.memory_space<semaphore_mem>>
    tpu.enqueue_indirect_dma source(%dma_start3A_376 : memref<10240x64xbf16, #tpu.memory_space<hbm>>) target(%dma_start3A_367 : memref<128x64xbf16, #tpu.memory_space<vmem>>) offsets(%dma_start3A_369 : memref<128xi32, #tpu.memory_space<vmem>>) semaphore(%dma_start3A_378 : memref<!tpu.dma_semaphore, #tpu.memory_space<semaphore_mem>>)
    %dma_start3A_379 = arith.constant 4 : i32
    %dma_start3A_380 = arith.constant 4 : i32
    %dma_start3A_381 = arith.constant 0 : i32
    %dma_start3A_382 = arith.constant 0 : i32
    %dma_start3A_383 = tpu.memref_slice %arg7[%dma_start3A_379, %dma_start3A_381, %dma_start3A_382] : memref<12x128x64xbf16, #tpu.memory_space<vmem>> -> memref<1x128x64xbf16, #tpu.memory_space<vmem>>
    %dma_start3A_384 = tpu.memref_squeeze %dma_start3A_383 : memref<1x128x64xbf16, #tpu.memory_space<vmem>> -> memref<128x64xbf16, #tpu.memory_space<vmem>>
    %dma_start3A_385 = arith.constant 512 : i32
    %dma_start3A_386 = tpu.memref_slice %arg5[%dma_start3A_385] : memref<20096xi32, #tpu.memory_space<vmem>> -> memref<128xi32, #tpu.memory_space<vmem>>
    %dma_start3A_387 = arith.constant 0 : i32
    %dma_start3A_388 = arith.constant 0 : i32
    %dma_start3A_389 = tpu.memref_slice %arg2[%arg0, %dma_start3A_387, %dma_start3A_388] : memref<2x10240x64xbf16, #tpu.memory_space<hbm>> -> memref<1x10240x64xbf16, #tpu.memory_space<hbm>>
    %dma_start3A_390 = tpu.memref_squeeze %dma_start3A_389 : memref<1x10240x64xbf16, #tpu.memory_space<hbm>> -> memref<10240x64xbf16, #tpu.memory_space<hbm>>
    %dma_start3A_391 = arith.constant 0 : i32
    %dma_start3A_392 = arith.constant 0 : i32
    %dma_start3A_393 = tpu.memref_slice %dma_start3A_390[%dma_start3A_391, %dma_start3A_392] : memref<10240x64xbf16, #tpu.memory_space<hbm>> -> memref<10240x64xbf16, #tpu.memory_space<hbm>>
    %dma_start3A_394 = tpu.memref_slice %arg9[%dma_start3A_380] : memref<12x!tpu.dma_semaphore, #tpu.memory_space<semaphore_mem>> -> memref<1x!tpu.dma_semaphore, #tpu.memory_space<semaphore_mem>>
    %dma_start3A_395 = tpu.memref_squeeze %dma_start3A_394 : memref<1x!tpu.dma_semaphore, #tpu.memory_space<semaphore_mem>> -> memref<!tpu.dma_semaphore, #tpu.memory_space<semaphore_mem>>
    tpu.enqueue_indirect_dma source(%dma_start3A_393 : memref<10240x64xbf16, #tpu.memory_space<hbm>>) target(%dma_start3A_384 : memref<128x64xbf16, #tpu.memory_space<vmem>>) offsets(%dma_start3A_386 : memref<128xi32, #tpu.memory_space<vmem>>) semaphore(%dma_start3A_395 : memref<!tpu.dma_semaphore, #tpu.memory_space<semaphore_mem>>)
    %dma_start3A_396 = arith.constant 5 : i32
    %dma_start3A_397 = arith.constant 5 : i32
    %dma_start3A_398 = arith.constant 0 : i32
    %dma_start3A_399 = arith.constant 0 : i32
    %dma_start3A_400 = tpu.memref_slice %arg7[%dma_start3A_396, %dma_start3A_398, %dma_start3A_399] : memref<12x128x64xbf16, #tpu.memory_space<vmem>> -> memref<1x128x64xbf16, #tpu.memory_space<vmem>>
    %dma_start3A_401 = tpu.memref_squeeze %dma_start3A_400 : memref<1x128x64xbf16, #tpu.memory_space<vmem>> -> memref<128x64xbf16, #tpu.memory_space<vmem>>
    %dma_start3A_402 = arith.constant 640 : i32
    %dma_start3A_403 = tpu.memref_slice %arg5[%dma_start3A_402] : memref<20096xi32, #tpu.memory_space<vmem>> -> memref<128xi32, #tpu.memory_space<vmem>>
    %dma_start3A_404 = arith.constant 0 : i32
    %dma_start3A_405 = arith.constant 0 : i32
    %dma_start3A_406 = tpu.memref_slice %arg2[%arg0, %dma_start3A_404, %dma_start3A_405] : memref<2x10240x64xbf16, #tpu.memory_space<hbm>> -> memref<1x10240x64xbf16, #tpu.memory_space<hbm>>
    %dma_start3A_407 = tpu.memref_squeeze %dma_start3A_406 : memref<1x10240x64xbf16, #tpu.memory_space<hbm>> -> memref<10240x64xbf16, #tpu.memory_space<hbm>>
    %dma_start3A_408 = arith.constant 0 : i32
    %dma_start3A_409 = arith.constant 0 : i32
    %dma_start3A_410 = tpu.memref_slice %dma_start3A_407[%dma_start3A_408, %dma_start3A_409] : memref<10240x64xbf16, #tpu.memory_space<hbm>> -> memref<10240x64xbf16, #tpu.memory_space<hbm>>
    %dma_start3A_411 = tpu.memref_slice %arg9[%dma_start3A_397] : memref<12x!tpu.dma_semaphore, #tpu.memory_space<semaphore_mem>> -> memref<1x!tpu.dma_semaphore, #tpu.memory_space<semaphore_mem>>
    %dma_start3A_412 = tpu.memref_squeeze %dma_start3A_411 : memref<1x!tpu.dma_semaphore, #tpu.memory_space<semaphore_mem>> -> memref<!tpu.dma_semaphore, #tpu.memory_space<semaphore_mem>>
    tpu.enqueue_indirect_dma source(%dma_start3A_410 : memref<10240x64xbf16, #tpu.memory_space<hbm>>) target(%dma_start3A_401 : memref<128x64xbf16, #tpu.memory_space<vmem>>) offsets(%dma_start3A_403 : memref<128xi32, #tpu.memory_space<vmem>>) semaphore(%dma_start3A_412 : memref<!tpu.dma_semaphore, #tpu.memory_space<semaphore_mem>>)
    %scan3A_413 = arith.constant 0 : i32
    %scan3A_414 = arith.constant 0 : i32
    %scan3A_415 = arith.constant 157 : i32
    %scan3A_416 = arith.addi %scan3A_414, %scan3A_415 : i32
    %scan3A_417 = arith.constant 1 : i32
    scf.for %scan3A_782 = %scan3A_414 to %scan3A_416 step %scan3A_417  : i32 {
      %rem3A = arith.constant 12 : i32
      %rem3A_783 = arith.remsi %scan3A_782, %rem3A : i32
      %add3A_784 = arith.constant 6 : i32
      %add3A_785 = arith.addi %scan3A_782, %add3A_784 : i32
      %rem3A_786 = arith.constant 12 : i32
      %rem3A_787 = arith.remsi %add3A_785, %rem3A_786 : i32
      %add3A_788 = arith.constant 6 : i32
      %add3A_789 = arith.addi %scan3A_782, %add3A_788 : i32
      %lt3A = arith.constant 157 : i32
      %lt3A_790 = arith.cmpi slt, %add3A_789, %lt3A : i32
      %convert_element_type3A = arith.extui %lt3A_790 : i1 to i32
      %cond3A = arith.constant 0 : i32
      %cond3A_791 = arith.cmpi ne, %convert_element_type3A, %cond3A : i32
      scf.if %cond3A_791 {
        %add3A_828 = arith.constant 6 : i32
        %add3A_829 = arith.addi %scan3A_782, %add3A_828 : i32
        %ge3A = arith.constant 12 : i32
        %ge3A_830 = arith.cmpi sge, %add3A_829, %ge3A : i32
        %convert_element_type3A_831 = arith.extui %ge3A_830 : i1 to i32
        %cond3A_832 = arith.constant 0 : i32
        %cond3A_833 = arith.cmpi ne, %convert_element_type3A_831, %cond3A_832 : i32
        scf.if %cond3A_833 {
          %dma_wait3A_852 = arith.constant 0 : i32
          %dma_wait3A_853 = arith.constant 0 : i32
          %dma_wait3A_854 = tpu.memref_slice %arg7[%rem3A_787, %dma_wait3A_852, %dma_wait3A_853] : memref<12x128x64xbf16, #tpu.memory_space<vmem>> -> memref<1x128x64xbf16, #tpu.memory_space<vmem>>
          %dma_wait3A_855 = tpu.memref_squeeze %dma_wait3A_854 : memref<1x128x64xbf16, #tpu.memory_space<vmem>> -> memref<128x64xbf16, #tpu.memory_space<vmem>>
          %dma_wait3A_856 = arith.constant 0 : i32
          %dma_wait3A_857 = arith.constant 0 : i32
          %dma_wait3A_858 = tpu.memref_slice %arg2[%arg0, %dma_wait3A_856, %dma_wait3A_857] : memref<2x10240x64xbf16, #tpu.memory_space<hbm>> -> memref<1x10240x64xbf16, #tpu.memory_space<hbm>>
          %dma_wait3A_859 = tpu.memref_squeeze %dma_wait3A_858 : memref<1x10240x64xbf16, #tpu.memory_space<hbm>> -> memref<10240x64xbf16, #tpu.memory_space<hbm>>
          %dma_wait3A_860 = arith.constant 0 : i32
          %dma_wait3A_861 = arith.constant 0 : i32
          %dma_wait3A_862 = tpu.memref_slice %dma_wait3A_859[%dma_wait3A_860, %dma_wait3A_861] : memref<10240x64xbf16, #tpu.memory_space<hbm>> -> memref<128x64xbf16, #tpu.memory_space<hbm>>
          %dma_wait3A_863 = tpu.memref_slice %arg10[%rem3A_787] : memref<12x!tpu.dma_semaphore, #tpu.memory_space<semaphore_mem>> -> memref<1x!tpu.dma_semaphore, #tpu.memory_space<semaphore_mem>>
          %dma_wait3A_864 = tpu.memref_squeeze %dma_wait3A_863 : memref<1x!tpu.dma_semaphore, #tpu.memory_space<semaphore_mem>> -> memref<!tpu.dma_semaphore, #tpu.memory_space<semaphore_mem>>
          %dma_wait3A_865 = arith.constant 0 : i32
          %dma_wait3A_866 = arith.constant 0 : i32
          %dma_wait3A_867 = tpu.memref_slice %arg7[%rem3A_787, %dma_wait3A_865, %dma_wait3A_866] : memref<12x128x64xbf16, #tpu.memory_space<vmem>> -> memref<1x128x64xbf16, #tpu.memory_space<vmem>>
          %dma_wait3A_868 = tpu.memref_squeeze %dma_wait3A_867 : memref<1x128x64xbf16, #tpu.memory_space<vmem>> -> memref<128x64xbf16, #tpu.memory_space<vmem>>
          %dma_wait3A_869 = arith.constant 0 : i32
          %dma_wait3A_870 = arith.constant 0 : i32
          %dma_wait3A_871 = tpu.memref_slice %arg2[%arg0, %dma_wait3A_869, %dma_wait3A_870] : memref<2x10240x64xbf16, #tpu.memory_space<hbm>> -> memref<1x10240x64xbf16, #tpu.memory_space<hbm>>
          %dma_wait3A_872 = tpu.memref_squeeze %dma_wait3A_871 : memref<1x10240x64xbf16, #tpu.memory_space<hbm>> -> memref<10240x64xbf16, #tpu.memory_space<hbm>>
          %dma_wait3A_873 = arith.constant 0 : i32
          %dma_wait3A_874 = arith.constant 0 : i32
          %dma_wait3A_875 = tpu.memref_slice %dma_wait3A_872[%dma_wait3A_873, %dma_wait3A_874] : memref<10240x64xbf16, #tpu.memory_space<hbm>> -> memref<128x64xbf16, #tpu.memory_space<hbm>>
          tpu.wait_dma2 semaphore(%dma_wait3A_864 : memref<!tpu.dma_semaphore, #tpu.memory_space<semaphore_mem>>) src(%dma_wait3A_875 : memref<128x64xbf16, #tpu.memory_space<hbm>>) dst(%dma_wait3A_868 : memref<128x64xbf16, #tpu.memory_space<vmem>>)
        } else {
        }
        %add3A_834 = arith.constant 6 : i32
        %add3A_835 = arith.addi %scan3A_782, %add3A_834 : i32
        %mul3A_836 = arith.constant 128 : i32
        %mul3A_837 = arith.muli %add3A_835, %mul3A_836 : i32
        %dma_start3A_838 = arith.constant 0 : i32
        %dma_start3A_839 = arith.constant 0 : i32
        %dma_start3A_840 = tpu.memref_slice %arg7[%rem3A_787, %dma_start3A_838, %dma_start3A_839] : memref<12x128x64xbf16, #tpu.memory_space<vmem>> -> memref<1x128x64xbf16, #tpu.memory_space<vmem>>
        %dma_start3A_841 = tpu.memref_squeeze %dma_start3A_840 : memref<1x128x64xbf16, #tpu.memory_space<vmem>> -> memref<128x64xbf16, #tpu.memory_space<vmem>>
        %dma_start3A_842 = tpu.memref_slice %arg5[%mul3A_837] : memref<20096xi32, #tpu.memory_space<vmem>> -> memref<128xi32, #tpu.memory_space<vmem>>
        %dma_start3A_843 = arith.constant 0 : i32
        %dma_start3A_844 = arith.constant 0 : i32
        %dma_start3A_845 = tpu.memref_slice %arg2[%arg0, %dma_start3A_843, %dma_start3A_844] : memref<2x10240x64xbf16, #tpu.memory_space<hbm>> -> memref<1x10240x64xbf16, #tpu.memory_space<hbm>>
        %dma_start3A_846 = tpu.memref_squeeze %dma_start3A_845 : memref<1x10240x64xbf16, #tpu.memory_space<hbm>> -> memref<10240x64xbf16, #tpu.memory_space<hbm>>
        %dma_start3A_847 = arith.constant 0 : i32
        %dma_start3A_848 = arith.constant 0 : i32
        %dma_start3A_849 = tpu.memref_slice %dma_start3A_846[%dma_start3A_847, %dma_start3A_848] : memref<10240x64xbf16, #tpu.memory_space<hbm>> -> memref<10240x64xbf16, #tpu.memory_space<hbm>>
        %dma_start3A_850 = tpu.memref_slice %arg9[%rem3A_787] : memref<12x!tpu.dma_semaphore, #tpu.memory_space<semaphore_mem>> -> memref<1x!tpu.dma_semaphore, #tpu.memory_space<semaphore_mem>>
        %dma_start3A_851 = tpu.memref_squeeze %dma_start3A_850 : memref<1x!tpu.dma_semaphore, #tpu.memory_space<semaphore_mem>> -> memref<!tpu.dma_semaphore, #tpu.memory_space<semaphore_mem>>
        tpu.enqueue_indirect_dma source(%dma_start3A_849 : memref<10240x64xbf16, #tpu.memory_space<hbm>>) target(%dma_start3A_841 : memref<128x64xbf16, #tpu.memory_space<vmem>>) offsets(%dma_start3A_842 : memref<128xi32, #tpu.memory_space<vmem>>) semaphore(%dma_start3A_851 : memref<!tpu.dma_semaphore, #tpu.memory_space<semaphore_mem>>)
      } else {
      }
      %dma_wait3A_792 = arith.constant 0 : i32
      %dma_wait3A_793 = arith.constant 0 : i32
      %dma_wait3A_794 = tpu.memref_slice %arg7[%rem3A_783, %dma_wait3A_792, %dma_wait3A_793] : memref<12x128x64xbf16, #tpu.memory_space<vmem>> -> memref<1x128x64xbf16, #tpu.memory_space<vmem>>
      %dma_wait3A_795 = tpu.memref_squeeze %dma_wait3A_794 : memref<1x128x64xbf16, #tpu.memory_space<vmem>> -> memref<128x64xbf16, #tpu.memory_space<vmem>>
      %dma_wait3A_796 = arith.constant 0 : i32
      %dma_wait3A_797 = arith.constant 0 : i32
      %dma_wait3A_798 = tpu.memref_slice %arg2[%arg0, %dma_wait3A_796, %dma_wait3A_797] : memref<2x10240x64xbf16, #tpu.memory_space<hbm>> -> memref<1x10240x64xbf16, #tpu.memory_space<hbm>>
      %dma_wait3A_799 = tpu.memref_squeeze %dma_wait3A_798 : memref<1x10240x64xbf16, #tpu.memory_space<hbm>> -> memref<10240x64xbf16, #tpu.memory_space<hbm>>
      %dma_wait3A_800 = arith.constant 0 : i32
      %dma_wait3A_801 = arith.constant 0 : i32
      %dma_wait3A_802 = tpu.memref_slice %dma_wait3A_799[%dma_wait3A_800, %dma_wait3A_801] : memref<10240x64xbf16, #tpu.memory_space<hbm>> -> memref<128x64xbf16, #tpu.memory_space<hbm>>
      %dma_wait3A_803 = tpu.memref_slice %arg9[%rem3A_783] : memref<12x!tpu.dma_semaphore, #tpu.memory_space<semaphore_mem>> -> memref<1x!tpu.dma_semaphore, #tpu.memory_space<semaphore_mem>>
      %dma_wait3A_804 = tpu.memref_squeeze %dma_wait3A_803 : memref<1x!tpu.dma_semaphore, #tpu.memory_space<semaphore_mem>> -> memref<!tpu.dma_semaphore, #tpu.memory_space<semaphore_mem>>
      %dma_wait3A_805 = arith.constant 0 : i32
      %dma_wait3A_806 = arith.constant 0 : i32
      %dma_wait3A_807 = tpu.memref_slice %arg7[%rem3A_783, %dma_wait3A_805, %dma_wait3A_806] : memref<12x128x64xbf16, #tpu.memory_space<vmem>> -> memref<1x128x64xbf16, #tpu.memory_space<vmem>>
      %dma_wait3A_808 = tpu.memref_squeeze %dma_wait3A_807 : memref<1x128x64xbf16, #tpu.memory_space<vmem>> -> memref<128x64xbf16, #tpu.memory_space<vmem>>
      %dma_wait3A_809 = arith.constant 0 : i32
      %dma_wait3A_810 = arith.constant 0 : i32
      %dma_wait3A_811 = tpu.memref_slice %arg2[%arg0, %dma_wait3A_809, %dma_wait3A_810] : memref<2x10240x64xbf16, #tpu.memory_space<hbm>> -> memref<1x10240x64xbf16, #tpu.memory_space<hbm>>
      %dma_wait3A_812 = tpu.memref_squeeze %dma_wait3A_811 : memref<1x10240x64xbf16, #tpu.memory_space<hbm>> -> memref<10240x64xbf16, #tpu.memory_space<hbm>>
      %dma_wait3A_813 = arith.constant 0 : i32
      %dma_wait3A_814 = arith.constant 0 : i32
      %dma_wait3A_815 = tpu.memref_slice %dma_wait3A_812[%dma_wait3A_813, %dma_wait3A_814] : memref<10240x64xbf16, #tpu.memory_space<hbm>> -> memref<128x64xbf16, #tpu.memory_space<hbm>>
      tpu.wait_dma2 semaphore(%dma_wait3A_804 : memref<!tpu.dma_semaphore, #tpu.memory_space<semaphore_mem>>) src(%dma_wait3A_815 : memref<128x64xbf16, #tpu.memory_space<hbm>>) dst(%dma_wait3A_808 : memref<128x64xbf16, #tpu.memory_space<vmem>>)
      %mul3A_816 = arith.constant 128 : i32
      %mul3A_817 = arith.muli %scan3A_782, %mul3A_816 : i32
      %dma_start3A_818 = arith.constant 0 : i32
      %dma_start3A_819 = arith.constant 0 : i32
      %dma_start3A_820 = tpu.memref_slice %arg7[%rem3A_783, %dma_start3A_818, %dma_start3A_819] : memref<12x128x64xbf16, #tpu.memory_space<vmem>> -> memref<1x128x64xbf16, #tpu.memory_space<vmem>>
      %dma_start3A_821 = tpu.memref_squeeze %dma_start3A_820 : memref<1x128x64xbf16, #tpu.memory_space<vmem>> -> memref<128x64xbf16, #tpu.memory_space<vmem>>
      %dma_start3A_822 = tpu.memref_slice %arg6[%mul3A_817] : memref<20096xi32, #tpu.memory_space<vmem>> -> memref<128xi32, #tpu.memory_space<vmem>>
      %dma_start3A_823 = arith.constant 0 : i32
      %dma_start3A_824 = arith.constant 0 : i32
      %dma_start3A_825 = tpu.memref_slice %arg8[%dma_start3A_823, %dma_start3A_824] : memref<10240x64xbf16, #tpu.memory_space<vmem_shared>> -> memref<10240x64xbf16, #tpu.memory_space<vmem_shared>>
      %dma_start3A_826 = tpu.memref_slice %arg10[%rem3A_783] : memref<12x!tpu.dma_semaphore, #tpu.memory_space<semaphore_mem>> -> memref<1x!tpu.dma_semaphore, #tpu.memory_space<semaphore_mem>>
      %dma_start3A_827 = tpu.memref_squeeze %dma_start3A_826 : memref<1x!tpu.dma_semaphore, #tpu.memory_space<semaphore_mem>> -> memref<!tpu.dma_semaphore, #tpu.memory_space<semaphore_mem>>
      tpu.enqueue_indirect_dma source(%dma_start3A_821 : memref<128x64xbf16, #tpu.memory_space<vmem>>) target(%dma_start3A_825 : memref<10240x64xbf16, #tpu.memory_space<vmem_shared>>) offsets(%dma_start3A_822 : memref<128xi32, #tpu.memory_space<vmem>>) semaphore(%dma_start3A_827 : memref<!tpu.dma_semaphore, #tpu.memory_space<semaphore_mem>>) {add = true}
    }
    %scan3A_418 = arith.constant 157 : i32
    %dma_wait3A_419 = arith.constant 0 : i32
    %dma_wait3A_420 = arith.constant 0 : i32
    %dma_wait3A_421 = arith.constant 0 : i32
    %dma_wait3A_422 = arith.constant 0 : i32
    %dma_wait3A_423 = tpu.memref_slice %arg7[%dma_wait3A_419, %dma_wait3A_421, %dma_wait3A_422] : memref<12x128x64xbf16, #tpu.memory_space<vmem>> -> memref<1x128x64xbf16, #tpu.memory_space<vmem>>
    %dma_wait3A_424 = tpu.memref_squeeze %dma_wait3A_423 : memref<1x128x64xbf16, #tpu.memory_space<vmem>> -> memref<128x64xbf16, #tpu.memory_space<vmem>>
    %dma_wait3A_425 = arith.constant 0 : i32
    %dma_wait3A_426 = arith.constant 0 : i32
    %dma_wait3A_427 = tpu.memref_slice %arg2[%arg0, %dma_wait3A_425, %dma_wait3A_426] : memref<2x10240x64xbf16, #tpu.memory_space<hbm>> -> memref<1x10240x64xbf16, #tpu.memory_space<hbm>>
    %dma_wait3A_428 = tpu.memref_squeeze %dma_wait3A_427 : memref<1x10240x64xbf16, #tpu.memory_space<hbm>> -> memref<10240x64xbf16, #tpu.memory_space<hbm>>
    %dma_wait3A_429 = arith.constant 0 : i32
    %dma_wait3A_430 = arith.constant 0 : i32
    %dma_wait3A_431 = tpu.memref_slice %dma_wait3A_428[%dma_wait3A_429, %dma_wait3A_430] : memref<10240x64xbf16, #tpu.memory_space<hbm>> -> memref<128x64xbf16, #tpu.memory_space<hbm>>
    %dma_wait3A_432 = tpu.memref_slice %arg10[%dma_wait3A_420] : memref<12x!tpu.dma_semaphore, #tpu.memory_space<semaphore_mem>> -> memref<1x!tpu.dma_semaphore, #tpu.memory_space<semaphore_mem>>
    %dma_wait3A_433 = tpu.memref_squeeze %dma_wait3A_432 : memref<1x!tpu.dma_semaphore, #tpu.memory_space<semaphore_mem>> -> memref<!tpu.dma_semaphore, #tpu.memory_space<semaphore_mem>>
    %dma_wait3A_434 = arith.constant 0 : i32
    %dma_wait3A_435 = arith.constant 0 : i32
    %dma_wait3A_436 = tpu.memref_slice %arg7[%dma_wait3A_419, %dma_wait3A_434, %dma_wait3A_435] : memref<12x128x64xbf16, #tpu.memory_space<vmem>> -> memref<1x128x64xbf16, #tpu.memory_space<vmem>>
    %dma_wait3A_437 = tpu.memref_squeeze %dma_wait3A_436 : memref<1x128x64xbf16, #tpu.memory_space<vmem>> -> memref<128x64xbf16, #tpu.memory_space<vmem>>
    %dma_wait3A_438 = arith.constant 0 : i32
    %dma_wait3A_439 = arith.constant 0 : i32
    %dma_wait3A_440 = tpu.memref_slice %arg2[%arg0, %dma_wait3A_438, %dma_wait3A_439] : memref<2x10240x64xbf16, #tpu.memory_space<hbm>> -> memref<1x10240x64xbf16, #tpu.memory_space<hbm>>
    %dma_wait3A_441 = tpu.memref_squeeze %dma_wait3A_440 : memref<1x10240x64xbf16, #tpu.memory_space<hbm>> -> memref<10240x64xbf16, #tpu.memory_space<hbm>>
    %dma_wait3A_442 = arith.constant 0 : i32
    %dma_wait3A_443 = arith.constant 0 : i32
    %dma_wait3A_444 = tpu.memref_slice %dma_wait3A_441[%dma_wait3A_442, %dma_wait3A_443] : memref<10240x64xbf16, #tpu.memory_space<hbm>> -> memref<128x64xbf16, #tpu.memory_space<hbm>>
    tpu.wait_dma2 semaphore(%dma_wait3A_433 : memref<!tpu.dma_semaphore, #tpu.memory_space<semaphore_mem>>) src(%dma_wait3A_444 : memref<128x64xbf16, #tpu.memory_space<hbm>>) dst(%dma_wait3A_437 : memref<128x64xbf16, #tpu.memory_space<vmem>>)
    %dma_wait3A_445 = arith.constant 1 : i32
    %dma_wait3A_446 = arith.constant 1 : i32
    %dma_wait3A_447 = arith.constant 0 : i32
    %dma_wait3A_448 = arith.constant 0 : i32
    %dma_wait3A_449 = tpu.memref_slice %arg7[%dma_wait3A_445, %dma_wait3A_447, %dma_wait3A_448] : memref<12x128x64xbf16, #tpu.memory_space<vmem>> -> memref<1x128x64xbf16, #tpu.memory_space<vmem>>
    %dma_wait3A_450 = tpu.memref_squeeze %dma_wait3A_449 : memref<1x128x64xbf16, #tpu.memory_space<vmem>> -> memref<128x64xbf16, #tpu.memory_space<vmem>>
    %dma_wait3A_451 = arith.constant 0 : i32
    %dma_wait3A_452 = arith.constant 0 : i32
    %dma_wait3A_453 = tpu.memref_slice %arg2[%arg0, %dma_wait3A_451, %dma_wait3A_452] : memref<2x10240x64xbf16, #tpu.memory_space<hbm>> -> memref<1x10240x64xbf16, #tpu.memory_space<hbm>>
    %dma_wait3A_454 = tpu.memref_squeeze %dma_wait3A_453 : memref<1x10240x64xbf16, #tpu.memory_space<hbm>> -> memref<10240x64xbf16, #tpu.memory_space<hbm>>
    %dma_wait3A_455 = arith.constant 0 : i32
    %dma_wait3A_456 = arith.constant 0 : i32
    %dma_wait3A_457 = tpu.memref_slice %dma_wait3A_454[%dma_wait3A_455, %dma_wait3A_456] : memref<10240x64xbf16, #tpu.memory_space<hbm>> -> memref<128x64xbf16, #tpu.memory_space<hbm>>
    %dma_wait3A_458 = tpu.memref_slice %arg10[%dma_wait3A_446] : memref<12x!tpu.dma_semaphore, #tpu.memory_space<semaphore_mem>> -> memref<1x!tpu.dma_semaphore, #tpu.memory_space<semaphore_mem>>
    %dma_wait3A_459 = tpu.memref_squeeze %dma_wait3A_458 : memref<1x!tpu.dma_semaphore, #tpu.memory_space<semaphore_mem>> -> memref<!tpu.dma_semaphore, #tpu.memory_space<semaphore_mem>>
    %dma_wait3A_460 = arith.constant 0 : i32
    %dma_wait3A_461 = arith.constant 0 : i32
    %dma_wait3A_462 = tpu.memref_slice %arg7[%dma_wait3A_445, %dma_wait3A_460, %dma_wait3A_461] : memref<12x128x64xbf16, #tpu.memory_space<vmem>> -> memref<1x128x64xbf16, #tpu.memory_space<vmem>>
    %dma_wait3A_463 = tpu.memref_squeeze %dma_wait3A_462 : memref<1x128x64xbf16, #tpu.memory_space<vmem>> -> memref<128x64xbf16, #tpu.memory_space<vmem>>
    %dma_wait3A_464 = arith.constant 0 : i32
    %dma_wait3A_465 = arith.constant 0 : i32
    %dma_wait3A_466 = tpu.memref_slice %arg2[%arg0, %dma_wait3A_464, %dma_wait3A_465] : memref<2x10240x64xbf16, #tpu.memory_space<hbm>> -> memref<1x10240x64xbf16, #tpu.memory_space<hbm>>
    %dma_wait3A_467 = tpu.memref_squeeze %dma_wait3A_466 : memref<1x10240x64xbf16, #tpu.memory_space<hbm>> -> memref<10240x64xbf16, #tpu.memory_space<hbm>>
    %dma_wait3A_468 = arith.constant 0 : i32
    %dma_wait3A_469 = arith.constant 0 : i32
    %dma_wait3A_470 = tpu.memref_slice %dma_wait3A_467[%dma_wait3A_468, %dma_wait3A_469] : memref<10240x64xbf16, #tpu.memory_space<hbm>> -> memref<128x64xbf16, #tpu.memory_space<hbm>>
    tpu.wait_dma2 semaphore(%dma_wait3A_459 : memref<!tpu.dma_semaphore, #tpu.memory_space<semaphore_mem>>) src(%dma_wait3A_470 : memref<128x64xbf16, #tpu.memory_space<hbm>>) dst(%dma_wait3A_463 : memref<128x64xbf16, #tpu.memory_space<vmem>>)
    %dma_wait3A_471 = arith.constant 2 : i32
    %dma_wait3A_472 = arith.constant 2 : i32
    %dma_wait3A_473 = arith.constant 0 : i32
    %dma_wait3A_474 = arith.constant 0 : i32
    %dma_wait3A_475 = tpu.memref_slice %arg7[%dma_wait3A_471, %dma_wait3A_473, %dma_wait3A_474] : memref<12x128x64xbf16, #tpu.memory_space<vmem>> -> memref<1x128x64xbf16, #tpu.memory_space<vmem>>
    %dma_wait3A_476 = tpu.memref_squeeze %dma_wait3A_475 : memref<1x128x64xbf16, #tpu.memory_space<vmem>> -> memref<128x64xbf16, #tpu.memory_space<vmem>>
    %dma_wait3A_477 = arith.constant 0 : i32
    %dma_wait3A_478 = arith.constant 0 : i32
    %dma_wait3A_479 = tpu.memref_slice %arg2[%arg0, %dma_wait3A_477, %dma_wait3A_478] : memref<2x10240x64xbf16, #tpu.memory_space<hbm>> -> memref<1x10240x64xbf16, #tpu.memory_space<hbm>>
    %dma_wait3A_480 = tpu.memref_squeeze %dma_wait3A_479 : memref<1x10240x64xbf16, #tpu.memory_space<hbm>> -> memref<10240x64xbf16, #tpu.memory_space<hbm>>
    %dma_wait3A_481 = arith.constant 0 : i32
    %dma_wait3A_482 = arith.constant 0 : i32
    %dma_wait3A_483 = tpu.memref_slice %dma_wait3A_480[%dma_wait3A_481, %dma_wait3A_482] : memref<10240x64xbf16, #tpu.memory_space<hbm>> -> memref<128x64xbf16, #tpu.memory_space<hbm>>
    %dma_wait3A_484 = tpu.memref_slice %arg10[%dma_wait3A_472] : memref<12x!tpu.dma_semaphore, #tpu.memory_space<semaphore_mem>> -> memref<1x!tpu.dma_semaphore, #tpu.memory_space<semaphore_mem>>
    %dma_wait3A_485 = tpu.memref_squeeze %dma_wait3A_484 : memref<1x!tpu.dma_semaphore, #tpu.memory_space<semaphore_mem>> -> memref<!tpu.dma_semaphore, #tpu.memory_space<semaphore_mem>>
    %dma_wait3A_486 = arith.constant 0 : i32
    %dma_wait3A_487 = arith.constant 0 : i32
    %dma_wait3A_488 = tpu.memref_slice %arg7[%dma_wait3A_471, %dma_wait3A_486, %dma_wait3A_487] : memref<12x128x64xbf16, #tpu.memory_space<vmem>> -> memref<1x128x64xbf16, #tpu.memory_space<vmem>>
    %dma_wait3A_489 = tpu.memref_squeeze %dma_wait3A_488 : memref<1x128x64xbf16, #tpu.memory_space<vmem>> -> memref<128x64xbf16, #tpu.memory_space<vmem>>
    %dma_wait3A_490 = arith.constant 0 : i32
    %dma_wait3A_491 = arith.constant 0 : i32
    %dma_wait3A_492 = tpu.memref_slice %arg2[%arg0, %dma_wait3A_490, %dma_wait3A_491] : memref<2x10240x64xbf16, #tpu.memory_space<hbm>> -> memref<1x10240x64xbf16, #tpu.memory_space<hbm>>
    %dma_wait3A_493 = tpu.memref_squeeze %dma_wait3A_492 : memref<1x10240x64xbf16, #tpu.memory_space<hbm>> -> memref<10240x64xbf16, #tpu.memory_space<hbm>>
    %dma_wait3A_494 = arith.constant 0 : i32
    %dma_wait3A_495 = arith.constant 0 : i32
    %dma_wait3A_496 = tpu.memref_slice %dma_wait3A_493[%dma_wait3A_494, %dma_wait3A_495] : memref<10240x64xbf16, #tpu.memory_space<hbm>> -> memref<128x64xbf16, #tpu.memory_space<hbm>>
    tpu.wait_dma2 semaphore(%dma_wait3A_485 : memref<!tpu.dma_semaphore, #tpu.memory_space<semaphore_mem>>) src(%dma_wait3A_496 : memref<128x64xbf16, #tpu.memory_space<hbm>>) dst(%dma_wait3A_489 : memref<128x64xbf16, #tpu.memory_space<vmem>>)
    %dma_wait3A_497 = arith.constant 3 : i32
    %dma_wait3A_498 = arith.constant 3 : i32
    %dma_wait3A_499 = arith.constant 0 : i32
    %dma_wait3A_500 = arith.constant 0 : i32
    %dma_wait3A_501 = tpu.memref_slice %arg7[%dma_wait3A_497, %dma_wait3A_499, %dma_wait3A_500] : memref<12x128x64xbf16, #tpu.memory_space<vmem>> -> memref<1x128x64xbf16, #tpu.memory_space<vmem>>
    %dma_wait3A_502 = tpu.memref_squeeze %dma_wait3A_501 : memref<1x128x64xbf16, #tpu.memory_space<vmem>> -> memref<128x64xbf16, #tpu.memory_space<vmem>>
    %dma_wait3A_503 = arith.constant 0 : i32
    %dma_wait3A_504 = arith.constant 0 : i32
    %dma_wait3A_505 = tpu.memref_slice %arg2[%arg0, %dma_wait3A_503, %dma_wait3A_504] : memref<2x10240x64xbf16, #tpu.memory_space<hbm>> -> memref<1x10240x64xbf16, #tpu.memory_space<hbm>>
    %dma_wait3A_506 = tpu.memref_squeeze %dma_wait3A_505 : memref<1x10240x64xbf16, #tpu.memory_space<hbm>> -> memref<10240x64xbf16, #tpu.memory_space<hbm>>
    %dma_wait3A_507 = arith.constant 0 : i32
    %dma_wait3A_508 = arith.constant 0 : i32
    %dma_wait3A_509 = tpu.memref_slice %dma_wait3A_506[%dma_wait3A_507, %dma_wait3A_508] : memref<10240x64xbf16, #tpu.memory_space<hbm>> -> memref<128x64xbf16, #tpu.memory_space<hbm>>
    %dma_wait3A_510 = tpu.memref_slice %arg10[%dma_wait3A_498] : memref<12x!tpu.dma_semaphore, #tpu.memory_space<semaphore_mem>> -> memref<1x!tpu.dma_semaphore, #tpu.memory_space<semaphore_mem>>
    %dma_wait3A_511 = tpu.memref_squeeze %dma_wait3A_510 : memref<1x!tpu.dma_semaphore, #tpu.memory_space<semaphore_mem>> -> memref<!tpu.dma_semaphore, #tpu.memory_space<semaphore_mem>>
    %dma_wait3A_512 = arith.constant 0 : i32
    %dma_wait3A_513 = arith.constant 0 : i32
    %dma_wait3A_514 = tpu.memref_slice %arg7[%dma_wait3A_497, %dma_wait3A_512, %dma_wait3A_513] : memref<12x128x64xbf16, #tpu.memory_space<vmem>> -> memref<1x128x64xbf16, #tpu.memory_space<vmem>>
    %dma_wait3A_515 = tpu.memref_squeeze %dma_wait3A_514 : memref<1x128x64xbf16, #tpu.memory_space<vmem>> -> memref<128x64xbf16, #tpu.memory_space<vmem>>
    %dma_wait3A_516 = arith.constant 0 : i32
    %dma_wait3A_517 = arith.constant 0 : i32
    %dma_wait3A_518 = tpu.memref_slice %arg2[%arg0, %dma_wait3A_516, %dma_wait3A_517] : memref<2x10240x64xbf16, #tpu.memory_space<hbm>> -> memref<1x10240x64xbf16, #tpu.memory_space<hbm>>
    %dma_wait3A_519 = tpu.memref_squeeze %dma_wait3A_518 : memref<1x10240x64xbf16, #tpu.memory_space<hbm>> -> memref<10240x64xbf16, #tpu.memory_space<hbm>>
    %dma_wait3A_520 = arith.constant 0 : i32
    %dma_wait3A_521 = arith.constant 0 : i32
    %dma_wait3A_522 = tpu.memref_slice %dma_wait3A_519[%dma_wait3A_520, %dma_wait3A_521] : memref<10240x64xbf16, #tpu.memory_space<hbm>> -> memref<128x64xbf16, #tpu.memory_space<hbm>>
    tpu.wait_dma2 semaphore(%dma_wait3A_511 : memref<!tpu.dma_semaphore, #tpu.memory_space<semaphore_mem>>) src(%dma_wait3A_522 : memref<128x64xbf16, #tpu.memory_space<hbm>>) dst(%dma_wait3A_515 : memref<128x64xbf16, #tpu.memory_space<vmem>>)
    %dma_wait3A_523 = arith.constant 4 : i32
    %dma_wait3A_524 = arith.constant 4 : i32
    %dma_wait3A_525 = arith.constant 0 : i32
    %dma_wait3A_526 = arith.constant 0 : i32
    %dma_wait3A_527 = tpu.memref_slice %arg7[%dma_wait3A_523, %dma_wait3A_525, %dma_wait3A_526] : memref<12x128x64xbf16, #tpu.memory_space<vmem>> -> memref<1x128x64xbf16, #tpu.memory_space<vmem>>
    %dma_wait3A_528 = tpu.memref_squeeze %dma_wait3A_527 : memref<1x128x64xbf16, #tpu.memory_space<vmem>> -> memref<128x64xbf16, #tpu.memory_space<vmem>>
    %dma_wait3A_529 = arith.constant 0 : i32
    %dma_wait3A_530 = arith.constant 0 : i32
    %dma_wait3A_531 = tpu.memref_slice %arg2[%arg0, %dma_wait3A_529, %dma_wait3A_530] : memref<2x10240x64xbf16, #tpu.memory_space<hbm>> -> memref<1x10240x64xbf16, #tpu.memory_space<hbm>>
    %dma_wait3A_532 = tpu.memref_squeeze %dma_wait3A_531 : memref<1x10240x64xbf16, #tpu.memory_space<hbm>> -> memref<10240x64xbf16, #tpu.memory_space<hbm>>
    %dma_wait3A_533 = arith.constant 0 : i32
    %dma_wait3A_534 = arith.constant 0 : i32
    %dma_wait3A_535 = tpu.memref_slice %dma_wait3A_532[%dma_wait3A_533, %dma_wait3A_534] : memref<10240x64xbf16, #tpu.memory_space<hbm>> -> memref<128x64xbf16, #tpu.memory_space<hbm>>
    %dma_wait3A_536 = tpu.memref_slice %arg10[%dma_wait3A_524] : memref<12x!tpu.dma_semaphore, #tpu.memory_space<semaphore_mem>> -> memref<1x!tpu.dma_semaphore, #tpu.memory_space<semaphore_mem>>
    %dma_wait3A_537 = tpu.memref_squeeze %dma_wait3A_536 : memref<1x!tpu.dma_semaphore, #tpu.memory_space<semaphore_mem>> -> memref<!tpu.dma_semaphore, #tpu.memory_space<semaphore_mem>>
    %dma_wait3A_538 = arith.constant 0 : i32
    %dma_wait3A_539 = arith.constant 0 : i32
    %dma_wait3A_540 = tpu.memref_slice %arg7[%dma_wait3A_523, %dma_wait3A_538, %dma_wait3A_539] : memref<12x128x64xbf16, #tpu.memory_space<vmem>> -> memref<1x128x64xbf16, #tpu.memory_space<vmem>>
    %dma_wait3A_541 = tpu.memref_squeeze %dma_wait3A_540 : memref<1x128x64xbf16, #tpu.memory_space<vmem>> -> memref<128x64xbf16, #tpu.memory_space<vmem>>
    %dma_wait3A_542 = arith.constant 0 : i32
    %dma_wait3A_543 = arith.constant 0 : i32
    %dma_wait3A_544 = tpu.memref_slice %arg2[%arg0, %dma_wait3A_542, %dma_wait3A_543] : memref<2x10240x64xbf16, #tpu.memory_space<hbm>> -> memref<1x10240x64xbf16, #tpu.memory_space<hbm>>
    %dma_wait3A_545 = tpu.memref_squeeze %dma_wait3A_544 : memref<1x10240x64xbf16, #tpu.memory_space<hbm>> -> memref<10240x64xbf16, #tpu.memory_space<hbm>>
    %dma_wait3A_546 = arith.constant 0 : i32
    %dma_wait3A_547 = arith.constant 0 : i32
    %dma_wait3A_548 = tpu.memref_slice %dma_wait3A_545[%dma_wait3A_546, %dma_wait3A_547] : memref<10240x64xbf16, #tpu.memory_space<hbm>> -> memref<128x64xbf16, #tpu.memory_space<hbm>>
    tpu.wait_dma2 semaphore(%dma_wait3A_537 : memref<!tpu.dma_semaphore, #tpu.memory_space<semaphore_mem>>) src(%dma_wait3A_548 : memref<128x64xbf16, #tpu.memory_space<hbm>>) dst(%dma_wait3A_541 : memref<128x64xbf16, #tpu.memory_space<vmem>>)
    %dma_wait3A_549 = arith.constant 5 : i32
    %dma_wait3A_550 = arith.constant 5 : i32
    %dma_wait3A_551 = arith.constant 0 : i32
    %dma_wait3A_552 = arith.constant 0 : i32
    %dma_wait3A_553 = tpu.memref_slice %arg7[%dma_wait3A_549, %dma_wait3A_551, %dma_wait3A_552] : memref<12x128x64xbf16, #tpu.memory_space<vmem>> -> memref<1x128x64xbf16, #tpu.memory_space<vmem>>
    %dma_wait3A_554 = tpu.memref_squeeze %dma_wait3A_553 : memref<1x128x64xbf16, #tpu.memory_space<vmem>> -> memref<128x64xbf16, #tpu.memory_space<vmem>>
    %dma_wait3A_555 = arith.constant 0 : i32
    %dma_wait3A_556 = arith.constant 0 : i32
    %dma_wait3A_557 = tpu.memref_slice %arg2[%arg0, %dma_wait3A_555, %dma_wait3A_556] : memref<2x10240x64xbf16, #tpu.memory_space<hbm>> -> memref<1x10240x64xbf16, #tpu.memory_space<hbm>>
    %dma_wait3A_558 = tpu.memref_squeeze %dma_wait3A_557 : memref<1x10240x64xbf16, #tpu.memory_space<hbm>> -> memref<10240x64xbf16, #tpu.memory_space<hbm>>
    %dma_wait3A_559 = arith.constant 0 : i32
    %dma_wait3A_560 = arith.constant 0 : i32
    %dma_wait3A_561 = tpu.memref_slice %dma_wait3A_558[%dma_wait3A_559, %dma_wait3A_560] : memref<10240x64xbf16, #tpu.memory_space<hbm>> -> memref<128x64xbf16, #tpu.memory_space<hbm>>
    %dma_wait3A_562 = tpu.memref_slice %arg10[%dma_wait3A_550] : memref<12x!tpu.dma_semaphore, #tpu.memory_space<semaphore_mem>> -> memref<1x!tpu.dma_semaphore, #tpu.memory_space<semaphore_mem>>
    %dma_wait3A_563 = tpu.memref_squeeze %dma_wait3A_562 : memref<1x!tpu.dma_semaphore, #tpu.memory_space<semaphore_mem>> -> memref<!tpu.dma_semaphore, #tpu.memory_space<semaphore_mem>>
    %dma_wait3A_564 = arith.constant 0 : i32
    %dma_wait3A_565 = arith.constant 0 : i32
    %dma_wait3A_566 = tpu.memref_slice %arg7[%dma_wait3A_549, %dma_wait3A_564, %dma_wait3A_565] : memref<12x128x64xbf16, #tpu.memory_space<vmem>> -> memref<1x128x64xbf16, #tpu.memory_space<vmem>>
    %dma_wait3A_567 = tpu.memref_squeeze %dma_wait3A_566 : memref<1x128x64xbf16, #tpu.memory_space<vmem>> -> memref<128x64xbf16, #tpu.memory_space<vmem>>
    %dma_wait3A_568 = arith.constant 0 : i32
    %dma_wait3A_569 = arith.constant 0 : i32
    %dma_wait3A_570 = tpu.memref_slice %arg2[%arg0, %dma_wait3A_568, %dma_wait3A_569] : memref<2x10240x64xbf16, #tpu.memory_space<hbm>> -> memref<1x10240x64xbf16, #tpu.memory_space<hbm>>
    %dma_wait3A_571 = tpu.memref_squeeze %dma_wait3A_570 : memref<1x10240x64xbf16, #tpu.memory_space<hbm>> -> memref<10240x64xbf16, #tpu.memory_space<hbm>>
    %dma_wait3A_572 = arith.constant 0 : i32
    %dma_wait3A_573 = arith.constant 0 : i32
    %dma_wait3A_574 = tpu.memref_slice %dma_wait3A_571[%dma_wait3A_572, %dma_wait3A_573] : memref<10240x64xbf16, #tpu.memory_space<hbm>> -> memref<128x64xbf16, #tpu.memory_space<hbm>>
    tpu.wait_dma2 semaphore(%dma_wait3A_563 : memref<!tpu.dma_semaphore, #tpu.memory_space<semaphore_mem>>) src(%dma_wait3A_574 : memref<128x64xbf16, #tpu.memory_space<hbm>>) dst(%dma_wait3A_567 : memref<128x64xbf16, #tpu.memory_space<vmem>>)
    %dma_wait3A_575 = arith.constant 6 : i32
    %dma_wait3A_576 = arith.constant 6 : i32
    %dma_wait3A_577 = arith.constant 0 : i32
    %dma_wait3A_578 = arith.constant 0 : i32
    %dma_wait3A_579 = tpu.memref_slice %arg7[%dma_wait3A_575, %dma_wait3A_577, %dma_wait3A_578] : memref<12x128x64xbf16, #tpu.memory_space<vmem>> -> memref<1x128x64xbf16, #tpu.memory_space<vmem>>
    %dma_wait3A_580 = tpu.memref_squeeze %dma_wait3A_579 : memref<1x128x64xbf16, #tpu.memory_space<vmem>> -> memref<128x64xbf16, #tpu.memory_space<vmem>>
    %dma_wait3A_581 = arith.constant 0 : i32
    %dma_wait3A_582 = arith.constant 0 : i32
    %dma_wait3A_583 = tpu.memref_slice %arg2[%arg0, %dma_wait3A_581, %dma_wait3A_582] : memref<2x10240x64xbf16, #tpu.memory_space<hbm>> -> memref<1x10240x64xbf16, #tpu.memory_space<hbm>>
    %dma_wait3A_584 = tpu.memref_squeeze %dma_wait3A_583 : memref<1x10240x64xbf16, #tpu.memory_space<hbm>> -> memref<10240x64xbf16, #tpu.memory_space<hbm>>
    %dma_wait3A_585 = arith.constant 0 : i32
    %dma_wait3A_586 = arith.constant 0 : i32
    %dma_wait3A_587 = tpu.memref_slice %dma_wait3A_584[%dma_wait3A_585, %dma_wait3A_586] : memref<10240x64xbf16, #tpu.memory_space<hbm>> -> memref<128x64xbf16, #tpu.memory_space<hbm>>
    %dma_wait3A_588 = tpu.memref_slice %arg10[%dma_wait3A_576] : memref<12x!tpu.dma_semaphore, #tpu.memory_space<semaphore_mem>> -> memref<1x!tpu.dma_semaphore, #tpu.memory_space<semaphore_mem>>
    %dma_wait3A_589 = tpu.memref_squeeze %dma_wait3A_588 : memref<1x!tpu.dma_semaphore, #tpu.memory_space<semaphore_mem>> -> memref<!tpu.dma_semaphore, #tpu.memory_space<semaphore_mem>>
    %dma_wait3A_590 = arith.constant 0 : i32
    %dma_wait3A_591 = arith.constant 0 : i32
    %dma_wait3A_592 = tpu.memref_slice %arg7[%dma_wait3A_575, %dma_wait3A_590, %dma_wait3A_591] : memref<12x128x64xbf16, #tpu.memory_space<vmem>> -> memref<1x128x64xbf16, #tpu.memory_space<vmem>>
    %dma_wait3A_593 = tpu.memref_squeeze %dma_wait3A_592 : memref<1x128x64xbf16, #tpu.memory_space<vmem>> -> memref<128x64xbf16, #tpu.memory_space<vmem>>
    %dma_wait3A_594 = arith.constant 0 : i32
    %dma_wait3A_595 = arith.constant 0 : i32
    %dma_wait3A_596 = tpu.memref_slice %arg2[%arg0, %dma_wait3A_594, %dma_wait3A_595] : memref<2x10240x64xbf16, #tpu.memory_space<hbm>> -> memref<1x10240x64xbf16, #tpu.memory_space<hbm>>
    %dma_wait3A_597 = tpu.memref_squeeze %dma_wait3A_596 : memref<1x10240x64xbf16, #tpu.memory_space<hbm>> -> memref<10240x64xbf16, #tpu.memory_space<hbm>>
    %dma_wait3A_598 = arith.constant 0 : i32
    %dma_wait3A_599 = arith.constant 0 : i32
    %dma_wait3A_600 = tpu.memref_slice %dma_wait3A_597[%dma_wait3A_598, %dma_wait3A_599] : memref<10240x64xbf16, #tpu.memory_space<hbm>> -> memref<128x64xbf16, #tpu.memory_space<hbm>>
    tpu.wait_dma2 semaphore(%dma_wait3A_589 : memref<!tpu.dma_semaphore, #tpu.memory_space<semaphore_mem>>) src(%dma_wait3A_600 : memref<128x64xbf16, #tpu.memory_space<hbm>>) dst(%dma_wait3A_593 : memref<128x64xbf16, #tpu.memory_space<vmem>>)
    %dma_wait3A_601 = arith.constant 7 : i32
    %dma_wait3A_602 = arith.constant 7 : i32
    %dma_wait3A_603 = arith.constant 0 : i32
    %dma_wait3A_604 = arith.constant 0 : i32
    %dma_wait3A_605 = tpu.memref_slice %arg7[%dma_wait3A_601, %dma_wait3A_603, %dma_wait3A_604] : memref<12x128x64xbf16, #tpu.memory_space<vmem>> -> memref<1x128x64xbf16, #tpu.memory_space<vmem>>
    %dma_wait3A_606 = tpu.memref_squeeze %dma_wait3A_605 : memref<1x128x64xbf16, #tpu.memory_space<vmem>> -> memref<128x64xbf16, #tpu.memory_space<vmem>>
    %dma_wait3A_607 = arith.constant 0 : i32
    %dma_wait3A_608 = arith.constant 0 : i32
    %dma_wait3A_609 = tpu.memref_slice %arg2[%arg0, %dma_wait3A_607, %dma_wait3A_608] : memref<2x10240x64xbf16, #tpu.memory_space<hbm>> -> memref<1x10240x64xbf16, #tpu.memory_space<hbm>>
    %dma_wait3A_610 = tpu.memref_squeeze %dma_wait3A_609 : memref<1x10240x64xbf16, #tpu.memory_space<hbm>> -> memref<10240x64xbf16, #tpu.memory_space<hbm>>
    %dma_wait3A_611 = arith.constant 0 : i32
    %dma_wait3A_612 = arith.constant 0 : i32
    %dma_wait3A_613 = tpu.memref_slice %dma_wait3A_610[%dma_wait3A_611, %dma_wait3A_612] : memref<10240x64xbf16, #tpu.memory_space<hbm>> -> memref<128x64xbf16, #tpu.memory_space<hbm>>
    %dma_wait3A_614 = tpu.memref_slice %arg10[%dma_wait3A_602] : memref<12x!tpu.dma_semaphore, #tpu.memory_space<semaphore_mem>> -> memref<1x!tpu.dma_semaphore, #tpu.memory_space<semaphore_mem>>
    %dma_wait3A_615 = tpu.memref_squeeze %dma_wait3A_614 : memref<1x!tpu.dma_semaphore, #tpu.memory_space<semaphore_mem>> -> memref<!tpu.dma_semaphore, #tpu.memory_space<semaphore_mem>>
    %dma_wait3A_616 = arith.constant 0 : i32
    %dma_wait3A_617 = arith.constant 0 : i32
    %dma_wait3A_618 = tpu.memref_slice %arg7[%dma_wait3A_601, %dma_wait3A_616, %dma_wait3A_617] : memref<12x128x64xbf16, #tpu.memory_space<vmem>> -> memref<1x128x64xbf16, #tpu.memory_space<vmem>>
    %dma_wait3A_619 = tpu.memref_squeeze %dma_wait3A_618 : memref<1x128x64xbf16, #tpu.memory_space<vmem>> -> memref<128x64xbf16, #tpu.memory_space<vmem>>
    %dma_wait3A_620 = arith.constant 0 : i32
    %dma_wait3A_621 = arith.constant 0 : i32
    %dma_wait3A_622 = tpu.memref_slice %arg2[%arg0, %dma_wait3A_620, %dma_wait3A_621] : memref<2x10240x64xbf16, #tpu.memory_space<hbm>> -> memref<1x10240x64xbf16, #tpu.memory_space<hbm>>
    %dma_wait3A_623 = tpu.memref_squeeze %dma_wait3A_622 : memref<1x10240x64xbf16, #tpu.memory_space<hbm>> -> memref<10240x64xbf16, #tpu.memory_space<hbm>>
    %dma_wait3A_624 = arith.constant 0 : i32
    %dma_wait3A_625 = arith.constant 0 : i32
    %dma_wait3A_626 = tpu.memref_slice %dma_wait3A_623[%dma_wait3A_624, %dma_wait3A_625] : memref<10240x64xbf16, #tpu.memory_space<hbm>> -> memref<128x64xbf16, #tpu.memory_space<hbm>>
    tpu.wait_dma2 semaphore(%dma_wait3A_615 : memref<!tpu.dma_semaphore, #tpu.memory_space<semaphore_mem>>) src(%dma_wait3A_626 : memref<128x64xbf16, #tpu.memory_space<hbm>>) dst(%dma_wait3A_619 : memref<128x64xbf16, #tpu.memory_space<vmem>>)
    %dma_wait3A_627 = arith.constant 8 : i32
    %dma_wait3A_628 = arith.constant 8 : i32
    %dma_wait3A_629 = arith.constant 0 : i32
    %dma_wait3A_630 = arith.constant 0 : i32
    %dma_wait3A_631 = tpu.memref_slice %arg7[%dma_wait3A_627, %dma_wait3A_629, %dma_wait3A_630] : memref<12x128x64xbf16, #tpu.memory_space<vmem>> -> memref<1x128x64xbf16, #tpu.memory_space<vmem>>
    %dma_wait3A_632 = tpu.memref_squeeze %dma_wait3A_631 : memref<1x128x64xbf16, #tpu.memory_space<vmem>> -> memref<128x64xbf16, #tpu.memory_space<vmem>>
    %dma_wait3A_633 = arith.constant 0 : i32
    %dma_wait3A_634 = arith.constant 0 : i32
    %dma_wait3A_635 = tpu.memref_slice %arg2[%arg0, %dma_wait3A_633, %dma_wait3A_634] : memref<2x10240x64xbf16, #tpu.memory_space<hbm>> -> memref<1x10240x64xbf16, #tpu.memory_space<hbm>>
    %dma_wait3A_636 = tpu.memref_squeeze %dma_wait3A_635 : memref<1x10240x64xbf16, #tpu.memory_space<hbm>> -> memref<10240x64xbf16, #tpu.memory_space<hbm>>
    %dma_wait3A_637 = arith.constant 0 : i32
    %dma_wait3A_638 = arith.constant 0 : i32
    %dma_wait3A_639 = tpu.memref_slice %dma_wait3A_636[%dma_wait3A_637, %dma_wait3A_638] : memref<10240x64xbf16, #tpu.memory_space<hbm>> -> memref<128x64xbf16, #tpu.memory_space<hbm>>
    %dma_wait3A_640 = tpu.memref_slice %arg10[%dma_wait3A_628] : memref<12x!tpu.dma_semaphore, #tpu.memory_space<semaphore_mem>> -> memref<1x!tpu.dma_semaphore, #tpu.memory_space<semaphore_mem>>
    %dma_wait3A_641 = tpu.memref_squeeze %dma_wait3A_640 : memref<1x!tpu.dma_semaphore, #tpu.memory_space<semaphore_mem>> -> memref<!tpu.dma_semaphore, #tpu.memory_space<semaphore_mem>>
    %dma_wait3A_642 = arith.constant 0 : i32
    %dma_wait3A_643 = arith.constant 0 : i32
    %dma_wait3A_644 = tpu.memref_slice %arg7[%dma_wait3A_627, %dma_wait3A_642, %dma_wait3A_643] : memref<12x128x64xbf16, #tpu.memory_space<vmem>> -> memref<1x128x64xbf16, #tpu.memory_space<vmem>>
    %dma_wait3A_645 = tpu.memref_squeeze %dma_wait3A_644 : memref<1x128x64xbf16, #tpu.memory_space<vmem>> -> memref<128x64xbf16, #tpu.memory_space<vmem>>
    %dma_wait3A_646 = arith.constant 0 : i32
    %dma_wait3A_647 = arith.constant 0 : i32
    %dma_wait3A_648 = tpu.memref_slice %arg2[%arg0, %dma_wait3A_646, %dma_wait3A_647] : memref<2x10240x64xbf16, #tpu.memory_space<hbm>> -> memref<1x10240x64xbf16, #tpu.memory_space<hbm>>
    %dma_wait3A_649 = tpu.memref_squeeze %dma_wait3A_648 : memref<1x10240x64xbf16, #tpu.memory_space<hbm>> -> memref<10240x64xbf16, #tpu.memory_space<hbm>>
    %dma_wait3A_650 = arith.constant 0 : i32
    %dma_wait3A_651 = arith.constant 0 : i32
    %dma_wait3A_652 = tpu.memref_slice %dma_wait3A_649[%dma_wait3A_650, %dma_wait3A_651] : memref<10240x64xbf16, #tpu.memory_space<hbm>> -> memref<128x64xbf16, #tpu.memory_space<hbm>>
    tpu.wait_dma2 semaphore(%dma_wait3A_641 : memref<!tpu.dma_semaphore, #tpu.memory_space<semaphore_mem>>) src(%dma_wait3A_652 : memref<128x64xbf16, #tpu.memory_space<hbm>>) dst(%dma_wait3A_645 : memref<128x64xbf16, #tpu.memory_space<vmem>>)
    %dma_wait3A_653 = arith.constant 9 : i32
    %dma_wait3A_654 = arith.constant 9 : i32
    %dma_wait3A_655 = arith.constant 0 : i32
    %dma_wait3A_656 = arith.constant 0 : i32
    %dma_wait3A_657 = tpu.memref_slice %arg7[%dma_wait3A_653, %dma_wait3A_655, %dma_wait3A_656] : memref<12x128x64xbf16, #tpu.memory_space<vmem>> -> memref<1x128x64xbf16, #tpu.memory_space<vmem>>
    %dma_wait3A_658 = tpu.memref_squeeze %dma_wait3A_657 : memref<1x128x64xbf16, #tpu.memory_space<vmem>> -> memref<128x64xbf16, #tpu.memory_space<vmem>>
    %dma_wait3A_659 = arith.constant 0 : i32
    %dma_wait3A_660 = arith.constant 0 : i32
    %dma_wait3A_661 = tpu.memref_slice %arg2[%arg0, %dma_wait3A_659, %dma_wait3A_660] : memref<2x10240x64xbf16, #tpu.memory_space<hbm>> -> memref<1x10240x64xbf16, #tpu.memory_space<hbm>>
    %dma_wait3A_662 = tpu.memref_squeeze %dma_wait3A_661 : memref<1x10240x64xbf16, #tpu.memory_space<hbm>> -> memref<10240x64xbf16, #tpu.memory_space<hbm>>
    %dma_wait3A_663 = arith.constant 0 : i32
    %dma_wait3A_664 = arith.constant 0 : i32
    %dma_wait3A_665 = tpu.memref_slice %dma_wait3A_662[%dma_wait3A_663, %dma_wait3A_664] : memref<10240x64xbf16, #tpu.memory_space<hbm>> -> memref<128x64xbf16, #tpu.memory_space<hbm>>
    %dma_wait3A_666 = tpu.memref_slice %arg10[%dma_wait3A_654] : memref<12x!tpu.dma_semaphore, #tpu.memory_space<semaphore_mem>> -> memref<1x!tpu.dma_semaphore, #tpu.memory_space<semaphore_mem>>
    %dma_wait3A_667 = tpu.memref_squeeze %dma_wait3A_666 : memref<1x!tpu.dma_semaphore, #tpu.memory_space<semaphore_mem>> -> memref<!tpu.dma_semaphore, #tpu.memory_space<semaphore_mem>>
    %dma_wait3A_668 = arith.constant 0 : i32
    %dma_wait3A_669 = arith.constant 0 : i32
    %dma_wait3A_670 = tpu.memref_slice %arg7[%dma_wait3A_653, %dma_wait3A_668, %dma_wait3A_669] : memref<12x128x64xbf16, #tpu.memory_space<vmem>> -> memref<1x128x64xbf16, #tpu.memory_space<vmem>>
    %dma_wait3A_671 = tpu.memref_squeeze %dma_wait3A_670 : memref<1x128x64xbf16, #tpu.memory_space<vmem>> -> memref<128x64xbf16, #tpu.memory_space<vmem>>
    %dma_wait3A_672 = arith.constant 0 : i32
    %dma_wait3A_673 = arith.constant 0 : i32
    %dma_wait3A_674 = tpu.memref_slice %arg2[%arg0, %dma_wait3A_672, %dma_wait3A_673] : memref<2x10240x64xbf16, #tpu.memory_space<hbm>> -> memref<1x10240x64xbf16, #tpu.memory_space<hbm>>
    %dma_wait3A_675 = tpu.memref_squeeze %dma_wait3A_674 : memref<1x10240x64xbf16, #tpu.memory_space<hbm>> -> memref<10240x64xbf16, #tpu.memory_space<hbm>>
    %dma_wait3A_676 = arith.constant 0 : i32
    %dma_wait3A_677 = arith.constant 0 : i32
    %dma_wait3A_678 = tpu.memref_slice %dma_wait3A_675[%dma_wait3A_676, %dma_wait3A_677] : memref<10240x64xbf16, #tpu.memory_space<hbm>> -> memref<128x64xbf16, #tpu.memory_space<hbm>>
    tpu.wait_dma2 semaphore(%dma_wait3A_667 : memref<!tpu.dma_semaphore, #tpu.memory_space<semaphore_mem>>) src(%dma_wait3A_678 : memref<128x64xbf16, #tpu.memory_space<hbm>>) dst(%dma_wait3A_671 : memref<128x64xbf16, #tpu.memory_space<vmem>>)
    %dma_wait3A_679 = arith.constant 10 : i32
    %dma_wait3A_680 = arith.constant 10 : i32
    %dma_wait3A_681 = arith.constant 0 : i32
    %dma_wait3A_682 = arith.constant 0 : i32
    %dma_wait3A_683 = tpu.memref_slice %arg7[%dma_wait3A_679, %dma_wait3A_681, %dma_wait3A_682] : memref<12x128x64xbf16, #tpu.memory_space<vmem>> -> memref<1x128x64xbf16, #tpu.memory_space<vmem>>
    %dma_wait3A_684 = tpu.memref_squeeze %dma_wait3A_683 : memref<1x128x64xbf16, #tpu.memory_space<vmem>> -> memref<128x64xbf16, #tpu.memory_space<vmem>>
    %dma_wait3A_685 = arith.constant 0 : i32
    %dma_wait3A_686 = arith.constant 0 : i32
    %dma_wait3A_687 = tpu.memref_slice %arg2[%arg0, %dma_wait3A_685, %dma_wait3A_686] : memref<2x10240x64xbf16, #tpu.memory_space<hbm>> -> memref<1x10240x64xbf16, #tpu.memory_space<hbm>>
    %dma_wait3A_688 = tpu.memref_squeeze %dma_wait3A_687 : memref<1x10240x64xbf16, #tpu.memory_space<hbm>> -> memref<10240x64xbf16, #tpu.memory_space<hbm>>
    %dma_wait3A_689 = arith.constant 0 : i32
    %dma_wait3A_690 = arith.constant 0 : i32
    %dma_wait3A_691 = tpu.memref_slice %dma_wait3A_688[%dma_wait3A_689, %dma_wait3A_690] : memref<10240x64xbf16, #tpu.memory_space<hbm>> -> memref<128x64xbf16, #tpu.memory_space<hbm>>
    %dma_wait3A_692 = tpu.memref_slice %arg10[%dma_wait3A_680] : memref<12x!tpu.dma_semaphore, #tpu.memory_space<semaphore_mem>> -> memref<1x!tpu.dma_semaphore, #tpu.memory_space<semaphore_mem>>
    %dma_wait3A_693 = tpu.memref_squeeze %dma_wait3A_692 : memref<1x!tpu.dma_semaphore, #tpu.memory_space<semaphore_mem>> -> memref<!tpu.dma_semaphore, #tpu.memory_space<semaphore_mem>>
    %dma_wait3A_694 = arith.constant 0 : i32
    %dma_wait3A_695 = arith.constant 0 : i32
    %dma_wait3A_696 = tpu.memref_slice %arg7[%dma_wait3A_679, %dma_wait3A_694, %dma_wait3A_695] : memref<12x128x64xbf16, #tpu.memory_space<vmem>> -> memref<1x128x64xbf16, #tpu.memory_space<vmem>>
    %dma_wait3A_697 = tpu.memref_squeeze %dma_wait3A_696 : memref<1x128x64xbf16, #tpu.memory_space<vmem>> -> memref<128x64xbf16, #tpu.memory_space<vmem>>
    %dma_wait3A_698 = arith.constant 0 : i32
    %dma_wait3A_699 = arith.constant 0 : i32
    %dma_wait3A_700 = tpu.memref_slice %arg2[%arg0, %dma_wait3A_698, %dma_wait3A_699] : memref<2x10240x64xbf16, #tpu.memory_space<hbm>> -> memref<1x10240x64xbf16, #tpu.memory_space<hbm>>
    %dma_wait3A_701 = tpu.memref_squeeze %dma_wait3A_700 : memref<1x10240x64xbf16, #tpu.memory_space<hbm>> -> memref<10240x64xbf16, #tpu.memory_space<hbm>>
    %dma_wait3A_702 = arith.constant 0 : i32
    %dma_wait3A_703 = arith.constant 0 : i32
    %dma_wait3A_704 = tpu.memref_slice %dma_wait3A_701[%dma_wait3A_702, %dma_wait3A_703] : memref<10240x64xbf16, #tpu.memory_space<hbm>> -> memref<128x64xbf16, #tpu.memory_space<hbm>>
    tpu.wait_dma2 semaphore(%dma_wait3A_693 : memref<!tpu.dma_semaphore, #tpu.memory_space<semaphore_mem>>) src(%dma_wait3A_704 : memref<128x64xbf16, #tpu.memory_space<hbm>>) dst(%dma_wait3A_697 : memref<128x64xbf16, #tpu.memory_space<vmem>>)
    %dma_wait3A_705 = arith.constant 11 : i32
    %dma_wait3A_706 = arith.constant 11 : i32
    %dma_wait3A_707 = arith.constant 0 : i32
    %dma_wait3A_708 = arith.constant 0 : i32
    %dma_wait3A_709 = tpu.memref_slice %arg7[%dma_wait3A_705, %dma_wait3A_707, %dma_wait3A_708] : memref<12x128x64xbf16, #tpu.memory_space<vmem>> -> memref<1x128x64xbf16, #tpu.memory_space<vmem>>
    %dma_wait3A_710 = tpu.memref_squeeze %dma_wait3A_709 : memref<1x128x64xbf16, #tpu.memory_space<vmem>> -> memref<128x64xbf16, #tpu.memory_space<vmem>>
    %dma_wait3A_711 = arith.constant 0 : i32
    %dma_wait3A_712 = arith.constant 0 : i32
    %dma_wait3A_713 = tpu.memref_slice %arg2[%arg0, %dma_wait3A_711, %dma_wait3A_712] : memref<2x10240x64xbf16, #tpu.memory_space<hbm>> -> memref<1x10240x64xbf16, #tpu.memory_space<hbm>>
    %dma_wait3A_714 = tpu.memref_squeeze %dma_wait3A_713 : memref<1x10240x64xbf16, #tpu.memory_space<hbm>> -> memref<10240x64xbf16, #tpu.memory_space<hbm>>
    %dma_wait3A_715 = arith.constant 0 : i32
    %dma_wait3A_716 = arith.constant 0 : i32
    %dma_wait3A_717 = tpu.memref_slice %dma_wait3A_714[%dma_wait3A_715, %dma_wait3A_716] : memref<10240x64xbf16, #tpu.memory_space<hbm>> -> memref<128x64xbf16, #tpu.memory_space<hbm>>
    %dma_wait3A_718 = tpu.memref_slice %arg10[%dma_wait3A_706] : memref<12x!tpu.dma_semaphore, #tpu.memory_space<semaphore_mem>> -> memref<1x!tpu.dma_semaphore, #tpu.memory_space<semaphore_mem>>
    %dma_wait3A_719 = tpu.memref_squeeze %dma_wait3A_718 : memref<1x!tpu.dma_semaphore, #tpu.memory_space<semaphore_mem>> -> memref<!tpu.dma_semaphore, #tpu.memory_space<semaphore_mem>>
    %dma_wait3A_720 = arith.constant 0 : i32
    %dma_wait3A_721 = arith.constant 0 : i32
    %dma_wait3A_722 = tpu.memref_slice %arg7[%dma_wait3A_705, %dma_wait3A_720, %dma_wait3A_721] : memref<12x128x64xbf16, #tpu.memory_space<vmem>> -> memref<1x128x64xbf16, #tpu.memory_space<vmem>>
    %dma_wait3A_723 = tpu.memref_squeeze %dma_wait3A_722 : memref<1x128x64xbf16, #tpu.memory_space<vmem>> -> memref<128x64xbf16, #tpu.memory_space<vmem>>
    %dma_wait3A_724 = arith.constant 0 : i32
    %dma_wait3A_725 = arith.constant 0 : i32
    %dma_wait3A_726 = tpu.memref_slice %arg2[%arg0, %dma_wait3A_724, %dma_wait3A_725] : memref<2x10240x64xbf16, #tpu.memory_space<hbm>> -> memref<1x10240x64xbf16, #tpu.memory_space<hbm>>
    %dma_wait3A_727 = tpu.memref_squeeze %dma_wait3A_726 : memref<1x10240x64xbf16, #tpu.memory_space<hbm>> -> memref<10240x64xbf16, #tpu.memory_space<hbm>>
    %dma_wait3A_728 = arith.constant 0 : i32
    %dma_wait3A_729 = arith.constant 0 : i32
    %dma_wait3A_730 = tpu.memref_slice %dma_wait3A_727[%dma_wait3A_728, %dma_wait3A_729] : memref<10240x64xbf16, #tpu.memory_space<hbm>> -> memref<128x64xbf16, #tpu.memory_space<hbm>>
    tpu.wait_dma2 semaphore(%dma_wait3A_719 : memref<!tpu.dma_semaphore, #tpu.memory_space<semaphore_mem>>) src(%dma_wait3A_730 : memref<128x64xbf16, #tpu.memory_space<hbm>>) dst(%dma_wait3A_723 : memref<128x64xbf16, #tpu.memory_space<vmem>>)
    %barrier3A_731 = arith.constant 0 : index
    tpu.barrier barrier_id(%barrier3A_731)
    %mul3A_732 = arith.constant 640 : i32
    %mul3A_733 = arith.muli %arg1, %mul3A_732 : i32
    %add3A_734 = arith.constant 0 : i32
    %add3A_735 = arith.addi %mul3A_733, %add3A_734 : i32
    %mul3A_736 = arith.constant 640 : i32
    %mul3A_737 = arith.muli %arg1, %mul3A_736 : i32
    %add3A_738 = arith.constant 0 : i32
    %add3A_739 = arith.addi %mul3A_737, %add3A_738 : i32
    %mul3A_740 = arith.constant 64 : i32
    %mul3A_741 = arith.muli %arg0, %mul3A_740 : i32
    "tpu.region"() ({
      %run_scoped3A_782 = tpu.sem_alloc : memref<!tpu.dma_semaphore, #tpu.memory_space<semaphore_mem>>
      %dma_start3A_783 = tpu.memref_slice %arg4[%add3A_739, %mul3A_741] : memref<10240x128xbf16, #tpu.memory_space<hbm>> -> memref<128x64xbf16, #tpu.memory_space<hbm>>
      %dma_start3A_784 = arith.constant 0 : i32
      %dma_start3A_785 = tpu.memref_slice %arg8[%add3A_735, %dma_start3A_784] : memref<10240x64xbf16, #tpu.memory_space<vmem_shared>> -> memref<128x64xbf16, #tpu.memory_space<vmem_shared>>
      tpu.enqueue_dma source(%dma_start3A_785 : memref<128x64xbf16, #tpu.memory_space<vmem_shared>>) target(%dma_start3A_783 : memref<128x64xbf16, #tpu.memory_space<hbm>>) target_semaphore(%run_scoped3A_782 : memref<!tpu.dma_semaphore, #tpu.memory_space<semaphore_mem>>)
      %dma_wait3A_786 = tpu.memref_slice %arg4[%add3A_739, %mul3A_741] : memref<10240x128xbf16, #tpu.memory_space<hbm>> -> memref<128x64xbf16, #tpu.memory_space<hbm>>
      %dma_wait3A_787 = arith.constant 0 : i32
      %dma_wait3A_788 = tpu.memref_slice %arg8[%add3A_735, %dma_wait3A_787] : memref<10240x64xbf16, #tpu.memory_space<vmem_shared>> -> memref<128x64xbf16, #tpu.memory_space<vmem_shared>>
      tpu.wait_dma2 semaphore(%run_scoped3A_782 : memref<!tpu.dma_semaphore, #tpu.memory_space<semaphore_mem>>) src(%dma_wait3A_788 : memref<128x64xbf16, #tpu.memory_space<vmem_shared>>) dst(%dma_wait3A_786 : memref<128x64xbf16, #tpu.memory_space<hbm>>)
      tpu.yield
    }) : () -> ()
    %mul3A_742 = arith.constant 640 : i32
    %mul3A_743 = arith.muli %arg1, %mul3A_742 : i32
    %add3A_744 = arith.constant 128 : i32
    %add3A_745 = arith.addi %mul3A_743, %add3A_744 : i32
    %mul3A_746 = arith.constant 640 : i32
    %mul3A_747 = arith.muli %arg1, %mul3A_746 : i32
    %add3A_748 = arith.constant 128 : i32
    %add3A_749 = arith.addi %mul3A_747, %add3A_748 : i32
    %mul3A_750 = arith.constant 64 : i32
    %mul3A_751 = arith.muli %arg0, %mul3A_750 : i32
    "tpu.region"() ({
      %run_scoped3A_782 = tpu.sem_alloc : memref<!tpu.dma_semaphore, #tpu.memory_space<semaphore_mem>>
      %dma_start3A_783 = tpu.memref_slice %arg4[%add3A_749, %mul3A_751] : memref<10240x128xbf16, #tpu.memory_space<hbm>> -> memref<128x64xbf16, #tpu.memory_space<hbm>>
      %dma_start3A_784 = arith.constant 0 : i32
      %dma_start3A_785 = tpu.memref_slice %arg8[%add3A_745, %dma_start3A_784] : memref<10240x64xbf16, #tpu.memory_space<vmem_shared>> -> memref<128x64xbf16, #tpu.memory_space<vmem_shared>>
      tpu.enqueue_dma source(%dma_start3A_785 : memref<128x64xbf16, #tpu.memory_space<vmem_shared>>) target(%dma_start3A_783 : memref<128x64xbf16, #tpu.memory_space<hbm>>) target_semaphore(%run_scoped3A_782 : memref<!tpu.dma_semaphore, #tpu.memory_space<semaphore_mem>>)
      %dma_wait3A_786 = tpu.memref_slice %arg4[%add3A_749, %mul3A_751] : memref<10240x128xbf16, #tpu.memory_space<hbm>> -> memref<128x64xbf16, #tpu.memory_space<hbm>>
      %dma_wait3A_787 = arith.constant 0 : i32
      %dma_wait3A_788 = tpu.memref_slice %arg8[%add3A_745, %dma_wait3A_787] : memref<10240x64xbf16, #tpu.memory_space<vmem_shared>> -> memref<128x64xbf16, #tpu.memory_space<vmem_shared>>
      tpu.wait_dma2 semaphore(%run_scoped3A_782 : memref<!tpu.dma_semaphore, #tpu.memory_space<semaphore_mem>>) src(%dma_wait3A_788 : memref<128x64xbf16, #tpu.memory_space<vmem_shared>>) dst(%dma_wait3A_786 : memref<128x64xbf16, #tpu.memory_space<hbm>>)
      tpu.yield
    }) : () -> ()
    %mul3A_752 = arith.constant 640 : i32
    %mul3A_753 = arith.muli %arg1, %mul3A_752 : i32
    %add3A_754 = arith.constant 256 : i32
    %add3A_755 = arith.addi %mul3A_753, %add3A_754 : i32
    %mul3A_756 = arith.constant 640 : i32
    %mul3A_757 = arith.muli %arg1, %mul3A_756 : i32
    %add3A_758 = arith.constant 256 : i32
    %add3A_759 = arith.addi %mul3A_757, %add3A_758 : i32
    %mul3A_760 = arith.constant 64 : i32
    %mul3A_761 = arith.muli %arg0, %mul3A_760 : i32
    "tpu.region"() ({
      %run_scoped3A_782 = tpu.sem_alloc : memref<!tpu.dma_semaphore, #tpu.memory_space<semaphore_mem>>
      %dma_start3A_783 = tpu.memref_slice %arg4[%add3A_759, %mul3A_761] : memref<10240x128xbf16, #tpu.memory_space<hbm>> -> memref<128x64xbf16, #tpu.memory_space<hbm>>
      %dma_start3A_784 = arith.constant 0 : i32
      %dma_start3A_785 = tpu.memref_slice %arg8[%add3A_755, %dma_start3A_784] : memref<10240x64xbf16, #tpu.memory_space<vmem_shared>> -> memref<128x64xbf16, #tpu.memory_space<vmem_shared>>
      tpu.enqueue_dma source(%dma_start3A_785 : memref<128x64xbf16, #tpu.memory_space<vmem_shared>>) target(%dma_start3A_783 : memref<128x64xbf16, #tpu.memory_space<hbm>>) target_semaphore(%run_scoped3A_782 : memref<!tpu.dma_semaphore, #tpu.memory_space<semaphore_mem>>)
      %dma_wait3A_786 = tpu.memref_slice %arg4[%add3A_759, %mul3A_761] : memref<10240x128xbf16, #tpu.memory_space<hbm>> -> memref<128x64xbf16, #tpu.memory_space<hbm>>
      %dma_wait3A_787 = arith.constant 0 : i32
      %dma_wait3A_788 = tpu.memref_slice %arg8[%add3A_755, %dma_wait3A_787] : memref<10240x64xbf16, #tpu.memory_space<vmem_shared>> -> memref<128x64xbf16, #tpu.memory_space<vmem_shared>>
      tpu.wait_dma2 semaphore(%run_scoped3A_782 : memref<!tpu.dma_semaphore, #tpu.memory_space<semaphore_mem>>) src(%dma_wait3A_788 : memref<128x64xbf16, #tpu.memory_space<vmem_shared>>) dst(%dma_wait3A_786 : memref<128x64xbf16, #tpu.memory_space<hbm>>)
      tpu.yield
    }) : () -> ()
    %mul3A_762 = arith.constant 640 : i32
    %mul3A_763 = arith.muli %arg1, %mul3A_762 : i32
    %add3A_764 = arith.constant 384 : i32
    %add3A_765 = arith.addi %mul3A_763, %add3A_764 : i32
    %mul3A_766 = arith.constant 640 : i32
    %mul3A_767 = arith.muli %arg1, %mul3A_766 : i32
    %add3A_768 = arith.constant 384 : i32
    %add3A_769 = arith.addi %mul3A_767, %add3A_768 : i32
    %mul3A_770 = arith.constant 64 : i32
    %mul3A_771 = arith.muli %arg0, %mul3A_770 : i32
    "tpu.region"() ({
      %run_scoped3A_782 = tpu.sem_alloc : memref<!tpu.dma_semaphore, #tpu.memory_space<semaphore_mem>>
      %dma_start3A_783 = tpu.memref_slice %arg4[%add3A_769, %mul3A_771] : memref<10240x128xbf16, #tpu.memory_space<hbm>> -> memref<128x64xbf16, #tpu.memory_space<hbm>>
      %dma_start3A_784 = arith.constant 0 : i32
      %dma_start3A_785 = tpu.memref_slice %arg8[%add3A_765, %dma_start3A_784] : memref<10240x64xbf16, #tpu.memory_space<vmem_shared>> -> memref<128x64xbf16, #tpu.memory_space<vmem_shared>>
      tpu.enqueue_dma source(%dma_start3A_785 : memref<128x64xbf16, #tpu.memory_space<vmem_shared>>) target(%dma_start3A_783 : memref<128x64xbf16, #tpu.memory_space<hbm>>) target_semaphore(%run_scoped3A_782 : memref<!tpu.dma_semaphore, #tpu.memory_space<semaphore_mem>>)
      %dma_wait3A_786 = tpu.memref_slice %arg4[%add3A_769, %mul3A_771] : memref<10240x128xbf16, #tpu.memory_space<hbm>> -> memref<128x64xbf16, #tpu.memory_space<hbm>>
      %dma_wait3A_787 = arith.constant 0 : i32
      %dma_wait3A_788 = tpu.memref_slice %arg8[%add3A_765, %dma_wait3A_787] : memref<10240x64xbf16, #tpu.memory_space<vmem_shared>> -> memref<128x64xbf16, #tpu.memory_space<vmem_shared>>
      tpu.wait_dma2 semaphore(%run_scoped3A_782 : memref<!tpu.dma_semaphore, #tpu.memory_space<semaphore_mem>>) src(%dma_wait3A_788 : memref<128x64xbf16, #tpu.memory_space<vmem_shared>>) dst(%dma_wait3A_786 : memref<128x64xbf16, #tpu.memory_space<hbm>>)
      tpu.yield
    }) : () -> ()
    %mul3A_772 = arith.constant 640 : i32
    %mul3A_773 = arith.muli %arg1, %mul3A_772 : i32
    %add3A_774 = arith.constant 512 : i32
    %add3A_775 = arith.addi %mul3A_773, %add3A_774 : i32
    %mul3A_776 = arith.constant 640 : i32
    %mul3A_777 = arith.muli %arg1, %mul3A_776 : i32
    %add3A_778 = arith.constant 512 : i32
    %add3A_779 = arith.addi %mul3A_777, %add3A_778 : i32
    %mul3A_780 = arith.constant 64 : i32
    %mul3A_781 = arith.muli %arg0, %mul3A_780 : i32
    "tpu.region"() ({
      %run_scoped3A_782 = tpu.sem_alloc : memref<!tpu.dma_semaphore, #tpu.memory_space<semaphore_mem>>
      %dma_start3A_783 = tpu.memref_slice %arg4[%add3A_779, %mul3A_781] : memref<10240x128xbf16, #tpu.memory_space<hbm>> -> memref<128x64xbf16, #tpu.memory_space<hbm>>
      %dma_start3A_784 = arith.constant 0 : i32
      %dma_start3A_785 = tpu.memref_slice %arg8[%add3A_775, %dma_start3A_784] : memref<10240x64xbf16, #tpu.memory_space<vmem_shared>> -> memref<128x64xbf16, #tpu.memory_space<vmem_shared>>
      tpu.enqueue_dma source(%dma_start3A_785 : memref<128x64xbf16, #tpu.memory_space<vmem_shared>>) target(%dma_start3A_783 : memref<128x64xbf16, #tpu.memory_space<hbm>>) target_semaphore(%run_scoped3A_782 : memref<!tpu.dma_semaphore, #tpu.memory_space<semaphore_mem>>)
      %dma_wait3A_786 = tpu.memref_slice %arg4[%add3A_779, %mul3A_781] : memref<10240x128xbf16, #tpu.memory_space<hbm>> -> memref<128x64xbf16, #tpu.memory_space<hbm>>
      %dma_wait3A_787 = arith.constant 0 : i32
      %dma_wait3A_788 = tpu.memref_slice %arg8[%add3A_775, %dma_wait3A_787] : memref<10240x64xbf16, #tpu.memory_space<vmem_shared>> -> memref<128x64xbf16, #tpu.memory_space<vmem_shared>>
      tpu.wait_dma2 semaphore(%run_scoped3A_782 : memref<!tpu.dma_semaphore, #tpu.memory_space<semaphore_mem>>) src(%dma_wait3A_788 : memref<128x64xbf16, #tpu.memory_space<vmem_shared>>) dst(%dma_wait3A_786 : memref<128x64xbf16, #tpu.memory_space<hbm>>)
      tpu.yield
    }) : () -> ()
    return
  }
}

module attributes {stable_mosaic.version = 14 : i64} {
  func.func @_mm_body(%arg0: i32, %arg1: memref<1024x128xf32, #tpu.memory_space<vmem>>, %arg2: memref<128x128xf32, #tpu.memory_space<vmem>>, %arg3: memref<1024xf32, #tpu.memory_space<vmem>>, %arg4: memref<1024xf32, #tpu.memory_space<vmem>>, %arg5: memref<2x1024x64xbf16, #tpu.memory_space<vmem>>) attributes {dimension_semantics = [#tpu.dimension_semantics<arbitrary>], iteration_bounds = array<i64: 10>, scalar_prefetch = 0 : i64, scratch_operands = 0 : i64, tpu.core_type = #tpu.core_type<tc>, window_params = [{transform_indices = @transform_0, window_bounds = array<i64: 1024, 128>}, {pipeline_mode = #tpu.pipeline_mode<synchronous>, transform_indices = @transform_1, window_bounds = array<i64: 128, 128>}, {transform_indices = @transform_2, window_bounds = array<i64: 1024>}, {transform_indices = @transform_3, window_bounds = array<i64: 1024>}, {transform_indices = @transform_4, window_bounds = array<i64: 2, 1024, 64>}]} {
    %get3A = arith.constant 0 : index
    %get3A_0 = arith.constant 0 : index
    %get3A_1 = vector.load %arg1[%get3A, %get3A_0] : memref<1024x128xf32, #tpu.memory_space<vmem>>, vector<1024x128xf32>
    %get3A_2 = arith.constant 0 : index
    %get3A_3 = arith.constant 0 : index
    %get3A_4 = vector.load %arg2[%get3A_2, %get3A_3] : memref<128x128xf32, #tpu.memory_space<vmem>>, vector<128x128xf32>
    %dot_general3A = arith.constant dense<0.000000e+00> : vector<1024x128xf32>
    %dot_general3A_5 = tpu.matmul %get3A_1, %get3A_4, %dot_general3A {dimension_numbers = #tpu.dot_dimension_numbers<[1], [0], [0], [1], [0, 0, 1, 1], [], []>, transpose_lhs_hint = false} : vector<1024x128xf32>, vector<128x128xf32>, vector<1024x128xf32> -> vector<1024x128xf32>
    %get3A_6 = arith.constant 0 : index
    %get3A_7 = vector.load %arg3[%get3A_6] : memref<1024xf32, #tpu.memory_space<vmem>>, vector<1024xf32>
    %get3A_8 = arith.constant 0 : index
    %get3A_9 = vector.load %arg4[%get3A_8] : memref<1024xf32, #tpu.memory_space<vmem>>, vector<1024xf32>
    %add3A = arith.addf %get3A_7, %get3A_9 : vector<1024xf32>
    %add3A_10 = arith.constant 1.000000e+00 : f32
    %add3A_11 = vector.broadcast %add3A_10 : f32 to vector<1024xf32>
    %add3A_12 = arith.addf %add3A, %add3A_11 : vector<1024xf32>
    %reshape3A = vector.shape_cast %add3A_12 : vector<1024xf32> to vector<8x128xf32>
    %rsqrt3A = math.rsqrt %reshape3A : vector<8x128xf32>
    %iota3A = tpu.iota {dimensions = array<i32: 0>} : vector<128x128xi32>
    %iota3A_13 = tpu.iota {dimensions = array<i32: 1>} : vector<128x128xi32>
    %eq3A = arith.cmpi eq, %iota3A, %iota3A_13 : vector<128x128xi32>
    %jit3A = arith.constant 1.000000e+00 : f32
    %jit3A_14 = arith.constant 0.000000e+00 : f32
    %broadcast_in_dim3A = vector.broadcast %jit3A : f32 to vector<128x128xf32>
    %broadcast_in_dim3A_15 = vector.broadcast %jit3A_14 : f32 to vector<128x128xf32>
    %select_n3A = arith.select %eq3A, %broadcast_in_dim3A, %broadcast_in_dim3A_15 : vector<128x128xi1>, vector<128x128xf32>
    %broadcast_in_dim3A_16 = arith.constant 1.000000e+00 : f32
    %broadcast_in_dim3A_17 = vector.broadcast %broadcast_in_dim3A_16 : f32 to vector<128x128xf32>
    %slice3A = vector.extract_strided_slice %rsqrt3A {offsets = [0, 0], sizes = [1, 128], strides = [1, 1]} : vector<8x128xf32> to vector<1x128xf32>
    %squeeze3A = vector.shape_cast %slice3A : vector<1x128xf32> to vector<128xf32>
    %broadcast_in_dim3A_18 = vector.shape_cast %squeeze3A : vector<128xf32> to vector<1x128xf32>
    %mul3A = vector.broadcast %broadcast_in_dim3A_18 : vector<1x128xf32> to vector<128x128xf32>
    %mul3A_19 = arith.mulf %select_n3A, %mul3A : vector<128x128xf32>
    %dot_general3A_20 = arith.constant dense<0.000000e+00> : vector<128x128xf32>
    %dot_general3A_21 = tpu.matmul %mul3A_19, %broadcast_in_dim3A_17, %dot_general3A_20 {dimension_numbers = #tpu.dot_dimension_numbers<[1], [0], [0], [1], [0, 0, 1, 1], [], []>, transpose_lhs_hint = false} : vector<128x128xf32>, vector<128x128xf32>, vector<128x128xf32> -> vector<128x128xf32>
    %slice3A_22 = vector.extract_strided_slice %rsqrt3A {offsets = [1, 0], sizes = [1, 128], strides = [1, 1]} : vector<8x128xf32> to vector<1x128xf32>
    %squeeze3A_23 = vector.shape_cast %slice3A_22 : vector<1x128xf32> to vector<128xf32>
    %broadcast_in_dim3A_24 = vector.shape_cast %squeeze3A_23 : vector<128xf32> to vector<1x128xf32>
    %mul3A_25 = vector.broadcast %broadcast_in_dim3A_24 : vector<1x128xf32> to vector<128x128xf32>
    %mul3A_26 = arith.mulf %select_n3A, %mul3A_25 : vector<128x128xf32>
    %dot_general3A_27 = arith.constant dense<0.000000e+00> : vector<128x128xf32>
    %dot_general3A_28 = tpu.matmul %mul3A_26, %broadcast_in_dim3A_17, %dot_general3A_27 {dimension_numbers = #tpu.dot_dimension_numbers<[1], [0], [0], [1], [0, 0, 1, 1], [], []>, transpose_lhs_hint = false} : vector<128x128xf32>, vector<128x128xf32>, vector<128x128xf32> -> vector<128x128xf32>
    %slice3A_29 = vector.extract_strided_slice %rsqrt3A {offsets = [2, 0], sizes = [1, 128], strides = [1, 1]} : vector<8x128xf32> to vector<1x128xf32>
    %squeeze3A_30 = vector.shape_cast %slice3A_29 : vector<1x128xf32> to vector<128xf32>
    %broadcast_in_dim3A_31 = vector.shape_cast %squeeze3A_30 : vector<128xf32> to vector<1x128xf32>
    %mul3A_32 = vector.broadcast %broadcast_in_dim3A_31 : vector<1x128xf32> to vector<128x128xf32>
    %mul3A_33 = arith.mulf %select_n3A, %mul3A_32 : vector<128x128xf32>
    %dot_general3A_34 = arith.constant dense<0.000000e+00> : vector<128x128xf32>
    %dot_general3A_35 = tpu.matmul %mul3A_33, %broadcast_in_dim3A_17, %dot_general3A_34 {dimension_numbers = #tpu.dot_dimension_numbers<[1], [0], [0], [1], [0, 0, 1, 1], [], []>, transpose_lhs_hint = false} : vector<128x128xf32>, vector<128x128xf32>, vector<128x128xf32> -> vector<128x128xf32>
    %slice3A_36 = vector.extract_strided_slice %rsqrt3A {offsets = [3, 0], sizes = [1, 128], strides = [1, 1]} : vector<8x128xf32> to vector<1x128xf32>
    %squeeze3A_37 = vector.shape_cast %slice3A_36 : vector<1x128xf32> to vector<128xf32>
    %broadcast_in_dim3A_38 = vector.shape_cast %squeeze3A_37 : vector<128xf32> to vector<1x128xf32>
    %mul3A_39 = vector.broadcast %broadcast_in_dim3A_38 : vector<1x128xf32> to vector<128x128xf32>
    %mul3A_40 = arith.mulf %select_n3A, %mul3A_39 : vector<128x128xf32>
    %dot_general3A_41 = arith.constant dense<0.000000e+00> : vector<128x128xf32>
    %dot_general3A_42 = tpu.matmul %mul3A_40, %broadcast_in_dim3A_17, %dot_general3A_41 {dimension_numbers = #tpu.dot_dimension_numbers<[1], [0], [0], [1], [0, 0, 1, 1], [], []>, transpose_lhs_hint = false} : vector<128x128xf32>, vector<128x128xf32>, vector<128x128xf32> -> vector<128x128xf32>
    %slice3A_43 = vector.extract_strided_slice %rsqrt3A {offsets = [4, 0], sizes = [1, 128], strides = [1, 1]} : vector<8x128xf32> to vector<1x128xf32>
    %squeeze3A_44 = vector.shape_cast %slice3A_43 : vector<1x128xf32> to vector<128xf32>
    %broadcast_in_dim3A_45 = vector.shape_cast %squeeze3A_44 : vector<128xf32> to vector<1x128xf32>
    %mul3A_46 = vector.broadcast %broadcast_in_dim3A_45 : vector<1x128xf32> to vector<128x128xf32>
    %mul3A_47 = arith.mulf %select_n3A, %mul3A_46 : vector<128x128xf32>
    %dot_general3A_48 = arith.constant dense<0.000000e+00> : vector<128x128xf32>
    %dot_general3A_49 = tpu.matmul %mul3A_47, %broadcast_in_dim3A_17, %dot_general3A_48 {dimension_numbers = #tpu.dot_dimension_numbers<[1], [0], [0], [1], [0, 0, 1, 1], [], []>, transpose_lhs_hint = false} : vector<128x128xf32>, vector<128x128xf32>, vector<128x128xf32> -> vector<128x128xf32>
    %slice3A_50 = vector.extract_strided_slice %rsqrt3A {offsets = [5, 0], sizes = [1, 128], strides = [1, 1]} : vector<8x128xf32> to vector<1x128xf32>
    %squeeze3A_51 = vector.shape_cast %slice3A_50 : vector<1x128xf32> to vector<128xf32>
    %broadcast_in_dim3A_52 = vector.shape_cast %squeeze3A_51 : vector<128xf32> to vector<1x128xf32>
    %mul3A_53 = vector.broadcast %broadcast_in_dim3A_52 : vector<1x128xf32> to vector<128x128xf32>
    %mul3A_54 = arith.mulf %select_n3A, %mul3A_53 : vector<128x128xf32>
    %dot_general3A_55 = arith.constant dense<0.000000e+00> : vector<128x128xf32>
    %dot_general3A_56 = tpu.matmul %mul3A_54, %broadcast_in_dim3A_17, %dot_general3A_55 {dimension_numbers = #tpu.dot_dimension_numbers<[1], [0], [0], [1], [0, 0, 1, 1], [], []>, transpose_lhs_hint = false} : vector<128x128xf32>, vector<128x128xf32>, vector<128x128xf32> -> vector<128x128xf32>
    %slice3A_57 = vector.extract_strided_slice %rsqrt3A {offsets = [6, 0], sizes = [1, 128], strides = [1, 1]} : vector<8x128xf32> to vector<1x128xf32>
    %squeeze3A_58 = vector.shape_cast %slice3A_57 : vector<1x128xf32> to vector<128xf32>
    %broadcast_in_dim3A_59 = vector.shape_cast %squeeze3A_58 : vector<128xf32> to vector<1x128xf32>
    %mul3A_60 = vector.broadcast %broadcast_in_dim3A_59 : vector<1x128xf32> to vector<128x128xf32>
    %mul3A_61 = arith.mulf %select_n3A, %mul3A_60 : vector<128x128xf32>
    %dot_general3A_62 = arith.constant dense<0.000000e+00> : vector<128x128xf32>
    %dot_general3A_63 = tpu.matmul %mul3A_61, %broadcast_in_dim3A_17, %dot_general3A_62 {dimension_numbers = #tpu.dot_dimension_numbers<[1], [0], [0], [1], [0, 0, 1, 1], [], []>, transpose_lhs_hint = false} : vector<128x128xf32>, vector<128x128xf32>, vector<128x128xf32> -> vector<128x128xf32>
    %slice3A_64 = vector.extract_strided_slice %rsqrt3A {offsets = [7, 0], sizes = [1, 128], strides = [1, 1]} : vector<8x128xf32> to vector<1x128xf32>
    %squeeze3A_65 = vector.shape_cast %slice3A_64 : vector<1x128xf32> to vector<128xf32>
    %broadcast_in_dim3A_66 = vector.shape_cast %squeeze3A_65 : vector<128xf32> to vector<1x128xf32>
    %mul3A_67 = vector.broadcast %broadcast_in_dim3A_66 : vector<1x128xf32> to vector<128x128xf32>
    %mul3A_68 = arith.mulf %select_n3A, %mul3A_67 : vector<128x128xf32>
    %dot_general3A_69 = arith.constant dense<0.000000e+00> : vector<128x128xf32>
    %dot_general3A_70 = tpu.matmul %mul3A_68, %broadcast_in_dim3A_17, %dot_general3A_69 {dimension_numbers = #tpu.dot_dimension_numbers<[1], [0], [0], [1], [0, 0, 1, 1], [], []>, transpose_lhs_hint = false} : vector<128x128xf32>, vector<128x128xf32>, vector<128x128xf32> -> vector<128x128xf32>
    %concatenate3A = tpu.concatenate %dot_general3A_21, %dot_general3A_28, %dot_general3A_35, %dot_general3A_42, %dot_general3A_49, %dot_general3A_56, %dot_general3A_63, %dot_general3A_70 in 0 : vector<128x128xf32>, vector<128x128xf32>, vector<128x128xf32>, vector<128x128xf32>, vector<128x128xf32>, vector<128x128xf32>, vector<128x128xf32>, vector<128x128xf32> -> vector<1024x128xf32>
    %mul3A_71 = arith.mulf %dot_general3A_5, %concatenate3A : vector<1024x128xf32>
    %convert_element_type3A = arith.truncf %mul3A_71 : vector<1024x128xf32> to vector<1024x128xbf16>
    %slice3A_72 = vector.extract_strided_slice %convert_element_type3A {offsets = [0, 0], sizes = [1024, 64], strides = [1, 1]} : vector<1024x128xbf16> to vector<1024x64xbf16>
    %swap3A = arith.constant 0 : index
    %swap3A_73 = arith.constant 0 : index
    %swap3A_74 = arith.constant 0 : index
    %swap3A_75 = vector.load %arg5[%swap3A, %swap3A_73, %swap3A_74] : memref<2x1024x64xbf16, #tpu.memory_space<vmem>>, vector<1x1024x64xbf16>
    %swap3A_76 = vector.shape_cast %swap3A_75 : vector<1x1024x64xbf16> to vector<1024x64xbf16>
    %swap3A_77 = vector.shape_cast %slice3A_72 : vector<1024x64xbf16> to vector<1x1024x64xbf16>
    tpu.vector_store %arg5[%swap3A, %swap3A_73, %swap3A_74], %swap3A_77 {strides = array<i32>} : memref<2x1024x64xbf16, #tpu.memory_space<vmem>>, vector<1x1024x64xbf16>,
    %slice3A_78 = vector.extract_strided_slice %convert_element_type3A {offsets = [0, 64], sizes = [1024, 64], strides = [1, 1]} : vector<1024x128xbf16> to vector<1024x64xbf16>
    %swap3A_79 = arith.constant 1 : index
    %swap3A_80 = arith.constant 0 : index
    %swap3A_81 = arith.constant 0 : index
    %swap3A_82 = vector.load %arg5[%swap3A_79, %swap3A_80, %swap3A_81] : memref<2x1024x64xbf16, #tpu.memory_space<vmem>>, vector<1x1024x64xbf16>
    %swap3A_83 = vector.shape_cast %swap3A_82 : vector<1x1024x64xbf16> to vector<1024x64xbf16>
    %swap3A_84 = vector.shape_cast %slice3A_78 : vector<1024x64xbf16> to vector<1x1024x64xbf16>
    tpu.vector_store %arg5[%swap3A_79, %swap3A_80, %swap3A_81], %swap3A_84 {strides = array<i32>} : memref<2x1024x64xbf16, #tpu.memory_space<vmem>>, vector<1x1024x64xbf16>,
    return
  }
  func.func @transform_0(%arg0: i32) -> (i32, i32) {
    %c0_i32 = arith.constant 0 : i32
    %c0_i32_0 = arith.constant 0 : i32
    return %arg0, %c0_i32 : i32, i32
  }
  func.func @transform_1(%arg0: i32) -> (i32, i32) {
    %c0_i32 = arith.constant 0 : i32
    %c0_i32_0 = arith.constant 0 : i32
    %c0_i32_1 = arith.constant 0 : i32
    return %c0_i32, %c0_i32_0 : i32, i32
  }
  func.func @transform_2(%arg0: i32) -> i32 {
    %c0_i32 = arith.constant 0 : i32
    return %arg0 : i32
  }
  func.func @transform_3(%arg0: i32) -> i32 {
    %add3A = arith.constant 10 : i32
    %add3A_0 = arith.addi %arg0, %add3A : i32
    %c0_i32 = arith.constant 0 : i32
    return %add3A_0 : i32
  }
  func.func @transform_4(%arg0: i32) -> (i32, i32, i32) {
    %c0_i32 = arith.constant 0 : i32
    %c0_i32_0 = arith.constant 0 : i32
    %c0_i32_1 = arith.constant 0 : i32
    return %c0_i32, %arg0, %c0_i32_0 : i32, i32, i32
  }
}

module attributes {stable_mosaic.version = 14 : i64} {
  func.func @_ep_body(%arg0: i32, %arg1: memref<1024x128xbf16, #tpu.memory_space<vmem>>, %arg2: memref<2x1024x64xbf16, #tpu.memory_space<vmem>>, %arg3: memref<1024xf32, #tpu.memory_space<vmem>>, %arg4: memref<1024xf32, #tpu.memory_space<vmem>>, %arg5: memref<1x128xf32, #tpu.memory_space<vmem>>, %arg6: memref<1x128xf32, #tpu.memory_space<vmem>>, %arg7: memref<1024x128xf32, #tpu.memory_space<vmem>>) attributes {dimension_semantics = [#tpu.dimension_semantics<arbitrary>], iteration_bounds = array<i64: 10>, scalar_prefetch = 0 : i64, scratch_operands = 0 : i64, tpu.core_type = #tpu.core_type<tc>, window_params = [{transform_indices = @transform_0, window_bounds = array<i64: 1024, 128>}, {transform_indices = @transform_1, window_bounds = array<i64: 2, 1024, 64>}, {transform_indices = @transform_2, window_bounds = array<i64: 1024>}, {transform_indices = @transform_3, window_bounds = array<i64: 1024>}, {pipeline_mode = #tpu.pipeline_mode<synchronous>, transform_indices = @transform_4, window_bounds = array<i64: 1, 128>}, {pipeline_mode = #tpu.pipeline_mode<synchronous>, transform_indices = @transform_5, window_bounds = array<i64: 1, 128>}, {transform_indices = @transform_6, window_bounds = array<i64: 1024, 128>}]} {
    %get3A = arith.constant 0 : index
    %get3A_0 = arith.constant 0 : index
    %get3A_1 = arith.constant 0 : index
    %get3A_2 = vector.load %arg2[%get3A, %get3A_0, %get3A_1] : memref<2x1024x64xbf16, #tpu.memory_space<vmem>>, vector<1x1024x64xbf16>
    %get3A_3 = vector.shape_cast %get3A_2 : vector<1x1024x64xbf16> to vector<1024x64xbf16>
    %get3A_4 = arith.constant 1 : index
    %get3A_5 = arith.constant 0 : index
    %get3A_6 = arith.constant 0 : index
    %get3A_7 = vector.load %arg2[%get3A_4, %get3A_5, %get3A_6] : memref<2x1024x64xbf16, #tpu.memory_space<vmem>>, vector<1x1024x64xbf16>
    %get3A_8 = vector.shape_cast %get3A_7 : vector<1x1024x64xbf16> to vector<1024x64xbf16>
    %concatenate3A = tpu.concatenate %get3A_3, %get3A_8 in 1 : vector<1024x64xbf16>, vector<1024x64xbf16> -> vector<1024x128xbf16>
    %convert_element_type3A = arith.extf %concatenate3A : vector<1024x128xbf16> to vector<1024x128xf32>
    %get3A_9 = arith.constant 0 : index
    %get3A_10 = vector.load %arg3[%get3A_9] : memref<1024xf32, #tpu.memory_space<vmem>>, vector<1024xf32>
    %get3A_11 = arith.constant 0 : index
    %get3A_12 = vector.load %arg4[%get3A_11] : memref<1024xf32, #tpu.memory_space<vmem>>, vector<1024xf32>
    %add3A = arith.addf %get3A_10, %get3A_12 : vector<1024xf32>
    %add3A_13 = arith.constant 1.000000e+00 : f32
    %add3A_14 = vector.broadcast %add3A_13 : f32 to vector<1024xf32>
    %add3A_15 = arith.addf %add3A, %add3A_14 : vector<1024xf32>
    %reshape3A = vector.shape_cast %add3A_15 : vector<1024xf32> to vector<8x128xf32>
    %rsqrt3A = math.rsqrt %reshape3A : vector<8x128xf32>
    %iota3A = tpu.iota {dimensions = array<i32: 0>} : vector<128x128xi32>
    %iota3A_16 = tpu.iota {dimensions = array<i32: 1>} : vector<128x128xi32>
    %eq3A = arith.cmpi eq, %iota3A, %iota3A_16 : vector<128x128xi32>
    %jit3A = arith.constant 1.000000e+00 : f32
    %jit3A_17 = arith.constant 0.000000e+00 : f32
    %broadcast_in_dim3A = vector.broadcast %jit3A : f32 to vector<128x128xf32>
    %broadcast_in_dim3A_18 = vector.broadcast %jit3A_17 : f32 to vector<128x128xf32>
    %select_n3A = arith.select %eq3A, %broadcast_in_dim3A, %broadcast_in_dim3A_18 : vector<128x128xi1>, vector<128x128xf32>
    %broadcast_in_dim3A_19 = arith.constant 1.000000e+00 : f32
    %broadcast_in_dim3A_20 = vector.broadcast %broadcast_in_dim3A_19 : f32 to vector<128x128xf32>
    %slice3A = vector.extract_strided_slice %rsqrt3A {offsets = [0, 0], sizes = [1, 128], strides = [1, 1]} : vector<8x128xf32> to vector<1x128xf32>
    %squeeze3A = vector.shape_cast %slice3A : vector<1x128xf32> to vector<128xf32>
    %broadcast_in_dim3A_21 = vector.shape_cast %squeeze3A : vector<128xf32> to vector<1x128xf32>
    %mul3A = vector.broadcast %broadcast_in_dim3A_21 : vector<1x128xf32> to vector<128x128xf32>
    %mul3A_22 = arith.mulf %select_n3A, %mul3A : vector<128x128xf32>
    %dot_general3A = arith.constant dense<0.000000e+00> : vector<128x128xf32>
    %dot_general3A_23 = tpu.matmul %mul3A_22, %broadcast_in_dim3A_20, %dot_general3A {dimension_numbers = #tpu.dot_dimension_numbers<[1], [0], [0], [1], [0, 0, 1, 1], [], []>, transpose_lhs_hint = false} : vector<128x128xf32>, vector<128x128xf32>, vector<128x128xf32> -> vector<128x128xf32>
    %slice3A_24 = vector.extract_strided_slice %rsqrt3A {offsets = [1, 0], sizes = [1, 128], strides = [1, 1]} : vector<8x128xf32> to vector<1x128xf32>
    %squeeze3A_25 = vector.shape_cast %slice3A_24 : vector<1x128xf32> to vector<128xf32>
    %broadcast_in_dim3A_26 = vector.shape_cast %squeeze3A_25 : vector<128xf32> to vector<1x128xf32>
    %mul3A_27 = vector.broadcast %broadcast_in_dim3A_26 : vector<1x128xf32> to vector<128x128xf32>
    %mul3A_28 = arith.mulf %select_n3A, %mul3A_27 : vector<128x128xf32>
    %dot_general3A_29 = arith.constant dense<0.000000e+00> : vector<128x128xf32>
    %dot_general3A_30 = tpu.matmul %mul3A_28, %broadcast_in_dim3A_20, %dot_general3A_29 {dimension_numbers = #tpu.dot_dimension_numbers<[1], [0], [0], [1], [0, 0, 1, 1], [], []>, transpose_lhs_hint = false} : vector<128x128xf32>, vector<128x128xf32>, vector<128x128xf32> -> vector<128x128xf32>
    %slice3A_31 = vector.extract_strided_slice %rsqrt3A {offsets = [2, 0], sizes = [1, 128], strides = [1, 1]} : vector<8x128xf32> to vector<1x128xf32>
    %squeeze3A_32 = vector.shape_cast %slice3A_31 : vector<1x128xf32> to vector<128xf32>
    %broadcast_in_dim3A_33 = vector.shape_cast %squeeze3A_32 : vector<128xf32> to vector<1x128xf32>
    %mul3A_34 = vector.broadcast %broadcast_in_dim3A_33 : vector<1x128xf32> to vector<128x128xf32>
    %mul3A_35 = arith.mulf %select_n3A, %mul3A_34 : vector<128x128xf32>
    %dot_general3A_36 = arith.constant dense<0.000000e+00> : vector<128x128xf32>
    %dot_general3A_37 = tpu.matmul %mul3A_35, %broadcast_in_dim3A_20, %dot_general3A_36 {dimension_numbers = #tpu.dot_dimension_numbers<[1], [0], [0], [1], [0, 0, 1, 1], [], []>, transpose_lhs_hint = false} : vector<128x128xf32>, vector<128x128xf32>, vector<128x128xf32> -> vector<128x128xf32>
    %slice3A_38 = vector.extract_strided_slice %rsqrt3A {offsets = [3, 0], sizes = [1, 128], strides = [1, 1]} : vector<8x128xf32> to vector<1x128xf32>
    %squeeze3A_39 = vector.shape_cast %slice3A_38 : vector<1x128xf32> to vector<128xf32>
    %broadcast_in_dim3A_40 = vector.shape_cast %squeeze3A_39 : vector<128xf32> to vector<1x128xf32>
    %mul3A_41 = vector.broadcast %broadcast_in_dim3A_40 : vector<1x128xf32> to vector<128x128xf32>
    %mul3A_42 = arith.mulf %select_n3A, %mul3A_41 : vector<128x128xf32>
    %dot_general3A_43 = arith.constant dense<0.000000e+00> : vector<128x128xf32>
    %dot_general3A_44 = tpu.matmul %mul3A_42, %broadcast_in_dim3A_20, %dot_general3A_43 {dimension_numbers = #tpu.dot_dimension_numbers<[1], [0], [0], [1], [0, 0, 1, 1], [], []>, transpose_lhs_hint = false} : vector<128x128xf32>, vector<128x128xf32>, vector<128x128xf32> -> vector<128x128xf32>
    %slice3A_45 = vector.extract_strided_slice %rsqrt3A {offsets = [4, 0], sizes = [1, 128], strides = [1, 1]} : vector<8x128xf32> to vector<1x128xf32>
    %squeeze3A_46 = vector.shape_cast %slice3A_45 : vector<1x128xf32> to vector<128xf32>
    %broadcast_in_dim3A_47 = vector.shape_cast %squeeze3A_46 : vector<128xf32> to vector<1x128xf32>
    %mul3A_48 = vector.broadcast %broadcast_in_dim3A_47 : vector<1x128xf32> to vector<128x128xf32>
    %mul3A_49 = arith.mulf %select_n3A, %mul3A_48 : vector<128x128xf32>
    %dot_general3A_50 = arith.constant dense<0.000000e+00> : vector<128x128xf32>
    %dot_general3A_51 = tpu.matmul %mul3A_49, %broadcast_in_dim3A_20, %dot_general3A_50 {dimension_numbers = #tpu.dot_dimension_numbers<[1], [0], [0], [1], [0, 0, 1, 1], [], []>, transpose_lhs_hint = false} : vector<128x128xf32>, vector<128x128xf32>, vector<128x128xf32> -> vector<128x128xf32>
    %slice3A_52 = vector.extract_strided_slice %rsqrt3A {offsets = [5, 0], sizes = [1, 128], strides = [1, 1]} : vector<8x128xf32> to vector<1x128xf32>
    %squeeze3A_53 = vector.shape_cast %slice3A_52 : vector<1x128xf32> to vector<128xf32>
    %broadcast_in_dim3A_54 = vector.shape_cast %squeeze3A_53 : vector<128xf32> to vector<1x128xf32>
    %mul3A_55 = vector.broadcast %broadcast_in_dim3A_54 : vector<1x128xf32> to vector<128x128xf32>
    %mul3A_56 = arith.mulf %select_n3A, %mul3A_55 : vector<128x128xf32>
    %dot_general3A_57 = arith.constant dense<0.000000e+00> : vector<128x128xf32>
    %dot_general3A_58 = tpu.matmul %mul3A_56, %broadcast_in_dim3A_20, %dot_general3A_57 {dimension_numbers = #tpu.dot_dimension_numbers<[1], [0], [0], [1], [0, 0, 1, 1], [], []>, transpose_lhs_hint = false} : vector<128x128xf32>, vector<128x128xf32>, vector<128x128xf32> -> vector<128x128xf32>
    %slice3A_59 = vector.extract_strided_slice %rsqrt3A {offsets = [6, 0], sizes = [1, 128], strides = [1, 1]} : vector<8x128xf32> to vector<1x128xf32>
    %squeeze3A_60 = vector.shape_cast %slice3A_59 : vector<1x128xf32> to vector<128xf32>
    %broadcast_in_dim3A_61 = vector.shape_cast %squeeze3A_60 : vector<128xf32> to vector<1x128xf32>
    %mul3A_62 = vector.broadcast %broadcast_in_dim3A_61 : vector<1x128xf32> to vector<128x128xf32>
    %mul3A_63 = arith.mulf %select_n3A, %mul3A_62 : vector<128x128xf32>
    %dot_general3A_64 = arith.constant dense<0.000000e+00> : vector<128x128xf32>
    %dot_general3A_65 = tpu.matmul %mul3A_63, %broadcast_in_dim3A_20, %dot_general3A_64 {dimension_numbers = #tpu.dot_dimension_numbers<[1], [0], [0], [1], [0, 0, 1, 1], [], []>, transpose_lhs_hint = false} : vector<128x128xf32>, vector<128x128xf32>, vector<128x128xf32> -> vector<128x128xf32>
    %slice3A_66 = vector.extract_strided_slice %rsqrt3A {offsets = [7, 0], sizes = [1, 128], strides = [1, 1]} : vector<8x128xf32> to vector<1x128xf32>
    %squeeze3A_67 = vector.shape_cast %slice3A_66 : vector<1x128xf32> to vector<128xf32>
    %broadcast_in_dim3A_68 = vector.shape_cast %squeeze3A_67 : vector<128xf32> to vector<1x128xf32>
    %mul3A_69 = vector.broadcast %broadcast_in_dim3A_68 : vector<1x128xf32> to vector<128x128xf32>
    %mul3A_70 = arith.mulf %select_n3A, %mul3A_69 : vector<128x128xf32>
    %dot_general3A_71 = arith.constant dense<0.000000e+00> : vector<128x128xf32>
    %dot_general3A_72 = tpu.matmul %mul3A_70, %broadcast_in_dim3A_20, %dot_general3A_71 {dimension_numbers = #tpu.dot_dimension_numbers<[1], [0], [0], [1], [0, 0, 1, 1], [], []>, transpose_lhs_hint = false} : vector<128x128xf32>, vector<128x128xf32>, vector<128x128xf32> -> vector<128x128xf32>
    %concatenate3A_73 = tpu.concatenate %dot_general3A_23, %dot_general3A_30, %dot_general3A_37, %dot_general3A_44, %dot_general3A_51, %dot_general3A_58, %dot_general3A_65, %dot_general3A_72 in 0 : vector<128x128xf32>, vector<128x128xf32>, vector<128x128xf32>, vector<128x128xf32>, vector<128x128xf32>, vector<128x128xf32>, vector<128x128xf32>, vector<128x128xf32> -> vector<1024x128xf32>
    %get3A_74 = arith.constant 0 : index
    %get3A_75 = arith.constant 0 : index
    %get3A_76 = vector.load %arg1[%get3A_74, %get3A_75] : memref<1024x128xbf16, #tpu.memory_space<vmem>>, vector<1024x128xbf16>
    %convert_element_type3A_77 = arith.extf %get3A_76 : vector<1024x128xbf16> to vector<1024x128xf32>
    %add3A_78 = arith.addf %convert_element_type3A_77, %convert_element_type3A : vector<1024x128xf32>
    %mul3A_79 = arith.mulf %concatenate3A_73, %add3A_78 : vector<1024x128xf32>
    %get3A_80 = arith.constant 0 : index
    %get3A_81 = arith.constant 0 : index
    %get3A_82 = vector.load %arg5[%get3A_80, %get3A_81] : memref<1x128xf32, #tpu.memory_space<vmem>>, vector<1x128xf32>
    %add3A_83 = vector.broadcast %get3A_82 : vector<1x128xf32> to vector<1024x128xf32>
    %add3A_84 = arith.addf %mul3A_79, %add3A_83 : vector<1024x128xf32>
    %ge3A = arith.constant 0.000000e+00 : f32
    %ge3A_85 = vector.broadcast %ge3A : f32 to vector<1024x128xf32>
    %ge3A_86 = arith.cmpf oge, %add3A_84, %ge3A_85 : vector<1024x128xf32>
    %get3A_87 = arith.constant 0 : index
    %get3A_88 = arith.constant 0 : index
    %get3A_89 = vector.load %arg6[%get3A_87, %get3A_88] : memref<1x128xf32, #tpu.memory_space<vmem>>, vector<1x128xf32>
    %mul3A_90 = vector.broadcast %get3A_89 : vector<1x128xf32> to vector<1024x128xf32>
    %mul3A_91 = arith.mulf %mul3A_90, %add3A_84 : vector<1024x128xf32>
    %select_n3A_92 = arith.select %ge3A_86, %add3A_84, %mul3A_91 : vector<1024x128xi1>, vector<1024x128xf32>
    %swap3A = arith.constant 0 : index
    %swap3A_93 = arith.constant 0 : index
    %swap3A_94 = vector.load %arg7[%swap3A, %swap3A_93] : memref<1024x128xf32, #tpu.memory_space<vmem>>, vector<1024x128xf32>
    tpu.vector_store %arg7[%swap3A, %swap3A_93], %select_n3A_92 {strides = array<i32>} : memref<1024x128xf32, #tpu.memory_space<vmem>>, vector<1024x128xf32>,
    return
  }
  func.func @transform_0(%arg0: i32) -> (i32, i32) {
    %c0_i32 = arith.constant 0 : i32
    %c0_i32_0 = arith.constant 0 : i32
    return %arg0, %c0_i32 : i32, i32
  }
  func.func @transform_1(%arg0: i32) -> (i32, i32, i32) {
    %c0_i32 = arith.constant 0 : i32
    %c0_i32_0 = arith.constant 0 : i32
    %c0_i32_1 = arith.constant 0 : i32
    return %c0_i32, %arg0, %c0_i32_0 : i32, i32, i32
  }
  func.func @transform_2(%arg0: i32) -> i32 {
    %c0_i32 = arith.constant 0 : i32
    return %arg0 : i32
  }
  func.func @transform_3(%arg0: i32) -> i32 {
    %add3A = arith.constant 10 : i32
    %add3A_0 = arith.addi %arg0, %add3A : i32
    %c0_i32 = arith.constant 0 : i32
    return %add3A_0 : i32
  }
  func.func @transform_4(%arg0: i32) -> (i32, i32) {
    %c0_i32 = arith.constant 0 : i32
    %c0_i32_0 = arith.constant 0 : i32
    %c0_i32_1 = arith.constant 0 : i32
    return %c0_i32, %c0_i32_0 : i32, i32
  }
  func.func @transform_5(%arg0: i32) -> (i32, i32) {
    %c0_i32 = arith.constant 0 : i32
    %c0_i32_0 = arith.constant 0 : i32
    %c0_i32_1 = arith.constant 0 : i32
    return %c0_i32, %c0_i32_0 : i32, i32
  }
  func.func @transform_6(%arg0: i32) -> (i32, i32) {
    %c0_i32 = arith.constant 0 : i32
    %c0_i32_0 = arith.constant 0 : i32
    return %arg0, %c0_i32 : i32, i32
  }
}

</mosaic_0001>

<sc_bundles>
// kernel: kernel.6.cloned.1.call-start
scs
__scs_entry_jumppad:
0x0: {  	(pc) =	sbr.rel $0x88, $3  }
0x1: {  	(tag) =	ssettag $0x0;
	lr =	simm.s32 $0x1  }
0x2: {  	[smem:$0x3F9C] =	sst lr;
	_ =	strace $0xD0000000  }
0x3: {  	_ = 	snop  }
0x4: {  	_ = 	snop  }
0x5: {  	_ = 	snop  }
0x6: {  	_ = 	snop  }
0x7: {  	_ = 	snop  }
__scs_overlays_trampoline_lowered:
0x8: {  	[smem:$0x3FAB] =	sst s0  }
0x9: {  	[smem:$0x3FAC] =	sst s1  }
0xa: {  	[smem:$0x3FAD] =	sst s2  }
0xb: {  	[smem:$0x3FAE] =	sst s3  }
0xc: {  	[smem:$0x3FAF] =	sst s4  }
0xd: {  	[smem:$0x3FB0] =	sst s5  }
0xe: {  	[smem:$0x3FB1] =	sst s6  }
0xf: {  	[smem:$0x3FB2] =	sst s7  }
0x10: {  	[smem:$0x3FB3] =	sst s8  }
0x11: {  	[smem:$0x3FB4] =	sst s9;
	s0 =	simm.s32 @!p0 $0x0  }
0x12: {  	s1 =	sld [smem:$0x3F9A];
	s0 =	simm.s32 @p0 $0x1  }
0x13: {  	[smem:$0x3FB5] =	sst s0;
	s0 =	simm.s32 @!p1 $0x0  }
0x14: {  	s2 =	sld [smem:$0x3F99];
	s0 =	simm.s32 @p1 $0x1  }
0x15: {  	[smem:$0x3FB6] =	sst s0;
	s0 =	simm.s32 @!p2 $0x0  }
0x16: {  	s3 =	sld [smem:$0x3FDB];
	s0 =	simm.s32 @p2 $0x1  }
0x17: {  	s4 =	simm.s32 $0x1BF5;
	[smem:$0x3FB8] =	sst s0  }
0x18: {  	s0 =	sld [smem:$0x3F9B];
	_ =	swait.ge [sflag:s4], $0x0  }
0x19: {  	s7 =	sld [smem:$0x3F9C]  }
0x1a: {  	s8 =	sadd.s32 $0xFFFFE003, lr  }
0x1b: {  	s9 =	sadd.s32 $0xFFFFFEF7, lr;
	s5 =	simm.s32 $0xFFFFFFFF;
	p2 =	slt.u32 s8, $0xFFFFF086  }
0x1c: {  	p1 =	slt.u32 s9, $0xF7A;
	s5 =	simm.s32 @!p2 $0x0  }
0x1d: {  	s5 =	simm.s32 @p1 $0x1;
	p0 =	seq.s32 s7, s2  }
0x1e: {  	s7 =	smul.u32 @!p0 $0xF7A, s2;
	p2 =	seq.s32 @!p0 s5, $0x0  }
0x1f: {  	s9 =	smul.u32 $0xF7A, s1;
	s8 =	simm.s32 @!p0 $0x1BF5;
	p2 =	por !p2, p0  }
0x20: {  	[sflag:s8] =	ssyncset.s32 @!p0 $0xFFFFF086;
	s6 =	sadd.s32 @!p0 s3, s7;
	s7 =	simm.s32 @!p0 $0x108  }
0x21: {  	s3 =	sadd.s32 s3, s9;
	s6 =	sadd.s32 @!p0 $0x88, s6;
	s7 =	simm.s32 @p2 $0x1082  }
0x22: {  	[simem:s7], [sflag:s8] =	dma.local @!p0 [hbm:s6], $0xF7A  }
0x23: {  	s9 =	sor.u32 $0xD0000000, s2;
	s6 =	simm.s32 $0x108;
	_ =	swait.ge @!p0 [sflag:s8], $0x0  }
0x24: {  	s3 =	sadd.s32 $0x88, s3;
	s6 =	simm.s32 @!p1 $0x1082;
	[sflag:s4] =	ssyncset.s32 $0xFFFFF086  }
0x25: {  	[simem:s6], [sflag:s4] =	dma.local [hbm:s3], $0xF7A  }
0x26: {  	[smem:$0x3F9C] =	sst s1;
	(tag) =	ssettag s2;
	_ =	strace s9  }
0x27: {  	s1 =	sld [smem:$0x3FAC]  }
0x28: {  	s2 =	sld [smem:$0x3FAD]  }
0x29: {  	s4 =	sld [smem:$0x3FAF]  }
0x2a: {  	p0 =	seq.s32 s5, $0x0;
	s5 =	sld [smem:$0x3FB0]  }
0x2b: {  	s6 =	sld [smem:$0x3FB1]  }
0x2c: {  	s7 =	sld [smem:$0x3FB2]  }
0x2d: {  	s3 =	simm.s32 $0x108;
	s8 =	sld [smem:$0x3FB3]  }
0x2e: {  	s3 =	simm.s32 @!p0 $0x1082;
	s9 =	sld [smem:$0x3FB4]  }
0x2f: {  	lr =	sadd.s32 s0, s3;
	s0 =	sld [smem:$0x3FAB]  }
0x30: {  	s3 =	sld [smem:$0x3FAE]  }
0x31: {  	[smem:$0x3FB7] =	sst s10  }
0x32: {  	s10 =	sld [smem:$0x3FB5];
	_ =	sdelay $0x3  }
0x33: {  	p0 =	seq.s32 s10, $0x1;
	s10 =	sld [smem:$0x3FB7];
	_ =	sdelay $0x3  }
0x34: {  	[smem:$0x3FB7] =	sst s10  }
0x35: {  	s10 =	sld [smem:$0x3FB6];
	_ =	sdelay $0x3  }
0x36: {  	p1 =	seq.s32 s10, $0x1;
	s10 =	sld [smem:$0x3FB7];
	_ =	sdelay $0x3  }
0x37: {  	[smem:$0x3FB7] =	sst s10  }
0x38: {  	s10 =	sld [smem:$0x3FB8]  }
0x39: {  	_ = 	snop;
	(pc) =	sbr.ind lr, $3  }
0x3a: {  	_ = 	snop  }
0x3b: {  	_ = 	snop  }
0x3c: {  	p2 =	seq.s32 s10, $0x1;
	s10 =	sld [smem:$0x3FB7]  }
0x3d: {  	_ =	shalt  }
0x3e: {  	_ =	shalt  }
0x3f: {  	_ =	shalt  }
0x40: {  	_ =	shalt  }
0x41: {  	_ =	shalt  }
0x42: {  	_ =	shalt  }
0x43: {  	_ =	shalt  }
0x44: {  	_ =	shalt  }
0x45: {  	_ =	shalt  }
0x46: {  	_ =	shalt  }
0x47: {  	_ =	shalt  }
0x48: {  	_ =	shalt  }
0x49: {  	_ =	shalt  }
0x4a: {  	_ =	shalt  }
0x4b: {  	_ =	shalt  }
0x4c: {  	_ =	shalt  }
0x4d: {  	_ =	shalt  }
0x4e: {  	_ =	shalt  }
0x4f: {  	_ =	shalt  }
0x50: {  	_ =	shalt  }
0x51: {  	_ =	shalt  }
0x52: {  	_ =	shalt  }
0x53: {  	_ =	shalt  }
0x54: {  	_ =	shalt  }
0x55: {  	_ =	shalt  }
0x56: {  	_ =	shalt  }
0x57: {  	_ =	shalt  }
0x58: {  	_ =	shalt  }
0x59: {  	_ =	shalt  }
0x5a: {  	_ =	shalt  }
0x5b: {  	_ =	shalt  }
0x5c: {  	_ =	shalt  }
0x5d: {  	_ =	shalt  }
0x5e: {  	_ =	shalt  }
0x5f: {  	_ =	shalt  }
0x60: {  	_ =	shalt  }
0x61: {  	_ =	shalt  }
0x62: {  	_ =	shalt  }
0x63: {  	_ =	shalt  }
0x64: {  	_ =	shalt  }
0x65: {  	_ =	shalt  }
0x66: {  	_ =	shalt  }
0x67: {  	_ =	shalt  }
0x68: {  	_ =	shalt  }
0x69: {  	_ =	shalt  }
0x6a: {  	_ =	shalt  }
0x6b: {  	_ =	shalt  }
0x6c: {  	_ =	shalt  }
0x6d: {  	_ =	shalt  }
0x6e: {  	_ =	shalt  }
0x6f: {  	_ =	shalt  }
0x70: {  	_ =	shalt  }
0x71: {  	_ =	shalt  }
0x72: {  	_ =	shalt  }
0x73: {  	_ =	shalt  }
0x74: {  	_ =	shalt  }
0x75: {  	_ =	shalt  }
0x76: {  	_ =	shalt  }
0x77: {  	_ =	shalt  }
0x78: {  	_ =	shalt  }
0x79: {  	_ =	shalt  }
0x7a: {  	_ =	shalt  }
0x7b: {  	_ =	shalt  }
0x7c: {  	_ =	shalt  }
0x7d: {  	_ =	shalt  }
0x7e: {  	_ =	shalt  }
0x7f: {  	_ =	shalt  }
0x80: {  	_ =	shalt  }
0x81: {  	_ =	shalt  }
0x82: {  	_ =	shalt  }
0x83: {  	_ =	shalt  }
0x84: {  	_ =	shalt  }
0x85: {  	_ =	shalt  }
0x86: {  	_ =	shalt  }
0x87: {  	_ =	shalt  }
.Lfunc_end0:
.L_simem_size_0:
called_computation_lowered:
.L_overlay_start_0:
0x88: {  	s2 =	sld [smem:$0x3FD9]  }
0x89: {  	s3 =	sld [smem:$0x3FFE];
	_ =	sdelay $0x1  }
0x8a: {  	s1 =	srdreg.scid  }
0x8b: {  	s0 =	sand.u32 $0x1, s1  }
0x8c: {  	s17 =	sshll.u32 s0, $0xA;
	s2 =	sadd.s32 s3, s2  }
0x8d: {  	s2 =	sadd.s32 s2, s17  }
0x8e: {  	[smem:$0x3FC3] =	sst s2  }
0x8f: {  	_ = 	snop  }
0x90: {  	s2 =	sld [smem:$0x3FD0];
	(tm) =	ssettm $0x1  }
0x91: {  	s18 =	sld [smem:$0x3FFB];
	_ =	sdelay $0x3  }
0x92: {  	_ =	strace s18  }
0x93: {  	s3 =	sld [smem:$0x3FFC];
	_ =	sdelay $0x3  }
0x94: {  	_ =	strace s3  }
0x95: {  	s3 =	sld [smem:$0x3FFD];
	_ =	sdelay $0x3  }
0x96: {  	_ =	strace s3  }
0x97: {  	_ =	strace $0x8FFFFFFF  }
0x98: {  	s19 =	sld [smem:$0x3FDB];
	_ =	sdelay $0x1  }
0x99: {  	s4 =	simm.s32 $_scs_section_size  }
0x9a: {  	s5 =	simm.s32 $_size__tile_overlayer_lowered;
	s6 =	simm.s32 $_tile_overlayer_lowered  }
0x9b: {  	s22 =	simm.s32 $0x1BFF;
	s21 =	sshll.u32 s6, $0x1;
	s3 =	sadd.s32 s4, s19  }
0x9c: {  	s7 =	simm.s32 $0x0;
	s20 =	sshll.u32 s5, $0x1;
	s5 =	sadd.s32 s21, s3  }
0x9d: {  	[timem:s7], [sflag:s22] =	dma.local [hbm:s5], s20  }
0x9e: {  	_ =	swait.ge [sflag:s22], s20  }
0x9f: {  	s4 =	ssub.s32 $0x0, s20;
	[sflag:s22] =	ssyncset.done $0x0  }
0xa0: {  	[sflag:s22] =	ssyncadd.s32 s4;
	_ =	sdelay $0x1  }
0xa1: {  	s23 =	simm.s32 $0x1B8B  }
0xa2: {  	_ =	swait.ge [sflag:s23], $0x1  }
0xa3: {  	[sflag:s23] =	ssyncset.done $0x0  }
0xa4: {  	s25 =	simm.s32 $0x1B8E;
	s24 =	sld [smem:$0x3FFE];
	[sflag:s23] =	ssyncadd.s32 $0xFFFFFFFF  }
0xa5: {  	s26 =	simm.s32 $execute0_lowered;
	[smem:$0x3FD2] =	sst s25  }
0xa6: {  	s5 =	sshll.u32 s26, $0x1;
	_ =	strace $0x80000046;
	[dreg:$0x1] =	wrdreg $0xFFFFFFFF  }
0xa7: {  	s28 =	simm.s32 $_size_execute0_lowered;
	s3 =	sadd.s32 s3, s5;
	[dreg:$0x0] =	wrdreg $0x0  }
0xa8: {  	s5 =	sshll.u32 s28, $0x1;
	[dreg:$0x2] =	wrdreg s3  }
0xa9: {  	[dreg:$0x3] =	wrdreg s5  }
0xaa: {  	[dreg:$0x4] =	wrdreg $0xC0  }
0xab: {  	_ =	task [dreg:s7], $0x5FFFF  }
0xac: {  	[dreg:$0x1] =	wrdreg $0xFFFFFFFF  }
0xad: {  	[dreg:$0x0] =	wrdreg $0x60  }
0xae: {  	[dreg:$0x2] =	wrdreg s24  }
0xaf: {  	[dreg:$0x3] =	wrdreg s2  }
0xb0: {  	[dreg:$0x4] =	wrdreg $0x2A800  }
0xb1: {  	[dreg:$0x5] =	wrdreg $0x9  }
0xb2: {  	_ =	task.clear_ibuf [dreg:s7], $0x6FFFF;
	_ =	strace $0x90000046  }
0xb3: {  	s29 =	simm.s32 $0x9;
	_ =	strace $0x80000048  }
0xb4: {  	_ =	swait.ge [sflag:s29], $0x1  }
0xb5: {  	[sflag:s29] =	ssyncadd.s32 $0xFFFFFFFF  }
0xb6: {  	_ =	strace $0x90000048  }
0xb7: {  	_ =	sfence  }
0xb8: {  	s30 =	sld [smem:$0x0];
	_ =	sdelay $0x2  }
0xb9: {  	s31 =	sshll.u32 s1, $0xD;
	s1 =	sshrl.u32 s1, $0x2  }
0xba: {  	s3 =	sand.u32 $0x4000, s31;
	s1 =	sadd.s32 s1, s30  }
0xbb: {  	s0 =	sor.u32 s3, s0;
	s1 =	sshll.u32 s1, $0x11  }
0xbc: {  	s0 =	sor.u32 s1, s0  }
0xbd: {  	s0 =	sadd.s32 $0x8F2B, s0  }
0xbe: {  	[sflag:s0] =	ssyncadd.remote.s32 $0x1  }
0xbf: {  	_ =	sfence.sel $0xFFFF  }
0xc0: {  	[dreg:$0x0] =	wrdreg $0xFFFFFFFF;
	(pc) =	sbr.abs _section_cstart, $3  }
0xc1: {  	[dreg:$0x1] =	wrdreg $0xFFFFFFFF  }
0xc2: {  	_ =	task.clear_ibuf [dreg:s7], $0x2FFFF;
	_ =	strace $0x9FFFFFFF  }
0xc3: {  	(tm) =	ssettm $0x7FFFFFFF  }
tec
execute0_lowered:
.L_overlay_start_1:
0x0: {  	(tag) =	ssettag $0x1  }
0x1: {  	s5 =	rddreg [dreg:$0x0]  }
0x2: {  	s1 =	srdreg.scid;
	s6 =	rddreg [dreg:$0x1]  }
0x3: {  	s0 =	stileid.u32;
	s2 =	rddreg [dreg:$0x2]  }
0x4: {  	s3 =	simm.s32 $0x0;
	s11 =	simm.s32 $0x2780;
	s12 =	simm.s32 $0x1  }
0x5: {  	s15 =	simm.s32 $0x0;
	s4 =	sand.u32 $0x1, s1;
	s1 =	rddreg [dreg:$0x3]  }
0x6: {  	s29 =	sshll.u32 s0, $0x1;
	s8 =	smul.u32 $0x280, s0;
	[smem:$0x7FF] =	sst s3  }
0x7: {  	s13 =	sshll.u32 s0, $0x6;
	s7 =	sor.u32 s4, s29;
	s9 =	ssub.s32 $0x2, s4  }
0x8: {  	s4 =	smul.u32 $0x2800, s4;
	_ =	strace $0x80000047;
	s10 =	sshrl.u32 s9, $0x1  }
0x9: {  	s13 =	sor.u32 $0x1C02, s13;
	s7 =	smul.u32 $0x2710, s7;
	s9 =	ssub.s32 s9, s10  }
0xa: {  	s30 =	sadd.s32 s8, s4;
	s4 =	sadd.s32 s8, s2;
	s8 =	simm.s32 $0x2800  }
0xb: {  	s10 =	simm.s32 $0x80;
	s7 =	sshrl.u32 s7, $0x3;
	s31 =	sshrl.u32 s30, $0x3  }
0xc: {  	s14 =	sshrl.u32 s4, $0x3;
	s5 =	sadd.s32 s5, s7;
	s6 =	sadd.s32 s6, s31  }
0xd: {  	v0 =	vimm.f32 $1.000000000e+00;
	v1 =	vimm.f32 $0.0e+00;
	v2 =	vimm.s32 $0x2710;
	s7 =	smax.u32 s9, $0x1;
	s9 =	simm.s32 $0x2;
	s5 =	sadd.s32 $0xB240, s5  }
.LBB2_1:
0xe: {  	[tilespmem:$0x2780] =	vst v0  }
0xf: {  	[tilespmem:$0x2790] =	vst v0  }
0x10: {  	[tilespmem:$0x27A0] =	vst v0  }
0x11: {  	[tilespmem:$0x27B0] =	vst v0  }
0x12: {  	[tilespmem:$0x27C0] =	vst v0  }
0x13: {  	[tilespmem:$0x27D0] =	vst v0  }
0x14: {  	[tilespmem:$0x27E0] =	vst v0  }
0x15: {  	[tilespmem:$0x27F0] =	vst v0  }
0x16: {  	[tilespmem:$0x2800] =	vst v1  }
0x17: {  	[tilespmem:$0x2810] =	vst v1  }
0x18: {  	[tilespmem:$0x2820] =	vst v1  }
0x19: {  	[tilespmem:$0x2830] =	vst v1  }
0x1a: {  	[tilespmem:$0x2840] =	vst v1  }
0x1b: {  	[tilespmem:$0x2850] =	vst v1  }
0x1c: {  	[tilespmem:$0x2860] =	vst v1  }
0x1d: {  	[tilespmem:$0x2870] =	vst v1  }
0x1e: {  	[tilespmem:$0x2880] =	vst v1  }
0x1f: {  	[tilespmem:$0x2890] =	vst v1  }
0x20: {  	[tilespmem:$0x28A0] =	vst v1  }
0x21: {  	[tilespmem:$0x28B0] =	vst v1  }
0x22: {  	[tilespmem:$0x28C0] =	vst v1  }
0x23: {  	[tilespmem:$0x28D0] =	vst v1  }
0x24: {  	[tilespmem:$0x28E0] =	vst v1  }
0x25: {  	[tilespmem:$0x28F0] =	vst v1  }
0x26: {  	[tilespmem:$0x2900] =	vst v1  }
0x27: {  	[tilespmem:$0x2910] =	vst v1  }
0x28: {  	[tilespmem:$0x2920] =	vst v1  }
0x29: {  	[tilespmem:$0x2930] =	vst v1  }
0x2a: {  	[tilespmem:$0x2940] =	vst v1  }
0x2b: {  	[tilespmem:$0x2950] =	vst v1  }
0x2c: {  	[tilespmem:$0x2960] =	vst v1  }
0x2d: {  	[tilespmem:$0x2970] =	vst v1  }
0x2e: {  	[tilespmem:$0x2980] =	vst v1  }
0x2f: {  	[tilespmem:$0x2990] =	vst v1  }
0x30: {  	[tilespmem:$0x29A0] =	vst v1  }
0x31: {  	[tilespmem:$0x29B0] =	vst v1  }
0x32: {  	[tilespmem:$0x29C0] =	vst v1  }
0x33: {  	[tilespmem:$0x29D0] =	vst v1  }
0x34: {  	[tilespmem:$0x29E0] =	vst v1  }
0x35: {  	[tilespmem:$0x29F0] =	vst v1  }
0x36: {  	[tilespmem:$0x2A00] =	vst v1  }
0x37: {  	[tilespmem:$0x2A10] =	vst v1  }
0x38: {  	[tilespmem:$0x2A20] =	vst v1  }
0x39: {  	[tilespmem:$0x2A30] =	vst v1  }
0x3a: {  	[tilespmem:$0x2A40] =	vst v1  }
0x3b: {  	[tilespmem:$0x2A50] =	vst v1  }
0x3c: {  	[tilespmem:$0x2A60] =	vst v1  }
0x3d: {  	[tilespmem:$0x2A70] =	vst v1  }
0x3e: {  	[spmem:s4] =	stream.linear.scatter [tilespmem:s8], [sflag:$0x2], $0x280, $0x38;
	[tilespmem:$0x2D00] =	vst v63  }
0x3f: {  	_ =	swait.ge [sflag:s9], $0x280  }
0x40: {  	[sflag:s9] =	ssyncset.done $0x0  }
0x41: {  	[sflag:s9] =	ssyncadd.s32 $0xFFFFFD80  }
0x42: {  	[tilespmem:s3], [sflag:$0x2] =	stream.linear.gather [hbm4b:s5+s3], $0x2710, $0x38;
	[tilespmem:$0x2D00] =	vst v63  }
0x43: {  	_ =	swait.ge [sflag:s9], $0x2710  }
0x44: {  	[sflag:s9] =	ssyncset.done $0x0  }
0x45: {  	[sflag:s9] =	ssyncadd.s32 $0xFFFFD8F0  }
0x46: {  	[tilespmem:$0x2710] =	vst v2  }
0x47: {  	[tilespmem:$0x2720] =	vst v2  }
0x48: {  	[tilespmem:$0x2730] =	vst v2  }
0x49: {  	[tilespmem:$0x2740] =	vst v2  }
0x4a: {  	[tilespmem:$0x2750] =	vst v2  }
0x4b: {  	[tilespmem:$0x2760] =	vst v2  }
0x4c: {  	[tilespmem:$0x2770] =	vst v2  }
0x4d: {  	s16 =	simm.s32 $0x200;
	s17 =	simm.s32 $0x0;
	[bflag:$0x0] =	sbarrier.arrive $0xFFFF  }
.LBB2_2:
0x4e: {  	[spmem:s2] =	stream.indirect.scatter.add.f32 [tilespmem:s11], [sflag:$0x1], $0x1, s17, s10, $0xb8;
	[tilespmem:$0x2D00] =	vst v63  }
0x4f: {  	s17 =	smov.u32 s16;
	p0 =	sne.s32 s16, $0x9C00  }
.Ltmp0:
0x50: {  	s16 =	sadd.s32 $0x200, s16;
	(pc) =	sbr.rel @p0 .LBB2_2-.Ltmp0, $2  }
0x51: {  	_ =	sdelay $0x2  }
0x52: {  	s17 =	sshra.s32 s17, $0x2  }
0x53: {  	[spmem:s2] =	stream.indirect.scatter.add.f32 [tilespmem:s11], [sflag:$0x1], $0x1, s17, s10, $0xb8;
	[tilespmem:$0x2D00] =	vst v63  }
0x54: {  	_ =	swait.ge [sflag:s12], $0x2780  }
0x55: {  	s15 =	sadd.s32 $0x1, s15;
	[sflag:s12] =	ssyncset.done $0x0  }
0x56: {  	p0 =	sne.s32 s15, s7;
	[sflag:s12] =	ssyncadd.s32 $0xFFFFD880  }
.Ltmp1:
0x57: {  	[bflag:$0x0] =	sbarrier.arrive $0xFFFF;
	(pc) =	sbr.rel @p0 .LBB2_1-.Ltmp1, $4  }
0x58: {  	[hbm:s6], [sflag:s13] =	dma.local [spmem:s14], $0x50  }
0x59: {  	_ =	swait.ge [sflag:s9], $0x50  }
0x5a: {  	[sflag:s9] =	ssyncset.done $0x0  }
0x5b: {  	[sflag:s9] =	ssyncadd.s32 $0xFFFFFFB0  }
0x5c: {  	_ =	sfence.sel $0x180000  }
0x5d: {  	[bflag:$0x0] =	sbarrier.arrive $0xFFFF  }
0x5e: {  	p0 =	sne.s32 s0, $0x0;
	_ =	strace $0x90000047  }
0x5f: {  	s0 =	sadd.s32 @!p0 $0x100000, s1;
	[bflag:$0x2] =	sbarrier.arrive $0xFFFF  }
0x60: {  	[sflag:s0] =	ssyncadd.tile.s32 @!p0 $0x1;
	_ =	shalt  }
.Lfunc_end2:
_tile_overlayer_lowered:
.L_overlay_start_2:
0x61: {  	(tag) =	ssettag $0x2  }
0x62: {  	s0 =	rddreg [dreg:$0x0];
	s2 =	stileid.u32  }
0x63: {  	s1 =	rddreg [dreg:$0x1];
	p0 =	sne.s32 s2, $0x0  }
0x64: {  	s3 =	rddreg [dreg:$0x2];
	[bflag:$0x3] =	sbarrier.arrive $0xFFFF;
	s2 =	simm.s32 @!p0 $0x1C02  }
0x65: {  	[timem:s3], [sflag:s2] =	dma.local @!p0 [hbm:s0], s1  }
0x66: {  	s0 =	simm.s32 @!p0 $0x2  }
0x67: {  	_ =	swait.ge @!p0 [sflag:s0], s1  }
0x68: {  	s1 =	ssub.s32 @!p0 $0x0, s1;
	[sflag:s0] =	ssyncset.done @!p0 $0x0  }
0x69: {  	[sflag:s0] =	ssyncadd.s32 @!p0 s1  }
0x6a: {  	[bflag:$0x3] =	sbarrier.arrive $0xFFFF  }
0x6b: {  	_ =	shalt  }

// kernel: kernel.9.cloned.1.call-start
scs
__scs_entry_jumppad:
0x0: {  	(pc) =	sbr.rel $0x88, $3  }
0x1: {  	(tag) =	ssettag $0x0;
	lr =	simm.s32 $0x1  }
0x2: {  	[smem:$0x3F9C] =	sst lr;
	_ =	strace $0xD0000000  }
0x3: {  	_ = 	snop  }
0x4: {  	_ = 	snop  }
0x5: {  	_ = 	snop  }
0x6: {  	_ = 	snop  }
0x7: {  	_ = 	snop  }
__scs_overlays_trampoline_lowered:
0x8: {  	[smem:$0x3FAB] =	sst s0  }
0x9: {  	[smem:$0x3FAC] =	sst s1  }
0xa: {  	[smem:$0x3FAD] =	sst s2  }
0xb: {  	[smem:$0x3FAE] =	sst s3  }
0xc: {  	[smem:$0x3FAF] =	sst s4  }
0xd: {  	[smem:$0x3FB0] =	sst s5  }
0xe: {  	[smem:$0x3FB1] =	sst s6  }
0xf: {  	[smem:$0x3FB2] =	sst s7  }
0x10: {  	[smem:$0x3FB3] =	sst s8  }
0x11: {  	[smem:$0x3FB4] =	sst s9;
	s0 =	simm.s32 @!p0 $0x0  }
0x12: {  	s1 =	sld [smem:$0x3F9A];
	s0 =	simm.s32 @p0 $0x1  }
0x13: {  	[smem:$0x3FB5] =	sst s0;
	s0 =	simm.s32 @!p1 $0x0  }
0x14: {  	s2 =	sld [smem:$0x3F99];
	s0 =	simm.s32 @p1 $0x1  }
0x15: {  	[smem:$0x3FB6] =	sst s0;
	s0 =	simm.s32 @!p2 $0x0  }
0x16: {  	s3 =	sld [smem:$0x3FDB];
	s0 =	simm.s32 @p2 $0x1  }
0x17: {  	s4 =	simm.s32 $0x1BF5;
	[smem:$0x3FB8] =	sst s0  }
0x18: {  	s0 =	sld [smem:$0x3F9B];
	_ =	swait.ge [sflag:s4], $0x0  }
0x19: {  	s7 =	sld [smem:$0x3F9C]  }
0x1a: {  	s8 =	sadd.s32 $0xFFFFE003, lr  }
0x1b: {  	s9 =	sadd.s32 $0xFFFFFEF7, lr;
	s5 =	simm.s32 $0xFFFFFFFF;
	p2 =	slt.u32 s8, $0xFFFFF086  }
0x1c: {  	p1 =	slt.u32 s9, $0xF7A;
	s5 =	simm.s32 @!p2 $0x0  }
0x1d: {  	s5 =	simm.s32 @p1 $0x1;
	p0 =	seq.s32 s7, s2  }
0x1e: {  	s7 =	smul.u32 @!p0 $0xF7A, s2;
	p2 =	seq.s32 @!p0 s5, $0x0  }
0x1f: {  	s9 =	smul.u32 $0xF7A, s1;
	s8 =	simm.s32 @!p0 $0x1BF5;
	p2 =	por !p2, p0  }
0x20: {  	[sflag:s8] =	ssyncset.s32 @!p0 $0xFFFFF086;
	s6 =	sadd.s32 @!p0 s3, s7;
	s7 =	simm.s32 @!p0 $0x108  }
0x21: {  	s3 =	sadd.s32 s3, s9;
	s6 =	sadd.s32 @!p0 $0x88, s6;
	s7 =	simm.s32 @p2 $0x1082  }
0x22: {  	[simem:s7], [sflag:s8] =	dma.local @!p0 [hbm:s6], $0xF7A  }
0x23: {  	s9 =	sor.u32 $0xD0000000, s2;
	s6 =	simm.s32 $0x108;
	_ =	swait.ge @!p0 [sflag:s8], $0x0  }
0x24: {  	s3 =	sadd.s32 $0x88, s3;
	s6 =	simm.s32 @!p1 $0x1082;
	[sflag:s4] =	ssyncset.s32 $0xFFFFF086  }
0x25: {  	[simem:s6], [sflag:s4] =	dma.local [hbm:s3], $0xF7A  }
0x26: {  	[smem:$0x3F9C] =	sst s1;
	(tag) =	ssettag s2;
	_ =	strace s9  }
0x27: {  	s1 =	sld [smem:$0x3FAC]  }
0x28: {  	s2 =	sld [smem:$0x3FAD]  }
0x29: {  	s4 =	sld [smem:$0x3FAF]  }
0x2a: {  	p0 =	seq.s32 s5, $0x0;
	s5 =	sld [smem:$0x3FB0]  }
0x2b: {  	s6 =	sld [smem:$0x3FB1]  }
0x2c: {  	s7 =	sld [smem:$0x3FB2]  }
0x2d: {  	s3 =	simm.s32 $0x108;
	s8 =	sld [smem:$0x3FB3]  }
0x2e: {  	s3 =	simm.s32 @!p0 $0x1082;
	s9 =	sld [smem:$0x3FB4]  }
0x2f: {  	lr =	sadd.s32 s0, s3;
	s0 =	sld [smem:$0x3FAB]  }
0x30: {  	s3 =	sld [smem:$0x3FAE]  }
0x31: {  	[smem:$0x3FB7] =	sst s10  }
0x32: {  	s10 =	sld [smem:$0x3FB5];
	_ =	sdelay $0x3  }
0x33: {  	p0 =	seq.s32 s10, $0x1;
	s10 =	sld [smem:$0x3FB7];
	_ =	sdelay $0x3  }
0x34: {  	[smem:$0x3FB7] =	sst s10  }
0x35: {  	s10 =	sld [smem:$0x3FB6];
	_ =	sdelay $0x3  }
0x36: {  	p1 =	seq.s32 s10, $0x1;
	s10 =	sld [smem:$0x3FB7];
	_ =	sdelay $0x3  }
0x37: {  	[smem:$0x3FB7] =	sst s10  }
0x38: {  	s10 =	sld [smem:$0x3FB8]  }
0x39: {  	_ = 	snop;
	(pc) =	sbr.ind lr, $3  }
0x3a: {  	_ = 	snop  }
0x3b: {  	_ = 	snop  }
0x3c: {  	p2 =	seq.s32 s10, $0x1;
	s10 =	sld [smem:$0x3FB7]  }
0x3d: {  	_ =	shalt  }
0x3e: {  	_ =	shalt  }
0x3f: {  	_ =	shalt  }
0x40: {  	_ =	shalt  }
0x41: {  	_ =	shalt  }
0x42: {  	_ =	shalt  }
0x43: {  	_ =	shalt  }
0x44: {  	_ =	shalt  }
0x45: {  	_ =	shalt  }
0x46: {  	_ =	shalt  }
0x47: {  	_ =	shalt  }
0x48: {  	_ =	shalt  }
0x49: {  	_ =	shalt  }
0x4a: {  	_ =	shalt  }
0x4b: {  	_ =	shalt  }
0x4c: {  	_ =	shalt  }
0x4d: {  	_ =	shalt  }
0x4e: {  	_ =	shalt  }
0x4f: {  	_ =	shalt  }
0x50: {  	_ =	shalt  }
0x51: {  	_ =	shalt  }
0x52: {  	_ =	shalt  }
0x53: {  	_ =	shalt  }
0x54: {  	_ =	shalt  }
0x55: {  	_ =	shalt  }
0x56: {  	_ =	shalt  }
0x57: {  	_ =	shalt  }
0x58: {  	_ =	shalt  }
0x59: {  	_ =	shalt  }
0x5a: {  	_ =	shalt  }
0x5b: {  	_ =	shalt  }
0x5c: {  	_ =	shalt  }
0x5d: {  	_ =	shalt  }
0x5e: {  	_ =	shalt  }
0x5f: {  	_ =	shalt  }
0x60: {  	_ =	shalt  }
0x61: {  	_ =	shalt  }
0x62: {  	_ =	shalt  }
0x63: {  	_ =	shalt  }
0x64: {  	_ =	shalt  }
0x65: {  	_ =	shalt  }
0x66: {  	_ =	shalt  }
0x67: {  	_ =	shalt  }
0x68: {  	_ =	shalt  }
0x69: {  	_ =	shalt  }
0x6a: {  	_ =	shalt  }
0x6b: {  	_ =	shalt  }
0x6c: {  	_ =	shalt  }
0x6d: {  	_ =	shalt  }
0x6e: {  	_ =	shalt  }
0x6f: {  	_ =	shalt  }
0x70: {  	_ =	shalt  }
0x71: {  	_ =	shalt  }
0x72: {  	_ =	shalt  }
0x73: {  	_ =	shalt  }
0x74: {  	_ =	shalt  }
0x75: {  	_ =	shalt  }
0x76: {  	_ =	shalt  }
0x77: {  	_ =	shalt  }
0x78: {  	_ =	shalt  }
0x79: {  	_ =	shalt  }
0x7a: {  	_ =	shalt  }
0x7b: {  	_ =	shalt  }
0x7c: {  	_ =	shalt  }
0x7d: {  	_ =	shalt  }
0x7e: {  	_ =	shalt  }
0x7f: {  	_ =	shalt  }
0x80: {  	_ =	shalt  }
0x81: {  	_ =	shalt  }
0x82: {  	_ =	shalt  }
0x83: {  	_ =	shalt  }
0x84: {  	_ =	shalt  }
0x85: {  	_ =	shalt  }
0x86: {  	_ =	shalt  }
0x87: {  	_ =	shalt  }
.Lfunc_end0:
.L_simem_size_0:
called_computation.1_lowered:
.L_overlay_start_0:
0x88: {  	s2 =	sld [smem:$0x3FD9]  }
0x89: {  	s3 =	sld [smem:$0x3FFE];
	_ =	sdelay $0x1  }
0x8a: {  	s1 =	srdreg.scid  }
0x8b: {  	s0 =	sand.u32 $0x1, s1  }
0x8c: {  	s17 =	sshll.u32 s0, $0xA;
	s2 =	sadd.s32 s3, s2  }
0x8d: {  	s2 =	sadd.s32 s2, s17  }
0x8e: {  	[smem:$0x3FC3] =	sst s2  }
0x8f: {  	_ = 	snop  }
0x90: {  	s2 =	sld [smem:$0x3FD0];
	(tm) =	ssettm $0x1  }
0x91: {  	s18 =	sld [smem:$0x3FFB];
	_ =	sdelay $0x3  }
0x92: {  	_ =	strace s18  }
0x93: {  	s3 =	sld [smem:$0x3FFC];
	_ =	sdelay $0x3  }
0x94: {  	_ =	strace s3  }
0x95: {  	s3 =	sld [smem:$0x3FFD];
	_ =	sdelay $0x3  }
0x96: {  	_ =	strace s3  }
0x97: {  	_ =	strace $0x8FFFFFFF  }
0x98: {  	s19 =	sld [smem:$0x3FDB];
	_ =	sdelay $0x1  }
0x99: {  	s4 =	simm.s32 $_scs_section_size  }
0x9a: {  	s5 =	simm.s32 $_size__tile_overlayer_lowered;
	s6 =	simm.s32 $_tile_overlayer_lowered  }
0x9b: {  	s22 =	simm.s32 $0x1BFF;
	s21 =	sshll.u32 s6, $0x1;
	s3 =	sadd.s32 s4, s19  }
0x9c: {  	s7 =	simm.s32 $0x0;
	s20 =	sshll.u32 s5, $0x1;
	s5 =	sadd.s32 s21, s3  }
0x9d: {  	[timem:s7], [sflag:s22] =	dma.local [hbm:s5], s20  }
0x9e: {  	_ =	swait.ge [sflag:s22], s20  }
0x9f: {  	s4 =	ssub.s32 $0x0, s20;
	[sflag:s22] =	ssyncset.done $0x0  }
0xa0: {  	[sflag:s22] =	ssyncadd.s32 s4;
	_ =	sdelay $0x1  }
0xa1: {  	s23 =	simm.s32 $0x1B8B  }
0xa2: {  	_ =	swait.ge [sflag:s23], $0x1  }
0xa3: {  	[sflag:s23] =	ssyncset.done $0x0  }
0xa4: {  	s25 =	simm.s32 $0x1B8E;
	s24 =	sld [smem:$0x3FFE];
	[sflag:s23] =	ssyncadd.s32 $0xFFFFFFFF  }
0xa5: {  	s26 =	simm.s32 $execute0_lowered;
	[smem:$0x3FD2] =	sst s25  }
0xa6: {  	s5 =	sshll.u32 s26, $0x1;
	_ =	strace $0x80000049;
	[dreg:$0x1] =	wrdreg $0xFFFFFFFF  }
0xa7: {  	s28 =	simm.s32 $_size_execute0_lowered;
	s3 =	sadd.s32 s3, s5;
	[dreg:$0x0] =	wrdreg $0x0  }
0xa8: {  	s5 =	sshll.u32 s28, $0x1;
	[dreg:$0x2] =	wrdreg s3  }
0xa9: {  	[dreg:$0x3] =	wrdreg s5  }
0xaa: {  	[dreg:$0x4] =	wrdreg $0xC0  }
0xab: {  	_ =	task [dreg:s7], $0x5FFFF  }
0xac: {  	[dreg:$0x1] =	wrdreg $0xFFFFFFFF  }
0xad: {  	[dreg:$0x0] =	wrdreg $0x60  }
0xae: {  	[dreg:$0x2] =	wrdreg s2  }
0xaf: {  	[dreg:$0x3] =	wrdreg s24  }
0xb0: {  	[dreg:$0x4] =	wrdreg $0x15D000  }
0xb1: {  	[dreg:$0x5] =	wrdreg $0x9  }
0xb2: {  	_ =	task.clear_ibuf [dreg:s7], $0x6FFFF;
	_ =	strace $0x90000049  }
0xb3: {  	s29 =	simm.s32 $0x9;
	_ =	strace $0x8000004B  }
0xb4: {  	_ =	swait.ge [sflag:s29], $0x1  }
0xb5: {  	[sflag:s29] =	ssyncadd.s32 $0xFFFFFFFF  }
0xb6: {  	_ =	strace $0x9000004B  }
0xb7: {  	_ =	sfence  }
0xb8: {  	s30 =	sld [smem:$0x0];
	_ =	sdelay $0x2  }
0xb9: {  	s31 =	sshll.u32 s1, $0xD;
	s1 =	sshrl.u32 s1, $0x2  }
0xba: {  	s3 =	sand.u32 $0x4000, s31;
	s1 =	sadd.s32 s1, s30  }
0xbb: {  	s0 =	sor.u32 s3, s0;
	s1 =	sshll.u32 s1, $0x11  }
0xbc: {  	s0 =	sor.u32 s1, s0  }
0xbd: {  	s0 =	sadd.s32 $0x8F2B, s0  }
0xbe: {  	[sflag:s0] =	ssyncadd.remote.s32 $0x1  }
0xbf: {  	_ =	sfence.sel $0xFFFF  }
0xc0: {  	[dreg:$0x0] =	wrdreg $0xFFFFFFFF;
	(pc) =	sbr.abs _section_cstart, $3  }
0xc1: {  	[dreg:$0x1] =	wrdreg $0xFFFFFFFF  }
0xc2: {  	_ =	task.clear_ibuf [dreg:s7], $0x2FFFF;
	_ =	strace $0x9FFFFFFF  }
0xc3: {  	(tm) =	ssettm $0x7FFFFFFF  }
tec
execute0_lowered:
.L_overlay_start_1:
0x0: {  	(tag) =	ssettag $0x1  }
0x1: {  	s0 =	rddreg [dreg:$0x0]  }
0x2: {  	s1 =	rddreg [dreg:$0x1]  }
0x3: {  	s2 =	rddreg [dreg:$0x2]  }
0x4: {  	s6 =	stileid.u32;
	s3 =	simm.s32 $0x0;
	s5 =	srdreg.scid  }
0x5: {  	s28 =	simm.s32 $0x15;
	s29 =	simm.s32 $0x16;
	s30 =	simm.s32 $0x17  }
0x6: {  	s31 =	simm.s32 $0x18;
	s4 =	smul.u32 $0x4E20, s6;
	[smem:$0x7FF] =	sst s3  }
0x7: {  	s9 =	smul.u32 $0x14000, s6;
	s11 =	sand.u32 $0x1, s5;
	_ =	strace $0x8000004A  }
0x8: {  	s21 =	ssub.s32 $0x2, s11;
	s25 =	smul.u32 $0xA000, s11;
	s18 =	sshll.u32 s11, $0x6  }
0x9: {  	s4 =	sshrl.u32 s4, $0x3;
	s12 =	sadd.s32 $0x4000, s9;
	s22 =	sshrl.u32 s21, $0x1  }
0xa: {  	s6 =	sshrl.u32 s9, $0x2;
	s14 =	sadd.s32 $0x8000, s9;
	s15 =	sadd.s32 $0xC000, s9  }
0xb: {  	s16 =	sadd.s32 $0x10000, s9;
	s9 =	sor.u32 s18, s9;
	s10 =	sadd.s32 s4, s1  }
0xc: {  	s1 =	sadd.s32 $0x15000, s1;
	s7 =	sshrl.u32 s12, $0x2;
	s13 =	ssub.s32 s21, s22  }
0xd: {  	s4 =	sadd.s32 s6, s2;
	s23 =	sshrl.u32 s14, $0x2;
	s24 =	sshrl.u32 s15, $0x2  }
0xe: {  	s8 =	sshrl.u32 s16, $0x2;
	s26 =	sor.u32 s18, s12;
	s11 =	sadd.s32 s0, s25  }
0xf: {  	s12 =	sshrl.u32 s9, $0x4;
	s20 =	sor.u32 s18, s14;
	s21 =	sor.u32 s18, s15  }
0x10: {  	s22 =	sor.u32 s18, s16;
	s18 =	simm.s32 $0x9D00;
	s9 =	simm.s32 $0x1  }
0x11: {  	s5 =	sadd.s32 s7, s2;
	s6 =	sadd.s32 s23, s2;
	s7 =	sadd.s32 s24, s2  }
0x12: {  	s8 =	sadd.s32 s8, s2;
	s17 =	sadd.s32 $0x1600, s10;
	s10 =	sadd.s32 $0xB240, s10  }
0x13: {  	s0 =	sadd.s32 s1, s12;
	s23 =	sshrl.u32 s21, $0x4;
	[dreg:$0x4] =	wrdreg s17  }
0x14: {  	s24 =	sshrl.u32 s22, $0x4;
	s21 =	simm.s32 $0x80;
	[dreg:$0x5] =	wrdreg s10  }
0x15: {  	s12 =	simm.s32 $0x4;
	[dreg:$0x6] =	wrdreg s0;
	s25 =	sadd.s32 s1, s24  }
0x16: {  	s17 =	sshrl.u32 s26, $0x4;
	s26 =	smax.u32 s13, $0x1;
	[dreg:$0xa] =	wrdreg s25  }
0x17: {  	s0 =	sshrl.u32 s20, $0x4;
	s19 =	sadd.s32 s1, s17;
	[dreg:$0xb] =	wrdreg s26  }
0x18: {  	s20 =	simm.s32 $0xD;
	s0 =	sadd.s32 s1, s0;
	[dreg:$0x7] =	wrdreg s19  }
0x19: {  	s10 =	simm.s32 $0x8;
	[dreg:$0x8] =	wrdreg s0;
	s0 =	sadd.s32 s1, s23  }
0x1a: {  	v0 =	vimm.bf16 $0.0e+00;
	v1 =	vimm.s32 $0x0;
	v2 =	vimm.s32 $0x2710;
	s26 =	simm.s32 $0x14;
	s19 =	simm.s32 $0x19;
	[dreg:$0x9] =	wrdreg s0  }
.LBB2_1:
0x1b: {  	s0 =	simm.s32 $0x80;
	s1 =	simm.s32 $0x0  }
.LBB2_2:
0x1c: {  	p0 =	sne.s32 s0, $0x3F80;
	[tilespmem:s1+$0x9D00] =	vst v0;
	s13 =	smov.u32 s0;
	s0 =	sadd.s32 $0x80, s0  }
.Ltmp0:
0x1d: {  	[tilespmem:s1+$0x9D10] =	vst v0;
	(pc) =	sbr.rel @p0 .LBB2_2-.Ltmp0, $2  }
0x1e: {  	_ =	sdelay $0x2  }
0x1f: {  	s1 =	sshra.s32 s13, $0x2  }
0x20: {  	[tilespmem:s1+$0x9D00] =	vst v0  }
0x21: {  	[tilespmem:s1+$0x9D10] =	vst v0  }
0x22: {  	[spmem:s4] =	stream.linear.scatter [tilespmem:s18], [sflag:$0xD], $0x1000, $0x38;
	[tilespmem:$0x1AD00] =	vst v63  }
0x23: {  	_ = 	snop  }
0x24: {  	[spmem:s5] =	stream.linear.scatter [tilespmem:s18], [sflag:$0xD], $0x1000, $0x38;
	[tilespmem:$0x1AD00] =	vst v63  }
0x25: {  	_ = 	snop  }
0x26: {  	[spmem:s6] =	stream.linear.scatter [tilespmem:s18], [sflag:$0xD], $0x1000, $0x38;
	[tilespmem:$0x1AD00] =	vst v63  }
0x27: {  	_ = 	snop  }
0x28: {  	[spmem:s7] =	stream.linear.scatter [tilespmem:s18], [sflag:$0xD], $0x1000, $0x38;
	[tilespmem:$0x1AD00] =	vst v63  }
0x29: {  	_ = 	snop  }
0x2a: {  	[spmem:s8] =	stream.linear.scatter [tilespmem:s18], [sflag:$0xD], $0x1000, $0x38;
	[tilespmem:$0x1AD00] =	vst v63  }
0x2b: {  	s0 =	simm.s32 $0x0;
	s22 =	rddreg [dreg:$0x4]  }
0x2c: {  	[tilespmem:s0], [sflag:$0x19] =	stream.linear.gather [hbm4b:s22+s0], $0x4E20, $0x38;
	[tilespmem:$0x1AD00] =	vst v63  }
0x2d: {  	_ =	swait.ge [sflag:s19], $0x4E20  }
0x2e: {  	[sflag:s19] =	ssyncset.done $0x0  }
0x2f: {  	s13 =	simm.s32 $0x4E80;
	s23 =	rddreg [dreg:$0x5];
	[sflag:s19] =	ssyncadd.s32 $0xFFFFB1E0  }
0x30: {  	[tilespmem:s13], [sflag:$0x19] =	stream.linear.gather [hbm4b:s23+s0], $0x4E20, $0x38;
	[tilespmem:$0x1AD00] =	vst v63  }
0x31: {  	_ =	swait.ge [sflag:s19], $0x4E20  }
0x32: {  	[sflag:s19] =	ssyncset.done $0x0  }
0x33: {  	[sflag:s19] =	ssyncadd.s32 $0xFFFFB1E0  }
0x34: {  	[tilespmem:$0x4E20] =	vst v1  }
0x35: {  	[tilespmem:$0x9CA0] =	vst v2  }
0x36: {  	[tilespmem:$0x4E30] =	vst v1  }
0x37: {  	[tilespmem:$0x9CB0] =	vst v2  }
0x38: {  	[tilespmem:$0x4E40] =	vst v1  }
0x39: {  	[tilespmem:$0x9CC0] =	vst v2  }
0x3a: {  	[tilespmem:$0x4E50] =	vst v1  }
0x3b: {  	[tilespmem:$0x9CD0] =	vst v2  }
0x3c: {  	[tilespmem:$0x4E60] =	vst v1  }
0x3d: {  	[tilespmem:$0x9CE0] =	vst v2  }
0x3e: {  	[tilespmem:$0x4E70] =	vst v1  }
0x3f: {  	[tilespmem:$0x9CF0] =	vst v2  }
0x40: {  	_ =	swait.ge [sflag:s20], $0x1000  }
0x41: {  	[sflag:s20] =	ssyncset.done $0x0  }
0x42: {  	[sflag:s20] =	ssyncadd.s32 $0xFFFFF000  }
0x43: {  	_ =	swait.ge [sflag:s20], $0x1000  }
0x44: {  	[sflag:s20] =	ssyncset.done $0x0  }
0x45: {  	[sflag:s20] =	ssyncadd.s32 $0xFFFFF000  }
0x46: {  	_ =	swait.ge [sflag:s20], $0x1000  }
0x47: {  	[sflag:s20] =	ssyncset.done $0x0  }
0x48: {  	[sflag:s20] =	ssyncadd.s32 $0xFFFFF000  }
0x49: {  	_ =	swait.ge [sflag:s20], $0x1000  }
0x4a: {  	s23 =	simm.s32 $0x6;
	[sflag:s20] =	ssyncset.done $0x0  }
0x4b: {  	s24 =	simm.s32 $0xAD00;
	s1 =	sand.u32 $0xFF, s23;
	[sflag:s20] =	ssyncadd.s32 $0xFFFFF000  }
0x4c: {  	s25 =	simm.s32 $0x100;
	s1 =	smul.u32 $0xAB, s1;
	_ =	swait.ge [sflag:s20], $0x1000  }
0x4d: {  	s14 =	simm.s32 $0xBD00;
	s15 =	simm.s32 $0x180;
	[sflag:s20] =	ssyncset.done $0x0  }
0x4e: {  	s16 =	simm.s32 $0xCD00;
	s1 =	sshrl.u32 s1, $0xB;
	[sflag:s20] =	ssyncadd.s32 $0xFFFFF000  }
0x4f: {  	p0 =	por $0x0, $0x0;
	s1 =	smul.u32 $0xC, s1;
	[bflag:$0x0] =	sbarrier.arrive $0xFFFF  }
0x50: {  	[tilespmem:s18], [sflag:$0x1] =	stream.indirect.gather [hbm4b:s11+s21], $0x20, s0, s21, $0xb8;
	[tilespmem:$0x1AD00] =	vst v63  }
0x51: {  	s17 =	simm.s32 $0x200;
	p1 =	por @!p0 $0x1, $0x1;
	s0 =	smul.u32 $0xAB, s0  }
0x52: {  	[tilespmem:s24], [sflag:$0x2] =	stream.indirect.gather [hbm4b:s11+s21], $0x20, s21, s21, $0xb8;
	[tilespmem:$0x1AD00] =	vst v63  }
0x53: {  	p1 =	por p1, p0;
	s1 =	ssub.s32 $0x6, s1;
	s0 =	sshrl.u32 s0, $0xB  }
0x54: {  	s22 =	simm.s32 $0xDD00;
	s1 =	sand.u32 $0xFF, s1;
	s0 =	sand.u32 $0x1F, s0  }
0x55: {  	[tilespmem:s14], [sflag:$0x3] =	stream.indirect.gather [hbm4b:s11+s21], $0x20, s25, s21, $0xb8;
	[tilespmem:$0x1AD00] =	vst v63  }
0x56: {  	s24 =	simm.s32 $0x280;
	s0 =	smul.u32 $0xC, s0;
	s14 =	simm.s32 $0x1  }
0x57: {  	[tilespmem:s16], [sflag:$0x4] =	stream.indirect.gather [hbm4b:s11+s21], $0x20, s15, s21, $0xb8;
	[tilespmem:$0x1AD00] =	vst v63  }
0x58: {  	s15 =	simm.s32 $0xED00;
	s16 =	sadd.s32 @!p1 $0xD, s1;
	s0 =	ssub.s32 $0x0, s0  }
0x59: {  	[tilespmem:s22], [sflag:$0x5] =	stream.indirect.gather [hbm4b:s11+s21], $0x20, s17, s21, $0xb8;
	[tilespmem:$0x1AD00] =	vst v63  }
0x5a: {  	s17 =	sshll.u32 @!p0 s1, $0xC;
	s1 =	sadd.s32 @!p0 $0x1, s1;
	s22 =	sand.u32 $0xFF, s0  }
0x5b: {  	[tilespmem:s15], [sflag:$0x6] =	stream.indirect.gather [hbm4b:s11+s21], $0x20, s24, s21, $0xb8;
	[tilespmem:$0x1AD00] =	vst v63  }
0x5c: {  	s0 =	simm.s32 @!p0 $0x80;
	s25 =	sadd.s32 $0x1, s22;
	_ =	swait.ge @!p1 [sflag:s16], $0x1000  }
0x5d: {  	s15 =	simm.s32 $0x300;
	s24 =	sshll.u32 s22, $0xC;
	[sflag:s16] =	ssyncset.done @!p1 $0x0  }
0x5e: {  	[sflag:s16] =	ssyncadd.s32 @!p1 $0xFFFFF000;
	s16 =	sadd.s32 @!p0 $0x9D00, s17;
	s17 =	simm.s32 $0x4E80  }
0x5f: {  	[tilespmem:s16], [sflag:s1] =	stream.indirect.gather @!p0 [hbm4b:s11+s0], $0x20, s15, s0, $0xb8;
	[tilespmem:$0x1AD00] =	vst v63  }
0x60: {  	s16 =	simm.s32 $0x2;
	s15 =	simm.s32 $0x380;
	_ =	swait.ge [sflag:s25], $0x1000  }
0x61: {  	s0 =	simm.s32 $0x7;
	s1 =	sadd.s32 $0xD, s22;
	[sflag:s25] =	ssyncset.done $0x0  }
0x62: {  	s22 =	sadd.s32 $0x9D00, s24;
	s23 =	sand.u32 $0xFF, s0;
	[sflag:s25] =	ssyncadd.s32 $0xFFFFF000  }
.LBB2_4:
0x63: {  	s23 =	smul.u32 $0xAB, s23  }
0x64: {  	s13 =	sadd.s32 $0x80, s13;
	s24 =	smov.u32 s16;
	s16 =	sadd.s32 $0x1, s16  }
0x65: {  	[spmem:s2] =	stream.indirect.scatter.add.bf16 [tilespmem:s22], [sflag:s1], $0x20, s17, s21, $0xb8;
	[tilespmem:$0x1AD00] =	vst v63  }
0x66: {  	s1 =	smul.u32 $0xAB, s14;
	s17 =	sshrl.u32 s23, $0xB  }
0x67: {  	p0 =	sne.s32 s16, $0x9D;
	s22 =	smul.u32 $0xC, s17  }
0x68: {  	p1 =	sgt.u32 s14, $0x96;
	s17 =	smov.u32 s13;
	s1 =	sshrl.u32 s1, $0xB  }
0x69: {  	p2 =	slt.u32 @!p1 s14, $0x6;
	s1 =	sand.u32 $0x1F, s1;
	s0 =	ssub.s32 s0, s22  }
0x6a: {  	p2 =	por p2, p1;
	s1 =	smul.u32 $0xC, s1;
	s0 =	sand.u32 $0xFF, s0  }
0x6b: {  	s22 =	sadd.s32 @!p2 $0xD, s0  }
0x6c: {  	s23 =	sshll.u32 @!p1 s0, $0xC;
	s0 =	sadd.s32 @!p1 $0x1, s0;
	s1 =	ssub.s32 s14, s1  }
0x6d: {  	s14 =	smov.u32 s24;
	_ =	swait.ge @!p2 [sflag:s22], $0x1000;
	s1 =	sand.u32 $0xFF, s1  }
0x6e: {  	s24 =	simm.s32 @!p1 $0x80;
	[sflag:s22] =	ssyncset.done @!p2 $0x0;
	s25 =	sadd.s32 $0x1, s1  }
.Ltmp1:
0x6f: {  	[sflag:s22] =	ssyncadd.s32 @!p2 $0xFFFFF000;
	s22 =	sadd.s32 @!p1 $0x9D00, s23;
	(pc) =	sbr.rel @p0 .LBB2_4-.Ltmp1, $4  }
0x70: {  	[tilespmem:s22], [sflag:s0] =	stream.indirect.gather @!p1 [hbm4b:s11+s24], $0x20, s15, s24, $0xb8;
	[tilespmem:$0x1AD00] =	vst v63  }
0x71: {  	s22 =	sshll.u32 s1, $0xC;
	s15 =	sadd.s32 $0x80, s15;
	_ =	swait.ge [sflag:s25], $0x1000  }
0x72: {  	s0 =	sadd.s32 $0x6, s14;
	s1 =	sadd.s32 $0xD, s1;
	[sflag:s25] =	ssyncset.done $0x0  }
0x73: {  	s23 =	sand.u32 $0xFF, s0;
	s22 =	sadd.s32 $0x9D00, s22;
	[sflag:s25] =	ssyncadd.s32 $0xFFFFF000  }
0x74: {  	s16 =	smul.u32 $0xAB, s23  }
0x75: {  	[spmem:s2] =	stream.indirect.scatter.add.bf16 [tilespmem:s22], [sflag:s1], $0x20, s17, s21, $0xb8;
	[tilespmem:$0x1AD00] =	vst v63  }
0x76: {  	s16 =	sshrl.u32 s16, $0xB  }
0x77: {  	s1 =	smul.u32 $0xC, s16  }
0x78: {  	s17 =	smul.u32 $0xAB, s14;
	p0 =	sgt.u32 s14, $0x96  }
0x79: {  	p1 =	slt.u32 @!p0 s14, $0x6;
	s0 =	ssub.s32 s0, s1  }
0x7a: {  	s22 =	sshrl.u32 s17, $0xB;
	p1 =	por p1, p0;
	s0 =	sand.u32 $0xFF, s0  }
0x7b: {  	s1 =	sand.u32 $0x1F, s22;
	s16 =	sadd.s32 @!p1 $0xD, s0  }
0x7c: {  	s1 =	smul.u32 $0xC, s1;
	s17 =	sshll.u32 @!p0 s0, $0xC;
	_ =	swait.ge @!p1 [sflag:s16], $0x1000  }
0x7d: {  	s0 =	sadd.s32 @!p0 $0x1, s0;
	s17 =	sadd.s32 @!p0 $0x9D00, s17;
	[sflag:s16] =	ssyncset.done @!p1 $0x0  }
0x7e: {  	s23 =	ssub.s32 s14, s1;
	[sflag:s16] =	ssyncadd.s32 @!p1 $0xFFFFF000;
	s16 =	simm.s32 @!p0 $0x80  }
0x7f: {  	[tilespmem:s17], [sflag:s0] =	stream.indirect.gather @!p0 [hbm4b:s11+s16], $0x20, s15, s16, $0xb8;
	[tilespmem:$0x1AD00] =	vst v63  }
0x80: {  	s0 =	sand.u32 $0xFF, s23  }
0x81: {  	s24 =	sadd.s32 $0x1, s0  }
0x82: {  	_ =	swait.ge [sflag:s24], $0x1000  }
0x83: {  	s13 =	sadd.s32 $0x80, s13;
	s25 =	sshll.u32 s0, $0xC;
	[sflag:s24] =	ssyncset.done $0x0  }
0x84: {  	s0 =	sadd.s32 $0xD, s0;
	s1 =	sadd.s32 $0x9D00, s25;
	[sflag:s24] =	ssyncadd.s32 $0xFFFFF000  }
0x85: {  	[spmem:s2] =	stream.indirect.scatter.add.bf16 [tilespmem:s1], [sflag:s0], $0x20, s13, s21, $0xb8;
	[tilespmem:$0x1AD00] =	vst v63  }
0x86: {  	_ =	swait.ge [sflag:s20], $0x1000  }
0x87: {  	[sflag:s20] =	ssyncset.done $0x0  }
0x88: {  	s13 =	simm.s32 $0xE;
	[sflag:s20] =	ssyncadd.s32 $0xFFFFF000  }
0x89: {  	_ =	swait.ge [sflag:s13], $0x1000  }
0x8a: {  	[sflag:s13] =	ssyncset.done $0x0  }
0x8b: {  	s14 =	simm.s32 $0xF;
	[sflag:s13] =	ssyncadd.s32 $0xFFFFF000  }
0x8c: {  	_ =	swait.ge [sflag:s14], $0x1000  }
0x8d: {  	[sflag:s14] =	ssyncset.done $0x0  }
0x8e: {  	s15 =	simm.s32 $0x10;
	[sflag:s14] =	ssyncadd.s32 $0xFFFFF000  }
0x8f: {  	_ =	swait.ge [sflag:s15], $0x1000  }
0x90: {  	[sflag:s15] =	ssyncset.done $0x0  }
0x91: {  	s16 =	simm.s32 $0x11;
	[sflag:s15] =	ssyncadd.s32 $0xFFFFF000  }
0x92: {  	_ =	swait.ge [sflag:s16], $0x1000  }
0x93: {  	[sflag:s16] =	ssyncset.done $0x0  }
0x94: {  	s17 =	simm.s32 $0x12;
	[sflag:s16] =	ssyncadd.s32 $0xFFFFF000  }
0x95: {  	_ =	swait.ge [sflag:s17], $0x1000  }
0x96: {  	[sflag:s17] =	ssyncset.done $0x0  }
0x97: {  	s22 =	simm.s32 $0x13;
	[sflag:s17] =	ssyncadd.s32 $0xFFFFF000  }
0x98: {  	_ =	swait.ge [sflag:s22], $0x1000  }
0x99: {  	[sflag:s22] =	ssyncset.done $0x0  }
0x9a: {  	[sflag:s22] =	ssyncadd.s32 $0xFFFFF000  }
0x9b: {  	_ =	swait.ge [sflag:s26], $0x1000  }
0x9c: {  	[sflag:s26] =	ssyncset.done $0x0  }
0x9d: {  	[sflag:s26] =	ssyncadd.s32 $0xFFFFF000  }
0x9e: {  	_ =	swait.ge [sflag:s28], $0x1000  }
0x9f: {  	[sflag:s28] =	ssyncset.done $0x0  }
0xa0: {  	[sflag:s28] =	ssyncadd.s32 $0xFFFFF000  }
0xa1: {  	_ =	swait.ge [sflag:s29], $0x1000  }
0xa2: {  	[sflag:s29] =	ssyncset.done $0x0  }
0xa3: {  	[sflag:s29] =	ssyncadd.s32 $0xFFFFF000  }
0xa4: {  	_ =	swait.ge [sflag:s30], $0x1000  }
0xa5: {  	[sflag:s30] =	ssyncset.done $0x0  }
0xa6: {  	[sflag:s30] =	ssyncadd.s32 $0xFFFFF000  }
0xa7: {  	_ =	swait.ge [sflag:s31], $0x1000  }
0xa8: {  	[sflag:s31] =	ssyncset.done $0x0  }
0xa9: {  	s23 =	stileid.u32;
	[sflag:s31] =	ssyncadd.s32 $0xFFFFF000  }
0xaa: {  	s0 =	sshll.u32 s23, $0x6;
	[bflag:$0x0] =	sbarrier.arrive $0xFFFF  }
0xab: {  	s24 =	sshrl.u32 s4, $0x3;
	s0 =	sor.u32 $0x1C19, s0;
	s25 =	rddreg [dreg:$0x6]  }
0xac: {  	[hbm:s25@s10], [sflag:s0] =	dma.strided [spmem:s24@s12], $0x200, s9, $0x4   }
0xad: {  	_ =	swait.ge [sflag:s19], $0x200  }
0xae: {  	[sflag:s19] =	ssyncset.done $0x0  }
0xaf: {  	s13 =	sshrl.u32 s5, $0x3;
	s14 =	rddreg [dreg:$0x7];
	[sflag:s19] =	ssyncadd.s32 $0xFFFFFE00  }
0xb0: {  	[hbm:s14@s10], [sflag:s0] =	dma.strided [spmem:s13@s12], $0x200, s9, $0x4   }
0xb1: {  	_ =	swait.ge [sflag:s19], $0x200  }
0xb2: {  	[sflag:s19] =	ssyncset.done $0x0  }
0xb3: {  	s15 =	sshrl.u32 s6, $0x3;
	s16 =	rddreg [dreg:$0x8];
	[sflag:s19] =	ssyncadd.s32 $0xFFFFFE00  }
0xb4: {  	[hbm:s16@s10], [sflag:s0] =	dma.strided [spmem:s15@s12], $0x200, s9, $0x4   }
0xb5: {  	_ =	swait.ge [sflag:s19], $0x200  }
0xb6: {  	[sflag:s19] =	ssyncset.done $0x0  }
0xb7: {  	s17 =	sshrl.u32 s7, $0x3;
	s22 =	rddreg [dreg:$0x9];
	[sflag:s19] =	ssyncadd.s32 $0xFFFFFE00  }
0xb8: {  	[hbm:s22@s10], [sflag:s0] =	dma.strided [spmem:s17@s12], $0x200, s9, $0x4   }
0xb9: {  	_ =	swait.ge [sflag:s19], $0x200  }
0xba: {  	[sflag:s19] =	ssyncset.done $0x0  }
0xbb: {  	s23 =	sshrl.u32 s8, $0x3;
	s24 =	rddreg [dreg:$0xa];
	[sflag:s19] =	ssyncadd.s32 $0xFFFFFE00  }
0xbc: {  	[hbm:s24@s10], [sflag:s0] =	dma.strided [spmem:s23@s12], $0x200, s9, $0x4   }
0xbd: {  	_ =	swait.ge [sflag:s19], $0x200  }
0xbe: {  	s3 =	sadd.s32 $0x1, s3;
	s25 =	rddreg [dreg:$0xb]  }
0xbf: {  	p0 =	sne.s32 s3, s25  }
.Ltmp2:
0xc0: {  	_ = 	snop;
	(pc) =	sbr.rel @p0 .LBB2_1-.Ltmp2, $3  }
0xc1: {  	_ =	sdelay $0x1  }
0xc2: {  	[sflag:s19] =	ssyncset.done $0x0  }
0xc3: {  	[sflag:s19] =	ssyncadd.s32 $0xFFFFFE00  }
0xc4: {  	_ =	sfence.sel $0x180000  }
0xc5: {  	[bflag:$0x0] =	sbarrier.arrive $0xFFFF  }
0xc6: {  	_ =	strace $0x9000004A  }
0xc7: {  	s0 =	stileid.u32;
	[bflag:$0x2] =	sbarrier.arrive $0xFFFF  }
0xc8: {  	p0 =	sne.s32 s0, $0x0;
	s0 =	rddreg [dreg:$0x3]  }
0xc9: {  	s0 =	sadd.s32 @!p0 $0x100000, s0  }
0xca: {  	[sflag:s0] =	ssyncadd.tile.s32 @!p0 $0x1;
	_ =	shalt  }
.Lfunc_end2:
_tile_overlayer_lowered:
.L_overlay_start_2:
0xcb: {  	(tag) =	ssettag $0x2  }
0xcc: {  	s0 =	rddreg [dreg:$0x0];
	s2 =	stileid.u32  }
0xcd: {  	s1 =	rddreg [dreg:$0x1];
	p0 =	sne.s32 s2, $0x0  }
0xce: {  	s3 =	rddreg [dreg:$0x2];
	[bflag:$0x3] =	sbarrier.arrive $0xFFFF;
	s2 =	simm.s32 @!p0 $0x1C19  }
0xcf: {  	[timem:s3], [sflag:s2] =	dma.local @!p0 [hbm:s0], s1  }
0xd0: {  	s0 =	simm.s32 @!p0 $0x19  }
0xd1: {  	_ =	swait.ge @!p0 [sflag:s0], s1  }
0xd2: {  	s1 =	ssub.s32 @!p0 $0x0, s1;
	[sflag:s0] =	ssyncset.done @!p0 $0x0  }
0xd3: {  	[sflag:s0] =	ssyncadd.s32 @!p0 s1  }
0xd4: {  	[bflag:$0x3] =	sbarrier.arrive $0xFFFF  }
0xd5: {  	_ =	shalt  }

</sc_bundles>
